<compile_context>
chip_gen: v7x
topology: tpu7x:2x2x1
jax: 0.10.2.dev20260603
libtpu: 0.0.44.dev20260713+nightly
codegen_flags: <defaults>
</compile_context>

<pallas_src>
import jax
import jax.numpy as jnp
from jax import lax
from jax.experimental import pallas as pl
from jax.experimental.pallas import tpu as pltpu
from jax.experimental.pallas import tpu_sc as plsc

NUM_CORES = 2
NUM_SUBCORES = 16
NW = NUM_CORES * NUM_SUBCORES
L = 16
BATCH = 16384
EMB = 64
BPW = BATCH // NW
NIDX = 4
IDXW = BPW // NIDX
CHUNKS = BPW // L
KREG = EMB // L


def _sig(x):
    return 1.0 / (1.0 + jnp.exp(-x))


def _mf_body(fld_hbm, user_emb, user_bias, item_emb, item_bias,
             mean_hbm, svar_hbm, out_hbm,
             fld_v, idx_u, idx_v, u_rows, i_rows, bu, bi, mean_v, sv_v,
             out_v, sem):
    wid = lax.axis_index("s") * NUM_CORES + lax.axis_index("c")

    pltpu.sync_copy(fld_hbm.at[pl.ds(wid * (2 * BPW), 2 * BPW)], fld_v)
    pltpu.sync_copy(mean_hbm, mean_v)
    pltpu.sync_copy(svar_hbm, sv_v)

    lanes = lax.iota(jnp.int32, L)
    zeros16 = jnp.zeros((L,), jnp.int32)
    mask15 = lanes == (L - 1)
    cols = [lanes + (k * L) for k in range(KREG)]

    for g in range(BPW // L):
        even = 2 * (lanes + g * L)
        idx_u[g // 8, pl.ds((g % 8) * L, L)] = plsc.load_gather(fld_v, [even])
        idx_v[g // 8, pl.ds((g % 8) * L, L)] = plsc.load_gather(fld_v, [even + 1])

    plsc.subcore_barrier()

    copies = []
    for j in range(NIDX):
        sl = pl.ds(j * IDXW, IDXW)
        copies.append(pltpu.async_copy(user_emb.at[idx_u.at[j]], u_rows.at[sl], sem))
        copies.append(pltpu.async_copy(item_emb.at[idx_v.at[j]], i_rows.at[sl], sem))
        copies.append(pltpu.async_copy(user_bias.at[idx_u.at[j]], bu.at[sl], sem))
        copies.append(pltpu.async_copy(item_bias.at[idx_v.at[j]], bi.at[sl], sem))
    for c in copies:
        c.wait()

    s_regs = []
    for k in range(KREG):
        sv0 = sv_v[0, pl.ds(k * L, L)]
        sv1 = sv_v[1, pl.ds(k * L, L)]
        s_regs.append(_sig(sv0 * 15.0) * _sig(sv1 * 15.0))
    mean16 = mean_v[pl.ds(0, L)]

    def chunk_body(g, carry):
        cbase = g * L
        dotv = jnp.zeros((L,), jnp.float32)
        for jj in range(L):
            b_vec = jnp.full((L,), cbase + jj, jnp.int32)
            p = jnp.zeros((L,), jnp.float32)
            for k in range(KREG):
                uk = plsc.load_gather(u_rows, [b_vec, cols[k]])
                ik = plsc.load_gather(i_rows, [b_vec, cols[k]])
                p = p + (uk * ik) * s_regs[k]
            dotv = jnp.where(lanes == jj, jnp.sum(p), dotv)
        bu16 = bu[pl.ds(cbase, L)]
        bi16 = bi[pl.ds(cbase, L)]
        out_v[pl.ds(cbase, L)] = _sig(dotv + bu16 + bi16 + mean16)
        return carry

    lax.fori_loop(0, CHUNKS, chunk_body, 0)

    pltpu.sync_copy(out_v, out_hbm.at[pl.ds(wid * BPW, BPW)])


_MESH = plsc.VectorSubcoreMesh(
    core_axis_name="c", subcore_axis_name="s",
    num_cores=NUM_CORES, num_subcores=NUM_SUBCORES)

_MF = pl.kernel(
    _mf_body,
    out_type=jax.ShapeDtypeStruct((BATCH,), jnp.float32),
    mesh=_MESH,
    compiler_params=pltpu.CompilerParams(
        needs_layout_passes=False, use_tc_tiling_on_sc=False),
    scratch_types=[
        pltpu.VMEM((2 * BPW,), jnp.int32),
        pltpu.VMEM((NIDX, IDXW), jnp.int32),
        pltpu.VMEM((NIDX, IDXW), jnp.int32),
        pltpu.VMEM((BPW, EMB), jnp.float32),
        pltpu.VMEM((BPW, EMB), jnp.float32),
        pltpu.VMEM((BPW,), jnp.float32),
        pltpu.VMEM((BPW,), jnp.float32),
        pltpu.VMEM((L,), jnp.float32),
        pltpu.VMEM((2, EMB), jnp.float32),
        pltpu.VMEM((BPW,), jnp.float32),
        pltpu.SemaphoreType.DMA,
    ],
)


def kernel(fields, user_emb, user_bias, item_emb, item_bias, mean, sparse_var):
    fld = fields.reshape(-1)
    ub1 = user_bias.reshape(-1)
    ib1 = item_bias.reshape(-1)
    mean_vec = jnp.broadcast_to(mean, (L,))
    out = _MF(fld, user_emb, ub1, item_emb, ib1, mean_vec, sparse_var)
    dist = jnp.zeros((1,), dtype=jnp.float32)
    return (out, dist)

# --- scband reference (transcript-rebuilt; emitter-appended) ---
"""Pipeline reference for scband-mf-polar-align-24026047054760 (READ-ONLY COPY).

The authoritative reference and input builder live on the scoring server;
editing this copy changes nothing except your own understanding.
"""

import jax, jax.numpy as jnp
import numpy as np

NUM_USERS = 1000000
NUM_ITEMS = 1000000
EMB = 64
BATCH = 16384
MEAN = 3.5


def setup_inputs(seed: int = 0) -> dict:
    key = jax.random.key(seed)
    k1, k2, k3, k4, k5, k6 = jax.random.split(key, 6)
    fields = jax.random.randint(k1, (BATCH, 2), 0, NUM_USERS, dtype=jnp.int64 if jax.config.jax_enable_x64 else jnp.int32).astype(jnp.int32)
    user_emb = jax.random.uniform(k2, (NUM_USERS, EMB), dtype=jnp.float32) * 0.005
    user_bias = jax.random.uniform(k3, (NUM_USERS, 1), dtype=jnp.float32) * 0.02 - 0.01
    item_emb = jax.random.uniform(k4, (NUM_ITEMS, EMB), dtype=jnp.float32) * 0.005
    item_bias = jax.random.uniform(k5, (NUM_ITEMS, 1), dtype=jnp.float32) * 0.02 - 0.01
    mean = jnp.array([MEAN], dtype=jnp.float32)
    sparse_var = jnp.ones((2, EMB), dtype=jnp.float32)
    return {"fields": fields, "user_emb": user_emb, "user_bias": user_bias, "item_emb": item_emb, "item_bias": item_bias, "mean": mean, "sparse_var": sparse_var}


def reference(fields, user_emb, user_bias, item_emb, item_bias, mean, sparse_var):
    sparse_vec = jax.nn.sigmoid(sparse_var * 15.0)
    u_id = fields[:, 0]
    i_id = fields[:, 1]
    U = jnp.take(user_emb, u_id, axis=0) * sparse_vec[0]
    b_u = jnp.take(user_bias, u_id, axis=0).squeeze(-1)
    I = jnp.take(item_emb, i_id, axis=0) * sparse_vec[1]
    b_i = jnp.take(item_bias, i_id, axis=0).squeeze(-1)
    out = jax.nn.sigmoid(jnp.sum(U * I, axis=1) + b_u + b_i + mean[0])
    dist = jnp.zeros((1,), dtype=jnp.float32)
    return (out, dist)

if __name__ == "__main__":
    import jax
    _d = setup_inputs()
    print(jax.jit(kernel)(*tuple(_d.values())))

</pallas_src>

<mosaic_0001>
#map = affine_map<(d0, d1) -> (0)>
#map1 = affine_map<(d0, d1) -> (0, 0)>
module attributes {stable_mosaic.version = 14 : i64} {
  func.func @_mf_body(%arg0: i32, %arg1: i32, %arg2: memref<32768xi32, #tpu.memory_space<hbm>>, %arg3: memref<1000000x64xf32, #tpu.memory_space<hbm>>, %arg4: memref<1000000xf32, #tpu.memory_space<hbm>>, %arg5: memref<1000000x64xf32, #tpu.memory_space<hbm>>, %arg6: memref<1000000xf32, #tpu.memory_space<hbm>>, %arg7: memref<16xf32, #tpu.memory_space<hbm>>, %arg8: memref<2x64xf32, #tpu.memory_space<hbm>>, %arg9: memref<16384xf32, #tpu.memory_space<hbm>>, %arg10: memref<1024xi32, #tpu.memory_space<vmem>>, %arg11: memref<4x128xi32, #tpu.memory_space<vmem>>, %arg12: memref<4x128xi32, #tpu.memory_space<vmem>>, %arg13: memref<512x64xf32, #tpu.memory_space<vmem>>, %arg14: memref<512x64xf32, #tpu.memory_space<vmem>>, %arg15: memref<512xf32, #tpu.memory_space<vmem>>, %arg16: memref<512xf32, #tpu.memory_space<vmem>>, %arg17: memref<16xf32, #tpu.memory_space<vmem>>, %arg18: memref<2x64xf32, #tpu.memory_space<vmem>>, %arg19: memref<512xf32, #tpu.memory_space<vmem>>, %arg20: memref<!tpu.dma_semaphore, #tpu.memory_space<semaphore_mem>>) attributes {dimension_semantics = [#tpu.dimension_semantics<core_parallel>, #tpu.dimension_semantics<subcore_parallel>], iteration_bounds = array<i64: 2, 16>, scalar_prefetch = 0 : i64, scratch_operands = 11 : i64, tpu.core_type = #tpu.core_type<sc_vector_subcore>, window_params = [{transform_indices = #map}, {transform_indices = #map1}, {transform_indices = #map}, {transform_indices = #map1}, {transform_indices = #map}, {transform_indices = #map}, {transform_indices = #map1}, {transform_indices = #map}]} {
    %mul3A = arith.constant 2 : i32
    %mul3A_0 = arith.muli %arg1, %mul3A : i32
    %add3A = arith.addi %mul3A_0, %arg0 : i32
    %mul3A_1 = arith.constant 1024 : i32
    %mul3A_2 = arith.muli %add3A, %mul3A_1 : i32
    "tpu.region"() ({
      %run_scoped3A = tpu.sem_alloc : memref<!tpu.dma_semaphore, #tpu.memory_space<semaphore_mem>>
      %dma_start3A_1055 = tpu.memref_slice %arg2[%mul3A_2] : memref<32768xi32, #tpu.memory_space<hbm>> -> memref<1024xi32, #tpu.memory_space<hbm>>
      %dma_start3A_1056 = tpu.memref_slice %arg2[%mul3A_2] : memref<32768xi32, #tpu.memory_space<hbm>> -> memref<1024xi32, #tpu.memory_space<hbm>>
      tpu.enqueue_dma source(%dma_start3A_1056 : memref<1024xi32, #tpu.memory_space<hbm>>) target(%arg10 : memref<1024xi32, #tpu.memory_space<vmem>>) target_semaphore(%run_scoped3A : memref<!tpu.dma_semaphore, #tpu.memory_space<semaphore_mem>>)
      %dma_wait3A_1057 = tpu.memref_slice %arg2[%mul3A_2] : memref<32768xi32, #tpu.memory_space<hbm>> -> memref<1024xi32, #tpu.memory_space<hbm>>
      %dma_wait3A_1058 = tpu.memref_slice %arg2[%mul3A_2] : memref<32768xi32, #tpu.memory_space<hbm>> -> memref<1024xi32, #tpu.memory_space<hbm>>
      tpu.wait_dma2 semaphore(%run_scoped3A : memref<!tpu.dma_semaphore, #tpu.memory_space<semaphore_mem>>) src(%dma_wait3A_1058 : memref<1024xi32, #tpu.memory_space<hbm>>) dst(%arg10 : memref<1024xi32, #tpu.memory_space<vmem>>)
      tpu.yield
    }) : () -> ()
    "tpu.region"() ({
      %run_scoped3A = tpu.sem_alloc : memref<!tpu.dma_semaphore, #tpu.memory_space<semaphore_mem>>
      tpu.enqueue_dma source(%arg7 : memref<16xf32, #tpu.memory_space<hbm>>) target(%arg17 : memref<16xf32, #tpu.memory_space<vmem>>) target_semaphore(%run_scoped3A : memref<!tpu.dma_semaphore, #tpu.memory_space<semaphore_mem>>)
      tpu.wait_dma2 semaphore(%run_scoped3A : memref<!tpu.dma_semaphore, #tpu.memory_space<semaphore_mem>>) src(%arg7 : memref<16xf32, #tpu.memory_space<hbm>>) dst(%arg17 : memref<16xf32, #tpu.memory_space<vmem>>)
      tpu.yield
    }) : () -> ()
    "tpu.region"() ({
      %run_scoped3A = tpu.sem_alloc : memref<!tpu.dma_semaphore, #tpu.memory_space<semaphore_mem>>
      tpu.enqueue_dma source(%arg8 : memref<2x64xf32, #tpu.memory_space<hbm>>) target(%arg18 : memref<2x64xf32, #tpu.memory_space<vmem>>) target_semaphore(%run_scoped3A : memref<!tpu.dma_semaphore, #tpu.memory_space<semaphore_mem>>)
      tpu.wait_dma2 semaphore(%run_scoped3A : memref<!tpu.dma_semaphore, #tpu.memory_space<semaphore_mem>>) src(%arg8 : memref<2x64xf32, #tpu.memory_space<hbm>>) dst(%arg18 : memref<2x64xf32, #tpu.memory_space<vmem>>)
      tpu.yield
    }) : () -> ()
    %iota3A = tpu.iota {dimensions = array<i32: 0>} : vector<16xi32>
    %broadcast_in_dim3A = arith.constant 0 : i32
    %broadcast_in_dim3A_3 = vector.broadcast %broadcast_in_dim3A : i32 to vector<16xi32>
    %eq3A = arith.constant 15 : i32
    %eq3A_4 = vector.broadcast %eq3A : i32 to vector<16xi32>
    %eq3A_5 = arith.cmpi eq, %iota3A, %eq3A_4 : vector<16xi32>
    %add3A_6 = arith.constant 0 : i32
    %add3A_7 = vector.broadcast %add3A_6 : i32 to vector<16xi32>
    %add3A_8 = arith.addi %iota3A, %add3A_7 : vector<16xi32>
    %add3A_9 = arith.constant 16 : i32
    %add3A_10 = vector.broadcast %add3A_9 : i32 to vector<16xi32>
    %add3A_11 = arith.addi %iota3A, %add3A_10 : vector<16xi32>
    %add3A_12 = arith.constant 32 : i32
    %add3A_13 = vector.broadcast %add3A_12 : i32 to vector<16xi32>
    %add3A_14 = arith.addi %iota3A, %add3A_13 : vector<16xi32>
    %add3A_15 = arith.constant 48 : i32
    %add3A_16 = vector.broadcast %add3A_15 : i32 to vector<16xi32>
    %add3A_17 = arith.addi %iota3A, %add3A_16 : vector<16xi32>
    %add3A_18 = arith.constant 0 : i32
    %add3A_19 = vector.broadcast %add3A_18 : i32 to vector<16xi32>
    %add3A_20 = arith.addi %iota3A, %add3A_19 : vector<16xi32>
    %mul3A_21 = arith.constant 2 : i32
    %mul3A_22 = vector.broadcast %mul3A_21 : i32 to vector<16xi32>
    %mul3A_23 = arith.muli %mul3A_22, %add3A_20 : vector<16xi32>
    %gather3A = tpu.vector_load_idx %arg10[%mul3A_23] : memref<1024xi32, #tpu.memory_space<vmem>>[vector<16xi32>], vector<16xi32>,
    %swap3A = arith.constant 0 : i32
    %swap3A_24 = arith.index_cast %swap3A : i32 to index
    %swap3A_25 = arith.constant 0 : index
    %swap3A_26 = tpu.vector_load %arg11[%swap3A_24, %swap3A_25] {strides = array<i32>} : memref<4x128xi32, #tpu.memory_space<vmem>>, vector<16xi32>,
    tpu.vector_store %arg11[%swap3A_24, %swap3A_25], %gather3A {strides = array<i32>} : memref<4x128xi32, #tpu.memory_space<vmem>>, vector<16xi32>,
    %add3A_27 = arith.constant 1 : i32
    %add3A_28 = vector.broadcast %add3A_27 : i32 to vector<16xi32>
    %add3A_29 = arith.addi %mul3A_23, %add3A_28 : vector<16xi32>
    %gather3A_30 = tpu.vector_load_idx %arg10[%add3A_29] : memref<1024xi32, #tpu.memory_space<vmem>>[vector<16xi32>], vector<16xi32>,
    %swap3A_31 = arith.constant 0 : i32
    %swap3A_32 = arith.index_cast %swap3A_31 : i32 to index
    %swap3A_33 = arith.constant 0 : index
    %swap3A_34 = tpu.vector_load %arg12[%swap3A_32, %swap3A_33] {strides = array<i32>} : memref<4x128xi32, #tpu.memory_space<vmem>>, vector<16xi32>,
    tpu.vector_store %arg12[%swap3A_32, %swap3A_33], %gather3A_30 {strides = array<i32>} : memref<4x128xi32, #tpu.memory_space<vmem>>, vector<16xi32>,
    %add3A_35 = arith.constant 16 : i32
    %add3A_36 = vector.broadcast %add3A_35 : i32 to vector<16xi32>
    %add3A_37 = arith.addi %iota3A, %add3A_36 : vector<16xi32>
    %mul3A_38 = arith.constant 2 : i32
    %mul3A_39 = vector.broadcast %mul3A_38 : i32 to vector<16xi32>
    %mul3A_40 = arith.muli %mul3A_39, %add3A_37 : vector<16xi32>
    %gather3A_41 = tpu.vector_load_idx %arg10[%mul3A_40] : memref<1024xi32, #tpu.memory_space<vmem>>[vector<16xi32>], vector<16xi32>,
    %swap3A_42 = arith.constant 0 : i32
    %swap3A_43 = arith.index_cast %swap3A_42 : i32 to index
    %swap3A_44 = arith.constant 16 : index
    %swap3A_45 = tpu.vector_load %arg11[%swap3A_43, %swap3A_44] {strides = array<i32>} : memref<4x128xi32, #tpu.memory_space<vmem>>, vector<16xi32>,
    tpu.vector_store %arg11[%swap3A_43, %swap3A_44], %gather3A_41 {strides = array<i32>} : memref<4x128xi32, #tpu.memory_space<vmem>>, vector<16xi32>,
    %add3A_46 = arith.constant 1 : i32
    %add3A_47 = vector.broadcast %add3A_46 : i32 to vector<16xi32>
    %add3A_48 = arith.addi %mul3A_40, %add3A_47 : vector<16xi32>
    %gather3A_49 = tpu.vector_load_idx %arg10[%add3A_48] : memref<1024xi32, #tpu.memory_space<vmem>>[vector<16xi32>], vector<16xi32>,
    %swap3A_50 = arith.constant 0 : i32
    %swap3A_51 = arith.index_cast %swap3A_50 : i32 to index
    %swap3A_52 = arith.constant 16 : index
    %swap3A_53 = tpu.vector_load %arg12[%swap3A_51, %swap3A_52] {strides = array<i32>} : memref<4x128xi32, #tpu.memory_space<vmem>>, vector<16xi32>,
    tpu.vector_store %arg12[%swap3A_51, %swap3A_52], %gather3A_49 {strides = array<i32>} : memref<4x128xi32, #tpu.memory_space<vmem>>, vector<16xi32>,
    %add3A_54 = arith.constant 32 : i32
    %add3A_55 = vector.broadcast %add3A_54 : i32 to vector<16xi32>
    %add3A_56 = arith.addi %iota3A, %add3A_55 : vector<16xi32>
    %mul3A_57 = arith.constant 2 : i32
    %mul3A_58 = vector.broadcast %mul3A_57 : i32 to vector<16xi32>
    %mul3A_59 = arith.muli %mul3A_58, %add3A_56 : vector<16xi32>
    %gather3A_60 = tpu.vector_load_idx %arg10[%mul3A_59] : memref<1024xi32, #tpu.memory_space<vmem>>[vector<16xi32>], vector<16xi32>,
    %swap3A_61 = arith.constant 0 : i32
    %swap3A_62 = arith.index_cast %swap3A_61 : i32 to index
    %swap3A_63 = arith.constant 32 : index
    %swap3A_64 = tpu.vector_load %arg11[%swap3A_62, %swap3A_63] {strides = array<i32>} : memref<4x128xi32, #tpu.memory_space<vmem>>, vector<16xi32>,
    tpu.vector_store %arg11[%swap3A_62, %swap3A_63], %gather3A_60 {strides = array<i32>} : memref<4x128xi32, #tpu.memory_space<vmem>>, vector<16xi32>,
    %add3A_65 = arith.constant 1 : i32
    %add3A_66 = vector.broadcast %add3A_65 : i32 to vector<16xi32>
    %add3A_67 = arith.addi %mul3A_59, %add3A_66 : vector<16xi32>
    %gather3A_68 = tpu.vector_load_idx %arg10[%add3A_67] : memref<1024xi32, #tpu.memory_space<vmem>>[vector<16xi32>], vector<16xi32>,
    %swap3A_69 = arith.constant 0 : i32
    %swap3A_70 = arith.index_cast %swap3A_69 : i32 to index
    %swap3A_71 = arith.constant 32 : index
    %swap3A_72 = tpu.vector_load %arg12[%swap3A_70, %swap3A_71] {strides = array<i32>} : memref<4x128xi32, #tpu.memory_space<vmem>>, vector<16xi32>,
    tpu.vector_store %arg12[%swap3A_70, %swap3A_71], %gather3A_68 {strides = array<i32>} : memref<4x128xi32, #tpu.memory_space<vmem>>, vector<16xi32>,
    %add3A_73 = arith.constant 48 : i32
    %add3A_74 = vector.broadcast %add3A_73 : i32 to vector<16xi32>
    %add3A_75 = arith.addi %iota3A, %add3A_74 : vector<16xi32>
    %mul3A_76 = arith.constant 2 : i32
    %mul3A_77 = vector.broadcast %mul3A_76 : i32 to vector<16xi32>
    %mul3A_78 = arith.muli %mul3A_77, %add3A_75 : vector<16xi32>
    %gather3A_79 = tpu.vector_load_idx %arg10[%mul3A_78] : memref<1024xi32, #tpu.memory_space<vmem>>[vector<16xi32>], vector<16xi32>,
    %swap3A_80 = arith.constant 0 : i32
    %swap3A_81 = arith.index_cast %swap3A_80 : i32 to index
    %swap3A_82 = arith.constant 48 : index
    %swap3A_83 = tpu.vector_load %arg11[%swap3A_81, %swap3A_82] {strides = array<i32>} : memref<4x128xi32, #tpu.memory_space<vmem>>, vector<16xi32>,
    tpu.vector_store %arg11[%swap3A_81, %swap3A_82], %gather3A_79 {strides = array<i32>} : memref<4x128xi32, #tpu.memory_space<vmem>>, vector<16xi32>,
    %add3A_84 = arith.constant 1 : i32
    %add3A_85 = vector.broadcast %add3A_84 : i32 to vector<16xi32>
    %add3A_86 = arith.addi %mul3A_78, %add3A_85 : vector<16xi32>
    %gather3A_87 = tpu.vector_load_idx %arg10[%add3A_86] : memref<1024xi32, #tpu.memory_space<vmem>>[vector<16xi32>], vector<16xi32>,
    %swap3A_88 = arith.constant 0 : i32
    %swap3A_89 = arith.index_cast %swap3A_88 : i32 to index
    %swap3A_90 = arith.constant 48 : index
    %swap3A_91 = tpu.vector_load %arg12[%swap3A_89, %swap3A_90] {strides = array<i32>} : memref<4x128xi32, #tpu.memory_space<vmem>>, vector<16xi32>,
    tpu.vector_store %arg12[%swap3A_89, %swap3A_90], %gather3A_87 {strides = array<i32>} : memref<4x128xi32, #tpu.memory_space<vmem>>, vector<16xi32>,
    %add3A_92 = arith.constant 64 : i32
    %add3A_93 = vector.broadcast %add3A_92 : i32 to vector<16xi32>
    %add3A_94 = arith.addi %iota3A, %add3A_93 : vector<16xi32>
    %mul3A_95 = arith.constant 2 : i32
    %mul3A_96 = vector.broadcast %mul3A_95 : i32 to vector<16xi32>
    %mul3A_97 = arith.muli %mul3A_96, %add3A_94 : vector<16xi32>
    %gather3A_98 = tpu.vector_load_idx %arg10[%mul3A_97] : memref<1024xi32, #tpu.memory_space<vmem>>[vector<16xi32>], vector<16xi32>,
    %swap3A_99 = arith.constant 0 : i32
    %swap3A_100 = arith.index_cast %swap3A_99 : i32 to index
    %swap3A_101 = arith.constant 64 : index
    %swap3A_102 = tpu.vector_load %arg11[%swap3A_100, %swap3A_101] {strides = array<i32>} : memref<4x128xi32, #tpu.memory_space<vmem>>, vector<16xi32>,
    tpu.vector_store %arg11[%swap3A_100, %swap3A_101], %gather3A_98 {strides = array<i32>} : memref<4x128xi32, #tpu.memory_space<vmem>>, vector<16xi32>,
    %add3A_103 = arith.constant 1 : i32
    %add3A_104 = vector.broadcast %add3A_103 : i32 to vector<16xi32>
    %add3A_105 = arith.addi %mul3A_97, %add3A_104 : vector<16xi32>
    %gather3A_106 = tpu.vector_load_idx %arg10[%add3A_105] : memref<1024xi32, #tpu.memory_space<vmem>>[vector<16xi32>], vector<16xi32>,
    %swap3A_107 = arith.constant 0 : i32
    %swap3A_108 = arith.index_cast %swap3A_107 : i32 to index
    %swap3A_109 = arith.constant 64 : index
    %swap3A_110 = tpu.vector_load %arg12[%swap3A_108, %swap3A_109] {strides = array<i32>} : memref<4x128xi32, #tpu.memory_space<vmem>>, vector<16xi32>,
    tpu.vector_store %arg12[%swap3A_108, %swap3A_109], %gather3A_106 {strides = array<i32>} : memref<4x128xi32, #tpu.memory_space<vmem>>, vector<16xi32>,
    %add3A_111 = arith.constant 80 : i32
    %add3A_112 = vector.broadcast %add3A_111 : i32 to vector<16xi32>
    %add3A_113 = arith.addi %iota3A, %add3A_112 : vector<16xi32>
    %mul3A_114 = arith.constant 2 : i32
    %mul3A_115 = vector.broadcast %mul3A_114 : i32 to vector<16xi32>
    %mul3A_116 = arith.muli %mul3A_115, %add3A_113 : vector<16xi32>
    %gather3A_117 = tpu.vector_load_idx %arg10[%mul3A_116] : memref<1024xi32, #tpu.memory_space<vmem>>[vector<16xi32>], vector<16xi32>,
    %swap3A_118 = arith.constant 0 : i32
    %swap3A_119 = arith.index_cast %swap3A_118 : i32 to index
    %swap3A_120 = arith.constant 80 : index
    %swap3A_121 = tpu.vector_load %arg11[%swap3A_119, %swap3A_120] {strides = array<i32>} : memref<4x128xi32, #tpu.memory_space<vmem>>, vector<16xi32>,
    tpu.vector_store %arg11[%swap3A_119, %swap3A_120], %gather3A_117 {strides = array<i32>} : memref<4x128xi32, #tpu.memory_space<vmem>>, vector<16xi32>,
    %add3A_122 = arith.constant 1 : i32
    %add3A_123 = vector.broadcast %add3A_122 : i32 to vector<16xi32>
    %add3A_124 = arith.addi %mul3A_116, %add3A_123 : vector<16xi32>
    %gather3A_125 = tpu.vector_load_idx %arg10[%add3A_124] : memref<1024xi32, #tpu.memory_space<vmem>>[vector<16xi32>], vector<16xi32>,
    %swap3A_126 = arith.constant 0 : i32
    %swap3A_127 = arith.index_cast %swap3A_126 : i32 to index
    %swap3A_128 = arith.constant 80 : index
    %swap3A_129 = tpu.vector_load %arg12[%swap3A_127, %swap3A_128] {strides = array<i32>} : memref<4x128xi32, #tpu.memory_space<vmem>>, vector<16xi32>,
    tpu.vector_store %arg12[%swap3A_127, %swap3A_128], %gather3A_125 {strides = array<i32>} : memref<4x128xi32, #tpu.memory_space<vmem>>, vector<16xi32>,
    %add3A_130 = arith.constant 96 : i32
    %add3A_131 = vector.broadcast %add3A_130 : i32 to vector<16xi32>
    %add3A_132 = arith.addi %iota3A, %add3A_131 : vector<16xi32>
    %mul3A_133 = arith.constant 2 : i32
    %mul3A_134 = vector.broadcast %mul3A_133 : i32 to vector<16xi32>
    %mul3A_135 = arith.muli %mul3A_134, %add3A_132 : vector<16xi32>
    %gather3A_136 = tpu.vector_load_idx %arg10[%mul3A_135] : memref<1024xi32, #tpu.memory_space<vmem>>[vector<16xi32>], vector<16xi32>,
    %swap3A_137 = arith.constant 0 : i32
    %swap3A_138 = arith.index_cast %swap3A_137 : i32 to index
    %swap3A_139 = arith.constant 96 : index
    %swap3A_140 = tpu.vector_load %arg11[%swap3A_138, %swap3A_139] {strides = array<i32>} : memref<4x128xi32, #tpu.memory_space<vmem>>, vector<16xi32>,
    tpu.vector_store %arg11[%swap3A_138, %swap3A_139], %gather3A_136 {strides = array<i32>} : memref<4x128xi32, #tpu.memory_space<vmem>>, vector<16xi32>,
    %add3A_141 = arith.constant 1 : i32
    %add3A_142 = vector.broadcast %add3A_141 : i32 to vector<16xi32>
    %add3A_143 = arith.addi %mul3A_135, %add3A_142 : vector<16xi32>
    %gather3A_144 = tpu.vector_load_idx %arg10[%add3A_143] : memref<1024xi32, #tpu.memory_space<vmem>>[vector<16xi32>], vector<16xi32>,
    %swap3A_145 = arith.constant 0 : i32
    %swap3A_146 = arith.index_cast %swap3A_145 : i32 to index
    %swap3A_147 = arith.constant 96 : index
    %swap3A_148 = tpu.vector_load %arg12[%swap3A_146, %swap3A_147] {strides = array<i32>} : memref<4x128xi32, #tpu.memory_space<vmem>>, vector<16xi32>,
    tpu.vector_store %arg12[%swap3A_146, %swap3A_147], %gather3A_144 {strides = array<i32>} : memref<4x128xi32, #tpu.memory_space<vmem>>, vector<16xi32>,
    %add3A_149 = arith.constant 112 : i32
    %add3A_150 = vector.broadcast %add3A_149 : i32 to vector<16xi32>
    %add3A_151 = arith.addi %iota3A, %add3A_150 : vector<16xi32>
    %mul3A_152 = arith.constant 2 : i32
    %mul3A_153 = vector.broadcast %mul3A_152 : i32 to vector<16xi32>
    %mul3A_154 = arith.muli %mul3A_153, %add3A_151 : vector<16xi32>
    %gather3A_155 = tpu.vector_load_idx %arg10[%mul3A_154] : memref<1024xi32, #tpu.memory_space<vmem>>[vector<16xi32>], vector<16xi32>,
    %swap3A_156 = arith.constant 0 : i32
    %swap3A_157 = arith.index_cast %swap3A_156 : i32 to index
    %swap3A_158 = arith.constant 112 : index
    %swap3A_159 = tpu.vector_load %arg11[%swap3A_157, %swap3A_158] {strides = array<i32>} : memref<4x128xi32, #tpu.memory_space<vmem>>, vector<16xi32>,
    tpu.vector_store %arg11[%swap3A_157, %swap3A_158], %gather3A_155 {strides = array<i32>} : memref<4x128xi32, #tpu.memory_space<vmem>>, vector<16xi32>,
    %add3A_160 = arith.constant 1 : i32
    %add3A_161 = vector.broadcast %add3A_160 : i32 to vector<16xi32>
    %add3A_162 = arith.addi %mul3A_154, %add3A_161 : vector<16xi32>
    %gather3A_163 = tpu.vector_load_idx %arg10[%add3A_162] : memref<1024xi32, #tpu.memory_space<vmem>>[vector<16xi32>], vector<16xi32>,
    %swap3A_164 = arith.constant 0 : i32
    %swap3A_165 = arith.index_cast %swap3A_164 : i32 to index
    %swap3A_166 = arith.constant 112 : index
    %swap3A_167 = tpu.vector_load %arg12[%swap3A_165, %swap3A_166] {strides = array<i32>} : memref<4x128xi32, #tpu.memory_space<vmem>>, vector<16xi32>,
    tpu.vector_store %arg12[%swap3A_165, %swap3A_166], %gather3A_163 {strides = array<i32>} : memref<4x128xi32, #tpu.memory_space<vmem>>, vector<16xi32>,
    %add3A_168 = arith.constant 128 : i32
    %add3A_169 = vector.broadcast %add3A_168 : i32 to vector<16xi32>
    %add3A_170 = arith.addi %iota3A, %add3A_169 : vector<16xi32>
    %mul3A_171 = arith.constant 2 : i32
    %mul3A_172 = vector.broadcast %mul3A_171 : i32 to vector<16xi32>
    %mul3A_173 = arith.muli %mul3A_172, %add3A_170 : vector<16xi32>
    %gather3A_174 = tpu.vector_load_idx %arg10[%mul3A_173] : memref<1024xi32, #tpu.memory_space<vmem>>[vector<16xi32>], vector<16xi32>,
    %swap3A_175 = arith.constant 1 : i32
    %swap3A_176 = arith.index_cast %swap3A_175 : i32 to index
    %swap3A_177 = arith.constant 0 : index
    %swap3A_178 = tpu.vector_load %arg11[%swap3A_176, %swap3A_177] {strides = array<i32>} : memref<4x128xi32, #tpu.memory_space<vmem>>, vector<16xi32>,
    tpu.vector_store %arg11[%swap3A_176, %swap3A_177], %gather3A_174 {strides = array<i32>} : memref<4x128xi32, #tpu.memory_space<vmem>>, vector<16xi32>,
    %add3A_179 = arith.constant 1 : i32
    %add3A_180 = vector.broadcast %add3A_179 : i32 to vector<16xi32>
    %add3A_181 = arith.addi %mul3A_173, %add3A_180 : vector<16xi32>
    %gather3A_182 = tpu.vector_load_idx %arg10[%add3A_181] : memref<1024xi32, #tpu.memory_space<vmem>>[vector<16xi32>], vector<16xi32>,
    %swap3A_183 = arith.constant 1 : i32
    %swap3A_184 = arith.index_cast %swap3A_183 : i32 to index
    %swap3A_185 = arith.constant 0 : index
    %swap3A_186 = tpu.vector_load %arg12[%swap3A_184, %swap3A_185] {strides = array<i32>} : memref<4x128xi32, #tpu.memory_space<vmem>>, vector<16xi32>,
    tpu.vector_store %arg12[%swap3A_184, %swap3A_185], %gather3A_182 {strides = array<i32>} : memref<4x128xi32, #tpu.memory_space<vmem>>, vector<16xi32>,
    %add3A_187 = arith.constant 144 : i32
    %add3A_188 = vector.broadcast %add3A_187 : i32 to vector<16xi32>
    %add3A_189 = arith.addi %iota3A, %add3A_188 : vector<16xi32>
    %mul3A_190 = arith.constant 2 : i32
    %mul3A_191 = vector.broadcast %mul3A_190 : i32 to vector<16xi32>
    %mul3A_192 = arith.muli %mul3A_191, %add3A_189 : vector<16xi32>
    %gather3A_193 = tpu.vector_load_idx %arg10[%mul3A_192] : memref<1024xi32, #tpu.memory_space<vmem>>[vector<16xi32>], vector<16xi32>,
    %swap3A_194 = arith.constant 1 : i32
    %swap3A_195 = arith.index_cast %swap3A_194 : i32 to index
    %swap3A_196 = arith.constant 16 : index
    %swap3A_197 = tpu.vector_load %arg11[%swap3A_195, %swap3A_196] {strides = array<i32>} : memref<4x128xi32, #tpu.memory_space<vmem>>, vector<16xi32>,
    tpu.vector_store %arg11[%swap3A_195, %swap3A_196], %gather3A_193 {strides = array<i32>} : memref<4x128xi32, #tpu.memory_space<vmem>>, vector<16xi32>,
    %add3A_198 = arith.constant 1 : i32
    %add3A_199 = vector.broadcast %add3A_198 : i32 to vector<16xi32>
    %add3A_200 = arith.addi %mul3A_192, %add3A_199 : vector<16xi32>
    %gather3A_201 = tpu.vector_load_idx %arg10[%add3A_200] : memref<1024xi32, #tpu.memory_space<vmem>>[vector<16xi32>], vector<16xi32>,
    %swap3A_202 = arith.constant 1 : i32
    %swap3A_203 = arith.index_cast %swap3A_202 : i32 to index
    %swap3A_204 = arith.constant 16 : index
    %swap3A_205 = tpu.vector_load %arg12[%swap3A_203, %swap3A_204] {strides = array<i32>} : memref<4x128xi32, #tpu.memory_space<vmem>>, vector<16xi32>,
    tpu.vector_store %arg12[%swap3A_203, %swap3A_204], %gather3A_201 {strides = array<i32>} : memref<4x128xi32, #tpu.memory_space<vmem>>, vector<16xi32>,
    %add3A_206 = arith.constant 160 : i32
    %add3A_207 = vector.broadcast %add3A_206 : i32 to vector<16xi32>
    %add3A_208 = arith.addi %iota3A, %add3A_207 : vector<16xi32>
    %mul3A_209 = arith.constant 2 : i32
    %mul3A_210 = vector.broadcast %mul3A_209 : i32 to vector<16xi32>
    %mul3A_211 = arith.muli %mul3A_210, %add3A_208 : vector<16xi32>
    %gather3A_212 = tpu.vector_load_idx %arg10[%mul3A_211] : memref<1024xi32, #tpu.memory_space<vmem>>[vector<16xi32>], vector<16xi32>,
    %swap3A_213 = arith.constant 1 : i32
    %swap3A_214 = arith.index_cast %swap3A_213 : i32 to index
    %swap3A_215 = arith.constant 32 : index
    %swap3A_216 = tpu.vector_load %arg11[%swap3A_214, %swap3A_215] {strides = array<i32>} : memref<4x128xi32, #tpu.memory_space<vmem>>, vector<16xi32>,
    tpu.vector_store %arg11[%swap3A_214, %swap3A_215], %gather3A_212 {strides = array<i32>} : memref<4x128xi32, #tpu.memory_space<vmem>>, vector<16xi32>,
    %add3A_217 = arith.constant 1 : i32
    %add3A_218 = vector.broadcast %add3A_217 : i32 to vector<16xi32>
    %add3A_219 = arith.addi %mul3A_211, %add3A_218 : vector<16xi32>
    %gather3A_220 = tpu.vector_load_idx %arg10[%add3A_219] : memref<1024xi32, #tpu.memory_space<vmem>>[vector<16xi32>], vector<16xi32>,
    %swap3A_221 = arith.constant 1 : i32
    %swap3A_222 = arith.index_cast %swap3A_221 : i32 to index
    %swap3A_223 = arith.constant 32 : index
    %swap3A_224 = tpu.vector_load %arg12[%swap3A_222, %swap3A_223] {strides = array<i32>} : memref<4x128xi32, #tpu.memory_space<vmem>>, vector<16xi32>,
    tpu.vector_store %arg12[%swap3A_222, %swap3A_223], %gather3A_220 {strides = array<i32>} : memref<4x128xi32, #tpu.memory_space<vmem>>, vector<16xi32>,
    %add3A_225 = arith.constant 176 : i32
    %add3A_226 = vector.broadcast %add3A_225 : i32 to vector<16xi32>
    %add3A_227 = arith.addi %iota3A, %add3A_226 : vector<16xi32>
    %mul3A_228 = arith.constant 2 : i32
    %mul3A_229 = vector.broadcast %mul3A_228 : i32 to vector<16xi32>
    %mul3A_230 = arith.muli %mul3A_229, %add3A_227 : vector<16xi32>
    %gather3A_231 = tpu.vector_load_idx %arg10[%mul3A_230] : memref<1024xi32, #tpu.memory_space<vmem>>[vector<16xi32>], vector<16xi32>,
    %swap3A_232 = arith.constant 1 : i32
    %swap3A_233 = arith.index_cast %swap3A_232 : i32 to index
    %swap3A_234 = arith.constant 48 : index
    %swap3A_235 = tpu.vector_load %arg11[%swap3A_233, %swap3A_234] {strides = array<i32>} : memref<4x128xi32, #tpu.memory_space<vmem>>, vector<16xi32>,
    tpu.vector_store %arg11[%swap3A_233, %swap3A_234], %gather3A_231 {strides = array<i32>} : memref<4x128xi32, #tpu.memory_space<vmem>>, vector<16xi32>,
    %add3A_236 = arith.constant 1 : i32
    %add3A_237 = vector.broadcast %add3A_236 : i32 to vector<16xi32>
    %add3A_238 = arith.addi %mul3A_230, %add3A_237 : vector<16xi32>
    %gather3A_239 = tpu.vector_load_idx %arg10[%add3A_238] : memref<1024xi32, #tpu.memory_space<vmem>>[vector<16xi32>], vector<16xi32>,
    %swap3A_240 = arith.constant 1 : i32
    %swap3A_241 = arith.index_cast %swap3A_240 : i32 to index
    %swap3A_242 = arith.constant 48 : index
    %swap3A_243 = tpu.vector_load %arg12[%swap3A_241, %swap3A_242] {strides = array<i32>} : memref<4x128xi32, #tpu.memory_space<vmem>>, vector<16xi32>,
    tpu.vector_store %arg12[%swap3A_241, %swap3A_242], %gather3A_239 {strides = array<i32>} : memref<4x128xi32, #tpu.memory_space<vmem>>, vector<16xi32>,
    %add3A_244 = arith.constant 192 : i32
    %add3A_245 = vector.broadcast %add3A_244 : i32 to vector<16xi32>
    %add3A_246 = arith.addi %iota3A, %add3A_245 : vector<16xi32>
    %mul3A_247 = arith.constant 2 : i32
    %mul3A_248 = vector.broadcast %mul3A_247 : i32 to vector<16xi32>
    %mul3A_249 = arith.muli %mul3A_248, %add3A_246 : vector<16xi32>
    %gather3A_250 = tpu.vector_load_idx %arg10[%mul3A_249] : memref<1024xi32, #tpu.memory_space<vmem>>[vector<16xi32>], vector<16xi32>,
    %swap3A_251 = arith.constant 1 : i32
    %swap3A_252 = arith.index_cast %swap3A_251 : i32 to index
    %swap3A_253 = arith.constant 64 : index
    %swap3A_254 = tpu.vector_load %arg11[%swap3A_252, %swap3A_253] {strides = array<i32>} : memref<4x128xi32, #tpu.memory_space<vmem>>, vector<16xi32>,
    tpu.vector_store %arg11[%swap3A_252, %swap3A_253], %gather3A_250 {strides = array<i32>} : memref<4x128xi32, #tpu.memory_space<vmem>>, vector<16xi32>,
    %add3A_255 = arith.constant 1 : i32
    %add3A_256 = vector.broadcast %add3A_255 : i32 to vector<16xi32>
    %add3A_257 = arith.addi %mul3A_249, %add3A_256 : vector<16xi32>
    %gather3A_258 = tpu.vector_load_idx %arg10[%add3A_257] : memref<1024xi32, #tpu.memory_space<vmem>>[vector<16xi32>], vector<16xi32>,
    %swap3A_259 = arith.constant 1 : i32
    %swap3A_260 = arith.index_cast %swap3A_259 : i32 to index
    %swap3A_261 = arith.constant 64 : index
    %swap3A_262 = tpu.vector_load %arg12[%swap3A_260, %swap3A_261] {strides = array<i32>} : memref<4x128xi32, #tpu.memory_space<vmem>>, vector<16xi32>,
    tpu.vector_store %arg12[%swap3A_260, %swap3A_261], %gather3A_258 {strides = array<i32>} : memref<4x128xi32, #tpu.memory_space<vmem>>, vector<16xi32>,
    %add3A_263 = arith.constant 208 : i32
    %add3A_264 = vector.broadcast %add3A_263 : i32 to vector<16xi32>
    %add3A_265 = arith.addi %iota3A, %add3A_264 : vector<16xi32>
    %mul3A_266 = arith.constant 2 : i32
    %mul3A_267 = vector.broadcast %mul3A_266 : i32 to vector<16xi32>
    %mul3A_268 = arith.muli %mul3A_267, %add3A_265 : vector<16xi32>
    %gather3A_269 = tpu.vector_load_idx %arg10[%mul3A_268] : memref<1024xi32, #tpu.memory_space<vmem>>[vector<16xi32>], vector<16xi32>,
    %swap3A_270 = arith.constant 1 : i32
    %swap3A_271 = arith.index_cast %swap3A_270 : i32 to index
    %swap3A_272 = arith.constant 80 : index
    %swap3A_273 = tpu.vector_load %arg11[%swap3A_271, %swap3A_272] {strides = array<i32>} : memref<4x128xi32, #tpu.memory_space<vmem>>, vector<16xi32>,
    tpu.vector_store %arg11[%swap3A_271, %swap3A_272], %gather3A_269 {strides = array<i32>} : memref<4x128xi32, #tpu.memory_space<vmem>>, vector<16xi32>,
    %add3A_274 = arith.constant 1 : i32
    %add3A_275 = vector.broadcast %add3A_274 : i32 to vector<16xi32>
    %add3A_276 = arith.addi %mul3A_268, %add3A_275 : vector<16xi32>
    %gather3A_277 = tpu.vector_load_idx %arg10[%add3A_276] : memref<1024xi32, #tpu.memory_space<vmem>>[vector<16xi32>], vector<16xi32>,
    %swap3A_278 = arith.constant 1 : i32
    %swap3A_279 = arith.index_cast %swap3A_278 : i32 to index
    %swap3A_280 = arith.constant 80 : index
    %swap3A_281 = tpu.vector_load %arg12[%swap3A_279, %swap3A_280] {strides = array<i32>} : memref<4x128xi32, #tpu.memory_space<vmem>>, vector<16xi32>,
    tpu.vector_store %arg12[%swap3A_279, %swap3A_280], %gather3A_277 {strides = array<i32>} : memref<4x128xi32, #tpu.memory_space<vmem>>, vector<16xi32>,
    %add3A_282 = arith.constant 224 : i32
    %add3A_283 = vector.broadcast %add3A_282 : i32 to vector<16xi32>
    %add3A_284 = arith.addi %iota3A, %add3A_283 : vector<16xi32>
    %mul3A_285 = arith.constant 2 : i32
    %mul3A_286 = vector.broadcast %mul3A_285 : i32 to vector<16xi32>
    %mul3A_287 = arith.muli %mul3A_286, %add3A_284 : vector<16xi32>
    %gather3A_288 = tpu.vector_load_idx %arg10[%mul3A_287] : memref<1024xi32, #tpu.memory_space<vmem>>[vector<16xi32>], vector<16xi32>,
    %swap3A_289 = arith.constant 1 : i32
    %swap3A_290 = arith.index_cast %swap3A_289 : i32 to index
    %swap3A_291 = arith.constant 96 : index
    %swap3A_292 = tpu.vector_load %arg11[%swap3A_290, %swap3A_291] {strides = array<i32>} : memref<4x128xi32, #tpu.memory_space<vmem>>, vector<16xi32>,
    tpu.vector_store %arg11[%swap3A_290, %swap3A_291], %gather3A_288 {strides = array<i32>} : memref<4x128xi32, #tpu.memory_space<vmem>>, vector<16xi32>,
    %add3A_293 = arith.constant 1 : i32
    %add3A_294 = vector.broadcast %add3A_293 : i32 to vector<16xi32>
    %add3A_295 = arith.addi %mul3A_287, %add3A_294 : vector<16xi32>
    %gather3A_296 = tpu.vector_load_idx %arg10[%add3A_295] : memref<1024xi32, #tpu.memory_space<vmem>>[vector<16xi32>], vector<16xi32>,
    %swap3A_297 = arith.constant 1 : i32
    %swap3A_298 = arith.index_cast %swap3A_297 : i32 to index
    %swap3A_299 = arith.constant 96 : index
    %swap3A_300 = tpu.vector_load %arg12[%swap3A_298, %swap3A_299] {strides = array<i32>} : memref<4x128xi32, #tpu.memory_space<vmem>>, vector<16xi32>,
    tpu.vector_store %arg12[%swap3A_298, %swap3A_299], %gather3A_296 {strides = array<i32>} : memref<4x128xi32, #tpu.memory_space<vmem>>, vector<16xi32>,
    %add3A_301 = arith.constant 240 : i32
    %add3A_302 = vector.broadcast %add3A_301 : i32 to vector<16xi32>
    %add3A_303 = arith.addi %iota3A, %add3A_302 : vector<16xi32>
    %mul3A_304 = arith.constant 2 : i32
    %mul3A_305 = vector.broadcast %mul3A_304 : i32 to vector<16xi32>
    %mul3A_306 = arith.muli %mul3A_305, %add3A_303 : vector<16xi32>
    %gather3A_307 = tpu.vector_load_idx %arg10[%mul3A_306] : memref<1024xi32, #tpu.memory_space<vmem>>[vector<16xi32>], vector<16xi32>,
    %swap3A_308 = arith.constant 1 : i32
    %swap3A_309 = arith.index_cast %swap3A_308 : i32 to index
    %swap3A_310 = arith.constant 112 : index
    %swap3A_311 = tpu.vector_load %arg11[%swap3A_309, %swap3A_310] {strides = array<i32>} : memref<4x128xi32, #tpu.memory_space<vmem>>, vector<16xi32>,
    tpu.vector_store %arg11[%swap3A_309, %swap3A_310], %gather3A_307 {strides = array<i32>} : memref<4x128xi32, #tpu.memory_space<vmem>>, vector<16xi32>,
    %add3A_312 = arith.constant 1 : i32
    %add3A_313 = vector.broadcast %add3A_312 : i32 to vector<16xi32>
    %add3A_314 = arith.addi %mul3A_306, %add3A_313 : vector<16xi32>
    %gather3A_315 = tpu.vector_load_idx %arg10[%add3A_314] : memref<1024xi32, #tpu.memory_space<vmem>>[vector<16xi32>], vector<16xi32>,
    %swap3A_316 = arith.constant 1 : i32
    %swap3A_317 = arith.index_cast %swap3A_316 : i32 to index
    %swap3A_318 = arith.constant 112 : index
    %swap3A_319 = tpu.vector_load %arg12[%swap3A_317, %swap3A_318] {strides = array<i32>} : memref<4x128xi32, #tpu.memory_space<vmem>>, vector<16xi32>,
    tpu.vector_store %arg12[%swap3A_317, %swap3A_318], %gather3A_315 {strides = array<i32>} : memref<4x128xi32, #tpu.memory_space<vmem>>, vector<16xi32>,
    %add3A_320 = arith.constant 256 : i32
    %add3A_321 = vector.broadcast %add3A_320 : i32 to vector<16xi32>
    %add3A_322 = arith.addi %iota3A, %add3A_321 : vector<16xi32>
    %mul3A_323 = arith.constant 2 : i32
    %mul3A_324 = vector.broadcast %mul3A_323 : i32 to vector<16xi32>
    %mul3A_325 = arith.muli %mul3A_324, %add3A_322 : vector<16xi32>
    %gather3A_326 = tpu.vector_load_idx %arg10[%mul3A_325] : memref<1024xi32, #tpu.memory_space<vmem>>[vector<16xi32>], vector<16xi32>,
    %swap3A_327 = arith.constant 2 : i32
    %swap3A_328 = arith.index_cast %swap3A_327 : i32 to index
    %swap3A_329 = arith.constant 0 : index
    %swap3A_330 = tpu.vector_load %arg11[%swap3A_328, %swap3A_329] {strides = array<i32>} : memref<4x128xi32, #tpu.memory_space<vmem>>, vector<16xi32>,
    tpu.vector_store %arg11[%swap3A_328, %swap3A_329], %gather3A_326 {strides = array<i32>} : memref<4x128xi32, #tpu.memory_space<vmem>>, vector<16xi32>,
    %add3A_331 = arith.constant 1 : i32
    %add3A_332 = vector.broadcast %add3A_331 : i32 to vector<16xi32>
    %add3A_333 = arith.addi %mul3A_325, %add3A_332 : vector<16xi32>
    %gather3A_334 = tpu.vector_load_idx %arg10[%add3A_333] : memref<1024xi32, #tpu.memory_space<vmem>>[vector<16xi32>], vector<16xi32>,
    %swap3A_335 = arith.constant 2 : i32
    %swap3A_336 = arith.index_cast %swap3A_335 : i32 to index
    %swap3A_337 = arith.constant 0 : index
    %swap3A_338 = tpu.vector_load %arg12[%swap3A_336, %swap3A_337] {strides = array<i32>} : memref<4x128xi32, #tpu.memory_space<vmem>>, vector<16xi32>,
    tpu.vector_store %arg12[%swap3A_336, %swap3A_337], %gather3A_334 {strides = array<i32>} : memref<4x128xi32, #tpu.memory_space<vmem>>, vector<16xi32>,
    %add3A_339 = arith.constant 272 : i32
    %add3A_340 = vector.broadcast %add3A_339 : i32 to vector<16xi32>
    %add3A_341 = arith.addi %iota3A, %add3A_340 : vector<16xi32>
    %mul3A_342 = arith.constant 2 : i32
    %mul3A_343 = vector.broadcast %mul3A_342 : i32 to vector<16xi32>
    %mul3A_344 = arith.muli %mul3A_343, %add3A_341 : vector<16xi32>
    %gather3A_345 = tpu.vector_load_idx %arg10[%mul3A_344] : memref<1024xi32, #tpu.memory_space<vmem>>[vector<16xi32>], vector<16xi32>,
    %swap3A_346 = arith.constant 2 : i32
    %swap3A_347 = arith.index_cast %swap3A_346 : i32 to index
    %swap3A_348 = arith.constant 16 : index
    %swap3A_349 = tpu.vector_load %arg11[%swap3A_347, %swap3A_348] {strides = array<i32>} : memref<4x128xi32, #tpu.memory_space<vmem>>, vector<16xi32>,
    tpu.vector_store %arg11[%swap3A_347, %swap3A_348], %gather3A_345 {strides = array<i32>} : memref<4x128xi32, #tpu.memory_space<vmem>>, vector<16xi32>,
    %add3A_350 = arith.constant 1 : i32
    %add3A_351 = vector.broadcast %add3A_350 : i32 to vector<16xi32>
    %add3A_352 = arith.addi %mul3A_344, %add3A_351 : vector<16xi32>
    %gather3A_353 = tpu.vector_load_idx %arg10[%add3A_352] : memref<1024xi32, #tpu.memory_space<vmem>>[vector<16xi32>], vector<16xi32>,
    %swap3A_354 = arith.constant 2 : i32
    %swap3A_355 = arith.index_cast %swap3A_354 : i32 to index
    %swap3A_356 = arith.constant 16 : index
    %swap3A_357 = tpu.vector_load %arg12[%swap3A_355, %swap3A_356] {strides = array<i32>} : memref<4x128xi32, #tpu.memory_space<vmem>>, vector<16xi32>,
    tpu.vector_store %arg12[%swap3A_355, %swap3A_356], %gather3A_353 {strides = array<i32>} : memref<4x128xi32, #tpu.memory_space<vmem>>, vector<16xi32>,
    %add3A_358 = arith.constant 288 : i32
    %add3A_359 = vector.broadcast %add3A_358 : i32 to vector<16xi32>
    %add3A_360 = arith.addi %iota3A, %add3A_359 : vector<16xi32>
    %mul3A_361 = arith.constant 2 : i32
    %mul3A_362 = vector.broadcast %mul3A_361 : i32 to vector<16xi32>
    %mul3A_363 = arith.muli %mul3A_362, %add3A_360 : vector<16xi32>
    %gather3A_364 = tpu.vector_load_idx %arg10[%mul3A_363] : memref<1024xi32, #tpu.memory_space<vmem>>[vector<16xi32>], vector<16xi32>,
    %swap3A_365 = arith.constant 2 : i32
    %swap3A_366 = arith.index_cast %swap3A_365 : i32 to index
    %swap3A_367 = arith.constant 32 : index
    %swap3A_368 = tpu.vector_load %arg11[%swap3A_366, %swap3A_367] {strides = array<i32>} : memref<4x128xi32, #tpu.memory_space<vmem>>, vector<16xi32>,
    tpu.vector_store %arg11[%swap3A_366, %swap3A_367], %gather3A_364 {strides = array<i32>} : memref<4x128xi32, #tpu.memory_space<vmem>>, vector<16xi32>,
    %add3A_369 = arith.constant 1 : i32
    %add3A_370 = vector.broadcast %add3A_369 : i32 to vector<16xi32>
    %add3A_371 = arith.addi %mul3A_363, %add3A_370 : vector<16xi32>
    %gather3A_372 = tpu.vector_load_idx %arg10[%add3A_371] : memref<1024xi32, #tpu.memory_space<vmem>>[vector<16xi32>], vector<16xi32>,
    %swap3A_373 = arith.constant 2 : i32
    %swap3A_374 = arith.index_cast %swap3A_373 : i32 to index
    %swap3A_375 = arith.constant 32 : index
    %swap3A_376 = tpu.vector_load %arg12[%swap3A_374, %swap3A_375] {strides = array<i32>} : memref<4x128xi32, #tpu.memory_space<vmem>>, vector<16xi32>,
    tpu.vector_store %arg12[%swap3A_374, %swap3A_375], %gather3A_372 {strides = array<i32>} : memref<4x128xi32, #tpu.memory_space<vmem>>, vector<16xi32>,
    %add3A_377 = arith.constant 304 : i32
    %add3A_378 = vector.broadcast %add3A_377 : i32 to vector<16xi32>
    %add3A_379 = arith.addi %iota3A, %add3A_378 : vector<16xi32>
    %mul3A_380 = arith.constant 2 : i32
    %mul3A_381 = vector.broadcast %mul3A_380 : i32 to vector<16xi32>
    %mul3A_382 = arith.muli %mul3A_381, %add3A_379 : vector<16xi32>
    %gather3A_383 = tpu.vector_load_idx %arg10[%mul3A_382] : memref<1024xi32, #tpu.memory_space<vmem>>[vector<16xi32>], vector<16xi32>,
    %swap3A_384 = arith.constant 2 : i32
    %swap3A_385 = arith.index_cast %swap3A_384 : i32 to index
    %swap3A_386 = arith.constant 48 : index
    %swap3A_387 = tpu.vector_load %arg11[%swap3A_385, %swap3A_386] {strides = array<i32>} : memref<4x128xi32, #tpu.memory_space<vmem>>, vector<16xi32>,
    tpu.vector_store %arg11[%swap3A_385, %swap3A_386], %gather3A_383 {strides = array<i32>} : memref<4x128xi32, #tpu.memory_space<vmem>>, vector<16xi32>,
    %add3A_388 = arith.constant 1 : i32
    %add3A_389 = vector.broadcast %add3A_388 : i32 to vector<16xi32>
    %add3A_390 = arith.addi %mul3A_382, %add3A_389 : vector<16xi32>
    %gather3A_391 = tpu.vector_load_idx %arg10[%add3A_390] : memref<1024xi32, #tpu.memory_space<vmem>>[vector<16xi32>], vector<16xi32>,
    %swap3A_392 = arith.constant 2 : i32
    %swap3A_393 = arith.index_cast %swap3A_392 : i32 to index
    %swap3A_394 = arith.constant 48 : index
    %swap3A_395 = tpu.vector_load %arg12[%swap3A_393, %swap3A_394] {strides = array<i32>} : memref<4x128xi32, #tpu.memory_space<vmem>>, vector<16xi32>,
    tpu.vector_store %arg12[%swap3A_393, %swap3A_394], %gather3A_391 {strides = array<i32>} : memref<4x128xi32, #tpu.memory_space<vmem>>, vector<16xi32>,
    %add3A_396 = arith.constant 320 : i32
    %add3A_397 = vector.broadcast %add3A_396 : i32 to vector<16xi32>
    %add3A_398 = arith.addi %iota3A, %add3A_397 : vector<16xi32>
    %mul3A_399 = arith.constant 2 : i32
    %mul3A_400 = vector.broadcast %mul3A_399 : i32 to vector<16xi32>
    %mul3A_401 = arith.muli %mul3A_400, %add3A_398 : vector<16xi32>
    %gather3A_402 = tpu.vector_load_idx %arg10[%mul3A_401] : memref<1024xi32, #tpu.memory_space<vmem>>[vector<16xi32>], vector<16xi32>,
    %swap3A_403 = arith.constant 2 : i32
    %swap3A_404 = arith.index_cast %swap3A_403 : i32 to index
    %swap3A_405 = arith.constant 64 : index
    %swap3A_406 = tpu.vector_load %arg11[%swap3A_404, %swap3A_405] {strides = array<i32>} : memref<4x128xi32, #tpu.memory_space<vmem>>, vector<16xi32>,
    tpu.vector_store %arg11[%swap3A_404, %swap3A_405], %gather3A_402 {strides = array<i32>} : memref<4x128xi32, #tpu.memory_space<vmem>>, vector<16xi32>,
    %add3A_407 = arith.constant 1 : i32
    %add3A_408 = vector.broadcast %add3A_407 : i32 to vector<16xi32>
    %add3A_409 = arith.addi %mul3A_401, %add3A_408 : vector<16xi32>
    %gather3A_410 = tpu.vector_load_idx %arg10[%add3A_409] : memref<1024xi32, #tpu.memory_space<vmem>>[vector<16xi32>], vector<16xi32>,
    %swap3A_411 = arith.constant 2 : i32
    %swap3A_412 = arith.index_cast %swap3A_411 : i32 to index
    %swap3A_413 = arith.constant 64 : index
    %swap3A_414 = tpu.vector_load %arg12[%swap3A_412, %swap3A_413] {strides = array<i32>} : memref<4x128xi32, #tpu.memory_space<vmem>>, vector<16xi32>,
    tpu.vector_store %arg12[%swap3A_412, %swap3A_413], %gather3A_410 {strides = array<i32>} : memref<4x128xi32, #tpu.memory_space<vmem>>, vector<16xi32>,
    %add3A_415 = arith.constant 336 : i32
    %add3A_416 = vector.broadcast %add3A_415 : i32 to vector<16xi32>
    %add3A_417 = arith.addi %iota3A, %add3A_416 : vector<16xi32>
    %mul3A_418 = arith.constant 2 : i32
    %mul3A_419 = vector.broadcast %mul3A_418 : i32 to vector<16xi32>
    %mul3A_420 = arith.muli %mul3A_419, %add3A_417 : vector<16xi32>
    %gather3A_421 = tpu.vector_load_idx %arg10[%mul3A_420] : memref<1024xi32, #tpu.memory_space<vmem>>[vector<16xi32>], vector<16xi32>,
    %swap3A_422 = arith.constant 2 : i32
    %swap3A_423 = arith.index_cast %swap3A_422 : i32 to index
    %swap3A_424 = arith.constant 80 : index
    %swap3A_425 = tpu.vector_load %arg11[%swap3A_423, %swap3A_424] {strides = array<i32>} : memref<4x128xi32, #tpu.memory_space<vmem>>, vector<16xi32>,
    tpu.vector_store %arg11[%swap3A_423, %swap3A_424], %gather3A_421 {strides = array<i32>} : memref<4x128xi32, #tpu.memory_space<vmem>>, vector<16xi32>,
    %add3A_426 = arith.constant 1 : i32
    %add3A_427 = vector.broadcast %add3A_426 : i32 to vector<16xi32>
    %add3A_428 = arith.addi %mul3A_420, %add3A_427 : vector<16xi32>
    %gather3A_429 = tpu.vector_load_idx %arg10[%add3A_428] : memref<1024xi32, #tpu.memory_space<vmem>>[vector<16xi32>], vector<16xi32>,
    %swap3A_430 = arith.constant 2 : i32
    %swap3A_431 = arith.index_cast %swap3A_430 : i32 to index
    %swap3A_432 = arith.constant 80 : index
    %swap3A_433 = tpu.vector_load %arg12[%swap3A_431, %swap3A_432] {strides = array<i32>} : memref<4x128xi32, #tpu.memory_space<vmem>>, vector<16xi32>,
    tpu.vector_store %arg12[%swap3A_431, %swap3A_432], %gather3A_429 {strides = array<i32>} : memref<4x128xi32, #tpu.memory_space<vmem>>, vector<16xi32>,
    %add3A_434 = arith.constant 352 : i32
    %add3A_435 = vector.broadcast %add3A_434 : i32 to vector<16xi32>
    %add3A_436 = arith.addi %iota3A, %add3A_435 : vector<16xi32>
    %mul3A_437 = arith.constant 2 : i32
    %mul3A_438 = vector.broadcast %mul3A_437 : i32 to vector<16xi32>
    %mul3A_439 = arith.muli %mul3A_438, %add3A_436 : vector<16xi32>
    %gather3A_440 = tpu.vector_load_idx %arg10[%mul3A_439] : memref<1024xi32, #tpu.memory_space<vmem>>[vector<16xi32>], vector<16xi32>,
    %swap3A_441 = arith.constant 2 : i32
    %swap3A_442 = arith.index_cast %swap3A_441 : i32 to index
    %swap3A_443 = arith.constant 96 : index
    %swap3A_444 = tpu.vector_load %arg11[%swap3A_442, %swap3A_443] {strides = array<i32>} : memref<4x128xi32, #tpu.memory_space<vmem>>, vector<16xi32>,
    tpu.vector_store %arg11[%swap3A_442, %swap3A_443], %gather3A_440 {strides = array<i32>} : memref<4x128xi32, #tpu.memory_space<vmem>>, vector<16xi32>,
    %add3A_445 = arith.constant 1 : i32
    %add3A_446 = vector.broadcast %add3A_445 : i32 to vector<16xi32>
    %add3A_447 = arith.addi %mul3A_439, %add3A_446 : vector<16xi32>
    %gather3A_448 = tpu.vector_load_idx %arg10[%add3A_447] : memref<1024xi32, #tpu.memory_space<vmem>>[vector<16xi32>], vector<16xi32>,
    %swap3A_449 = arith.constant 2 : i32
    %swap3A_450 = arith.index_cast %swap3A_449 : i32 to index
    %swap3A_451 = arith.constant 96 : index
    %swap3A_452 = tpu.vector_load %arg12[%swap3A_450, %swap3A_451] {strides = array<i32>} : memref<4x128xi32, #tpu.memory_space<vmem>>, vector<16xi32>,
    tpu.vector_store %arg12[%swap3A_450, %swap3A_451], %gather3A_448 {strides = array<i32>} : memref<4x128xi32, #tpu.memory_space<vmem>>, vector<16xi32>,
    %add3A_453 = arith.constant 368 : i32
    %add3A_454 = vector.broadcast %add3A_453 : i32 to vector<16xi32>
    %add3A_455 = arith.addi %iota3A, %add3A_454 : vector<16xi32>
    %mul3A_456 = arith.constant 2 : i32
    %mul3A_457 = vector.broadcast %mul3A_456 : i32 to vector<16xi32>
    %mul3A_458 = arith.muli %mul3A_457, %add3A_455 : vector<16xi32>
    %gather3A_459 = tpu.vector_load_idx %arg10[%mul3A_458] : memref<1024xi32, #tpu.memory_space<vmem>>[vector<16xi32>], vector<16xi32>,
    %swap3A_460 = arith.constant 2 : i32
    %swap3A_461 = arith.index_cast %swap3A_460 : i32 to index
    %swap3A_462 = arith.constant 112 : index
    %swap3A_463 = tpu.vector_load %arg11[%swap3A_461, %swap3A_462] {strides = array<i32>} : memref<4x128xi32, #tpu.memory_space<vmem>>, vector<16xi32>,
    tpu.vector_store %arg11[%swap3A_461, %swap3A_462], %gather3A_459 {strides = array<i32>} : memref<4x128xi32, #tpu.memory_space<vmem>>, vector<16xi32>,
    %add3A_464 = arith.constant 1 : i32
    %add3A_465 = vector.broadcast %add3A_464 : i32 to vector<16xi32>
    %add3A_466 = arith.addi %mul3A_458, %add3A_465 : vector<16xi32>
    %gather3A_467 = tpu.vector_load_idx %arg10[%add3A_466] : memref<1024xi32, #tpu.memory_space<vmem>>[vector<16xi32>], vector<16xi32>,
    %swap3A_468 = arith.constant 2 : i32
    %swap3A_469 = arith.index_cast %swap3A_468 : i32 to index
    %swap3A_470 = arith.constant 112 : index
    %swap3A_471 = tpu.vector_load %arg12[%swap3A_469, %swap3A_470] {strides = array<i32>} : memref<4x128xi32, #tpu.memory_space<vmem>>, vector<16xi32>,
    tpu.vector_store %arg12[%swap3A_469, %swap3A_470], %gather3A_467 {strides = array<i32>} : memref<4x128xi32, #tpu.memory_space<vmem>>, vector<16xi32>,
    %add3A_472 = arith.constant 384 : i32
    %add3A_473 = vector.broadcast %add3A_472 : i32 to vector<16xi32>
    %add3A_474 = arith.addi %iota3A, %add3A_473 : vector<16xi32>
    %mul3A_475 = arith.constant 2 : i32
    %mul3A_476 = vector.broadcast %mul3A_475 : i32 to vector<16xi32>
    %mul3A_477 = arith.muli %mul3A_476, %add3A_474 : vector<16xi32>
    %gather3A_478 = tpu.vector_load_idx %arg10[%mul3A_477] : memref<1024xi32, #tpu.memory_space<vmem>>[vector<16xi32>], vector<16xi32>,
    %swap3A_479 = arith.constant 3 : i32
    %swap3A_480 = arith.index_cast %swap3A_479 : i32 to index
    %swap3A_481 = arith.constant 0 : index
    %swap3A_482 = tpu.vector_load %arg11[%swap3A_480, %swap3A_481] {strides = array<i32>} : memref<4x128xi32, #tpu.memory_space<vmem>>, vector<16xi32>,
    tpu.vector_store %arg11[%swap3A_480, %swap3A_481], %gather3A_478 {strides = array<i32>} : memref<4x128xi32, #tpu.memory_space<vmem>>, vector<16xi32>,
    %add3A_483 = arith.constant 1 : i32
    %add3A_484 = vector.broadcast %add3A_483 : i32 to vector<16xi32>
    %add3A_485 = arith.addi %mul3A_477, %add3A_484 : vector<16xi32>
    %gather3A_486 = tpu.vector_load_idx %arg10[%add3A_485] : memref<1024xi32, #tpu.memory_space<vmem>>[vector<16xi32>], vector<16xi32>,
    %swap3A_487 = arith.constant 3 : i32
    %swap3A_488 = arith.index_cast %swap3A_487 : i32 to index
    %swap3A_489 = arith.constant 0 : index
    %swap3A_490 = tpu.vector_load %arg12[%swap3A_488, %swap3A_489] {strides = array<i32>} : memref<4x128xi32, #tpu.memory_space<vmem>>, vector<16xi32>,
    tpu.vector_store %arg12[%swap3A_488, %swap3A_489], %gather3A_486 {strides = array<i32>} : memref<4x128xi32, #tpu.memory_space<vmem>>, vector<16xi32>,
    %add3A_491 = arith.constant 400 : i32
    %add3A_492 = vector.broadcast %add3A_491 : i32 to vector<16xi32>
    %add3A_493 = arith.addi %iota3A, %add3A_492 : vector<16xi32>
    %mul3A_494 = arith.constant 2 : i32
    %mul3A_495 = vector.broadcast %mul3A_494 : i32 to vector<16xi32>
    %mul3A_496 = arith.muli %mul3A_495, %add3A_493 : vector<16xi32>
    %gather3A_497 = tpu.vector_load_idx %arg10[%mul3A_496] : memref<1024xi32, #tpu.memory_space<vmem>>[vector<16xi32>], vector<16xi32>,
    %swap3A_498 = arith.constant 3 : i32
    %swap3A_499 = arith.index_cast %swap3A_498 : i32 to index
    %swap3A_500 = arith.constant 16 : index
    %swap3A_501 = tpu.vector_load %arg11[%swap3A_499, %swap3A_500] {strides = array<i32>} : memref<4x128xi32, #tpu.memory_space<vmem>>, vector<16xi32>,
    tpu.vector_store %arg11[%swap3A_499, %swap3A_500], %gather3A_497 {strides = array<i32>} : memref<4x128xi32, #tpu.memory_space<vmem>>, vector<16xi32>,
    %add3A_502 = arith.constant 1 : i32
    %add3A_503 = vector.broadcast %add3A_502 : i32 to vector<16xi32>
    %add3A_504 = arith.addi %mul3A_496, %add3A_503 : vector<16xi32>
    %gather3A_505 = tpu.vector_load_idx %arg10[%add3A_504] : memref<1024xi32, #tpu.memory_space<vmem>>[vector<16xi32>], vector<16xi32>,
    %swap3A_506 = arith.constant 3 : i32
    %swap3A_507 = arith.index_cast %swap3A_506 : i32 to index
    %swap3A_508 = arith.constant 16 : index
    %swap3A_509 = tpu.vector_load %arg12[%swap3A_507, %swap3A_508] {strides = array<i32>} : memref<4x128xi32, #tpu.memory_space<vmem>>, vector<16xi32>,
    tpu.vector_store %arg12[%swap3A_507, %swap3A_508], %gather3A_505 {strides = array<i32>} : memref<4x128xi32, #tpu.memory_space<vmem>>, vector<16xi32>,
    %add3A_510 = arith.constant 416 : i32
    %add3A_511 = vector.broadcast %add3A_510 : i32 to vector<16xi32>
    %add3A_512 = arith.addi %iota3A, %add3A_511 : vector<16xi32>
    %mul3A_513 = arith.constant 2 : i32
    %mul3A_514 = vector.broadcast %mul3A_513 : i32 to vector<16xi32>
    %mul3A_515 = arith.muli %mul3A_514, %add3A_512 : vector<16xi32>
    %gather3A_516 = tpu.vector_load_idx %arg10[%mul3A_515] : memref<1024xi32, #tpu.memory_space<vmem>>[vector<16xi32>], vector<16xi32>,
    %swap3A_517 = arith.constant 3 : i32
    %swap3A_518 = arith.index_cast %swap3A_517 : i32 to index
    %swap3A_519 = arith.constant 32 : index
    %swap3A_520 = tpu.vector_load %arg11[%swap3A_518, %swap3A_519] {strides = array<i32>} : memref<4x128xi32, #tpu.memory_space<vmem>>, vector<16xi32>,
    tpu.vector_store %arg11[%swap3A_518, %swap3A_519], %gather3A_516 {strides = array<i32>} : memref<4x128xi32, #tpu.memory_space<vmem>>, vector<16xi32>,
    %add3A_521 = arith.constant 1 : i32
    %add3A_522 = vector.broadcast %add3A_521 : i32 to vector<16xi32>
    %add3A_523 = arith.addi %mul3A_515, %add3A_522 : vector<16xi32>
    %gather3A_524 = tpu.vector_load_idx %arg10[%add3A_523] : memref<1024xi32, #tpu.memory_space<vmem>>[vector<16xi32>], vector<16xi32>,
    %swap3A_525 = arith.constant 3 : i32
    %swap3A_526 = arith.index_cast %swap3A_525 : i32 to index
    %swap3A_527 = arith.constant 32 : index
    %swap3A_528 = tpu.vector_load %arg12[%swap3A_526, %swap3A_527] {strides = array<i32>} : memref<4x128xi32, #tpu.memory_space<vmem>>, vector<16xi32>,
    tpu.vector_store %arg12[%swap3A_526, %swap3A_527], %gather3A_524 {strides = array<i32>} : memref<4x128xi32, #tpu.memory_space<vmem>>, vector<16xi32>,
    %add3A_529 = arith.constant 432 : i32
    %add3A_530 = vector.broadcast %add3A_529 : i32 to vector<16xi32>
    %add3A_531 = arith.addi %iota3A, %add3A_530 : vector<16xi32>
    %mul3A_532 = arith.constant 2 : i32
    %mul3A_533 = vector.broadcast %mul3A_532 : i32 to vector<16xi32>
    %mul3A_534 = arith.muli %mul3A_533, %add3A_531 : vector<16xi32>
    %gather3A_535 = tpu.vector_load_idx %arg10[%mul3A_534] : memref<1024xi32, #tpu.memory_space<vmem>>[vector<16xi32>], vector<16xi32>,
    %swap3A_536 = arith.constant 3 : i32
    %swap3A_537 = arith.index_cast %swap3A_536 : i32 to index
    %swap3A_538 = arith.constant 48 : index
    %swap3A_539 = tpu.vector_load %arg11[%swap3A_537, %swap3A_538] {strides = array<i32>} : memref<4x128xi32, #tpu.memory_space<vmem>>, vector<16xi32>,
    tpu.vector_store %arg11[%swap3A_537, %swap3A_538], %gather3A_535 {strides = array<i32>} : memref<4x128xi32, #tpu.memory_space<vmem>>, vector<16xi32>,
    %add3A_540 = arith.constant 1 : i32
    %add3A_541 = vector.broadcast %add3A_540 : i32 to vector<16xi32>
    %add3A_542 = arith.addi %mul3A_534, %add3A_541 : vector<16xi32>
    %gather3A_543 = tpu.vector_load_idx %arg10[%add3A_542] : memref<1024xi32, #tpu.memory_space<vmem>>[vector<16xi32>], vector<16xi32>,
    %swap3A_544 = arith.constant 3 : i32
    %swap3A_545 = arith.index_cast %swap3A_544 : i32 to index
    %swap3A_546 = arith.constant 48 : index
    %swap3A_547 = tpu.vector_load %arg12[%swap3A_545, %swap3A_546] {strides = array<i32>} : memref<4x128xi32, #tpu.memory_space<vmem>>, vector<16xi32>,
    tpu.vector_store %arg12[%swap3A_545, %swap3A_546], %gather3A_543 {strides = array<i32>} : memref<4x128xi32, #tpu.memory_space<vmem>>, vector<16xi32>,
    %add3A_548 = arith.constant 448 : i32
    %add3A_549 = vector.broadcast %add3A_548 : i32 to vector<16xi32>
    %add3A_550 = arith.addi %iota3A, %add3A_549 : vector<16xi32>
    %mul3A_551 = arith.constant 2 : i32
    %mul3A_552 = vector.broadcast %mul3A_551 : i32 to vector<16xi32>
    %mul3A_553 = arith.muli %mul3A_552, %add3A_550 : vector<16xi32>
    %gather3A_554 = tpu.vector_load_idx %arg10[%mul3A_553] : memref<1024xi32, #tpu.memory_space<vmem>>[vector<16xi32>], vector<16xi32>,
    %swap3A_555 = arith.constant 3 : i32
    %swap3A_556 = arith.index_cast %swap3A_555 : i32 to index
    %swap3A_557 = arith.constant 64 : index
    %swap3A_558 = tpu.vector_load %arg11[%swap3A_556, %swap3A_557] {strides = array<i32>} : memref<4x128xi32, #tpu.memory_space<vmem>>, vector<16xi32>,
    tpu.vector_store %arg11[%swap3A_556, %swap3A_557], %gather3A_554 {strides = array<i32>} : memref<4x128xi32, #tpu.memory_space<vmem>>, vector<16xi32>,
    %add3A_559 = arith.constant 1 : i32
    %add3A_560 = vector.broadcast %add3A_559 : i32 to vector<16xi32>
    %add3A_561 = arith.addi %mul3A_553, %add3A_560 : vector<16xi32>
    %gather3A_562 = tpu.vector_load_idx %arg10[%add3A_561] : memref<1024xi32, #tpu.memory_space<vmem>>[vector<16xi32>], vector<16xi32>,
    %swap3A_563 = arith.constant 3 : i32
    %swap3A_564 = arith.index_cast %swap3A_563 : i32 to index
    %swap3A_565 = arith.constant 64 : index
    %swap3A_566 = tpu.vector_load %arg12[%swap3A_564, %swap3A_565] {strides = array<i32>} : memref<4x128xi32, #tpu.memory_space<vmem>>, vector<16xi32>,
    tpu.vector_store %arg12[%swap3A_564, %swap3A_565], %gather3A_562 {strides = array<i32>} : memref<4x128xi32, #tpu.memory_space<vmem>>, vector<16xi32>,
    %add3A_567 = arith.constant 464 : i32
    %add3A_568 = vector.broadcast %add3A_567 : i32 to vector<16xi32>
    %add3A_569 = arith.addi %iota3A, %add3A_568 : vector<16xi32>
    %mul3A_570 = arith.constant 2 : i32
    %mul3A_571 = vector.broadcast %mul3A_570 : i32 to vector<16xi32>
    %mul3A_572 = arith.muli %mul3A_571, %add3A_569 : vector<16xi32>
    %gather3A_573 = tpu.vector_load_idx %arg10[%mul3A_572] : memref<1024xi32, #tpu.memory_space<vmem>>[vector<16xi32>], vector<16xi32>,
    %swap3A_574 = arith.constant 3 : i32
    %swap3A_575 = arith.index_cast %swap3A_574 : i32 to index
    %swap3A_576 = arith.constant 80 : index
    %swap3A_577 = tpu.vector_load %arg11[%swap3A_575, %swap3A_576] {strides = array<i32>} : memref<4x128xi32, #tpu.memory_space<vmem>>, vector<16xi32>,
    tpu.vector_store %arg11[%swap3A_575, %swap3A_576], %gather3A_573 {strides = array<i32>} : memref<4x128xi32, #tpu.memory_space<vmem>>, vector<16xi32>,
    %add3A_578 = arith.constant 1 : i32
    %add3A_579 = vector.broadcast %add3A_578 : i32 to vector<16xi32>
    %add3A_580 = arith.addi %mul3A_572, %add3A_579 : vector<16xi32>
    %gather3A_581 = tpu.vector_load_idx %arg10[%add3A_580] : memref<1024xi32, #tpu.memory_space<vmem>>[vector<16xi32>], vector<16xi32>,
    %swap3A_582 = arith.constant 3 : i32
    %swap3A_583 = arith.index_cast %swap3A_582 : i32 to index
    %swap3A_584 = arith.constant 80 : index
    %swap3A_585 = tpu.vector_load %arg12[%swap3A_583, %swap3A_584] {strides = array<i32>} : memref<4x128xi32, #tpu.memory_space<vmem>>, vector<16xi32>,
    tpu.vector_store %arg12[%swap3A_583, %swap3A_584], %gather3A_581 {strides = array<i32>} : memref<4x128xi32, #tpu.memory_space<vmem>>, vector<16xi32>,
    %add3A_586 = arith.constant 480 : i32
    %add3A_587 = vector.broadcast %add3A_586 : i32 to vector<16xi32>
    %add3A_588 = arith.addi %iota3A, %add3A_587 : vector<16xi32>
    %mul3A_589 = arith.constant 2 : i32
    %mul3A_590 = vector.broadcast %mul3A_589 : i32 to vector<16xi32>
    %mul3A_591 = arith.muli %mul3A_590, %add3A_588 : vector<16xi32>
    %gather3A_592 = tpu.vector_load_idx %arg10[%mul3A_591] : memref<1024xi32, #tpu.memory_space<vmem>>[vector<16xi32>], vector<16xi32>,
    %swap3A_593 = arith.constant 3 : i32
    %swap3A_594 = arith.index_cast %swap3A_593 : i32 to index
    %swap3A_595 = arith.constant 96 : index
    %swap3A_596 = tpu.vector_load %arg11[%swap3A_594, %swap3A_595] {strides = array<i32>} : memref<4x128xi32, #tpu.memory_space<vmem>>, vector<16xi32>,
    tpu.vector_store %arg11[%swap3A_594, %swap3A_595], %gather3A_592 {strides = array<i32>} : memref<4x128xi32, #tpu.memory_space<vmem>>, vector<16xi32>,
    %add3A_597 = arith.constant 1 : i32
    %add3A_598 = vector.broadcast %add3A_597 : i32 to vector<16xi32>
    %add3A_599 = arith.addi %mul3A_591, %add3A_598 : vector<16xi32>
    %gather3A_600 = tpu.vector_load_idx %arg10[%add3A_599] : memref<1024xi32, #tpu.memory_space<vmem>>[vector<16xi32>], vector<16xi32>,
    %swap3A_601 = arith.constant 3 : i32
    %swap3A_602 = arith.index_cast %swap3A_601 : i32 to index
    %swap3A_603 = arith.constant 96 : index
    %swap3A_604 = tpu.vector_load %arg12[%swap3A_602, %swap3A_603] {strides = array<i32>} : memref<4x128xi32, #tpu.memory_space<vmem>>, vector<16xi32>,
    tpu.vector_store %arg12[%swap3A_602, %swap3A_603], %gather3A_600 {strides = array<i32>} : memref<4x128xi32, #tpu.memory_space<vmem>>, vector<16xi32>,
    %add3A_605 = arith.constant 496 : i32
    %add3A_606 = vector.broadcast %add3A_605 : i32 to vector<16xi32>
    %add3A_607 = arith.addi %iota3A, %add3A_606 : vector<16xi32>
    %mul3A_608 = arith.constant 2 : i32
    %mul3A_609 = vector.broadcast %mul3A_608 : i32 to vector<16xi32>
    %mul3A_610 = arith.muli %mul3A_609, %add3A_607 : vector<16xi32>
    %gather3A_611 = tpu.vector_load_idx %arg10[%mul3A_610] : memref<1024xi32, #tpu.memory_space<vmem>>[vector<16xi32>], vector<16xi32>,
    %swap3A_612 = arith.constant 3 : i32
    %swap3A_613 = arith.index_cast %swap3A_612 : i32 to index
    %swap3A_614 = arith.constant 112 : index
    %swap3A_615 = tpu.vector_load %arg11[%swap3A_613, %swap3A_614] {strides = array<i32>} : memref<4x128xi32, #tpu.memory_space<vmem>>, vector<16xi32>,
    tpu.vector_store %arg11[%swap3A_613, %swap3A_614], %gather3A_611 {strides = array<i32>} : memref<4x128xi32, #tpu.memory_space<vmem>>, vector<16xi32>,
    %add3A_616 = arith.constant 1 : i32
    %add3A_617 = vector.broadcast %add3A_616 : i32 to vector<16xi32>
    %add3A_618 = arith.addi %mul3A_610, %add3A_617 : vector<16xi32>
    %gather3A_619 = tpu.vector_load_idx %arg10[%add3A_618] : memref<1024xi32, #tpu.memory_space<vmem>>[vector<16xi32>], vector<16xi32>,
    %swap3A_620 = arith.constant 3 : i32
    %swap3A_621 = arith.index_cast %swap3A_620 : i32 to index
    %swap3A_622 = arith.constant 112 : index
    %swap3A_623 = tpu.vector_load %arg12[%swap3A_621, %swap3A_622] {strides = array<i32>} : memref<4x128xi32, #tpu.memory_space<vmem>>, vector<16xi32>,
    tpu.vector_store %arg12[%swap3A_621, %swap3A_622], %gather3A_619 {strides = array<i32>} : memref<4x128xi32, #tpu.memory_space<vmem>>, vector<16xi32>,
    %barrier3A = arith.constant 0 : index
    tpu.barrier barrier_id(%barrier3A)
    %dma_start3A = arith.constant 0 : i32
    %dma_start3A_624 = arith.constant 0 : i32
    %dma_start3A_625 = arith.constant 0 : i32
    %dma_start3A_626 = tpu.memref_slice %arg13[%dma_start3A_624, %dma_start3A_625] : memref<512x64xf32, #tpu.memory_space<vmem>> -> memref<128x64xf32, #tpu.memory_space<vmem>>
    %dma_start3A_627 = arith.constant 0 : i32
    %dma_start3A_628 = tpu.memref_slice %arg11[%dma_start3A, %dma_start3A_627] : memref<4x128xi32, #tpu.memory_space<vmem>> -> memref<1x128xi32, #tpu.memory_space<vmem>>
    %dma_start3A_629 = tpu.memref_squeeze %dma_start3A_628 : memref<1x128xi32, #tpu.memory_space<vmem>> -> memref<128xi32, #tpu.memory_space<vmem>>
    %dma_start3A_630 = arith.constant 0 : i32
    %dma_start3A_631 = arith.constant 0 : i32
    %dma_start3A_632 = tpu.memref_slice %arg3[%dma_start3A_630, %dma_start3A_631] : memref<1000000x64xf32, #tpu.memory_space<hbm>> -> memref<1000000x64xf32, #tpu.memory_space<hbm>>
    tpu.enqueue_indirect_dma source(%dma_start3A_632 : memref<1000000x64xf32, #tpu.memory_space<hbm>>) target(%dma_start3A_626 : memref<128x64xf32, #tpu.memory_space<vmem>>) offsets(%dma_start3A_629 : memref<128xi32, #tpu.memory_space<vmem>>) semaphore(%arg20 : memref<!tpu.dma_semaphore, #tpu.memory_space<semaphore_mem>>)
    %dma_start3A_633 = arith.constant 0 : i32
    %dma_start3A_634 = arith.constant 0 : i32
    %dma_start3A_635 = arith.constant 0 : i32
    %dma_start3A_636 = tpu.memref_slice %arg14[%dma_start3A_634, %dma_start3A_635] : memref<512x64xf32, #tpu.memory_space<vmem>> -> memref<128x64xf32, #tpu.memory_space<vmem>>
    %dma_start3A_637 = arith.constant 0 : i32
    %dma_start3A_638 = tpu.memref_slice %arg12[%dma_start3A_633, %dma_start3A_637] : memref<4x128xi32, #tpu.memory_space<vmem>> -> memref<1x128xi32, #tpu.memory_space<vmem>>
    %dma_start3A_639 = tpu.memref_squeeze %dma_start3A_638 : memref<1x128xi32, #tpu.memory_space<vmem>> -> memref<128xi32, #tpu.memory_space<vmem>>
    %dma_start3A_640 = arith.constant 0 : i32
    %dma_start3A_641 = arith.constant 0 : i32
    %dma_start3A_642 = tpu.memref_slice %arg5[%dma_start3A_640, %dma_start3A_641] : memref<1000000x64xf32, #tpu.memory_space<hbm>> -> memref<1000000x64xf32, #tpu.memory_space<hbm>>
    tpu.enqueue_indirect_dma source(%dma_start3A_642 : memref<1000000x64xf32, #tpu.memory_space<hbm>>) target(%dma_start3A_636 : memref<128x64xf32, #tpu.memory_space<vmem>>) offsets(%dma_start3A_639 : memref<128xi32, #tpu.memory_space<vmem>>) semaphore(%arg20 : memref<!tpu.dma_semaphore, #tpu.memory_space<semaphore_mem>>)
    %dma_start3A_643 = arith.constant 0 : i32
    %dma_start3A_644 = arith.constant 0 : i32
    %dma_start3A_645 = tpu.memref_slice %arg15[%dma_start3A_644] : memref<512xf32, #tpu.memory_space<vmem>> -> memref<128xf32, #tpu.memory_space<vmem>>
    %dma_start3A_646 = arith.constant 0 : i32
    %dma_start3A_647 = tpu.memref_slice %arg11[%dma_start3A_643, %dma_start3A_646] : memref<4x128xi32, #tpu.memory_space<vmem>> -> memref<1x128xi32, #tpu.memory_space<vmem>>
    %dma_start3A_648 = tpu.memref_squeeze %dma_start3A_647 : memref<1x128xi32, #tpu.memory_space<vmem>> -> memref<128xi32, #tpu.memory_space<vmem>>
    %dma_start3A_649 = arith.constant 0 : i32
    %dma_start3A_650 = tpu.memref_slice %arg4[%dma_start3A_649] : memref<1000000xf32, #tpu.memory_space<hbm>> -> memref<1000000xf32, #tpu.memory_space<hbm>>
    tpu.enqueue_indirect_dma source(%dma_start3A_650 : memref<1000000xf32, #tpu.memory_space<hbm>>) target(%dma_start3A_645 : memref<128xf32, #tpu.memory_space<vmem>>) offsets(%dma_start3A_648 : memref<128xi32, #tpu.memory_space<vmem>>) semaphore(%arg20 : memref<!tpu.dma_semaphore, #tpu.memory_space<semaphore_mem>>)
    %dma_start3A_651 = arith.constant 0 : i32
    %dma_start3A_652 = arith.constant 0 : i32
    %dma_start3A_653 = tpu.memref_slice %arg16[%dma_start3A_652] : memref<512xf32, #tpu.memory_space<vmem>> -> memref<128xf32, #tpu.memory_space<vmem>>
    %dma_start3A_654 = arith.constant 0 : i32
    %dma_start3A_655 = tpu.memref_slice %arg12[%dma_start3A_651, %dma_start3A_654] : memref<4x128xi32, #tpu.memory_space<vmem>> -> memref<1x128xi32, #tpu.memory_space<vmem>>
    %dma_start3A_656 = tpu.memref_squeeze %dma_start3A_655 : memref<1x128xi32, #tpu.memory_space<vmem>> -> memref<128xi32, #tpu.memory_space<vmem>>
    %dma_start3A_657 = arith.constant 0 : i32
    %dma_start3A_658 = tpu.memref_slice %arg6[%dma_start3A_657] : memref<1000000xf32, #tpu.memory_space<hbm>> -> memref<1000000xf32, #tpu.memory_space<hbm>>
    tpu.enqueue_indirect_dma source(%dma_start3A_658 : memref<1000000xf32, #tpu.memory_space<hbm>>) target(%dma_start3A_653 : memref<128xf32, #tpu.memory_space<vmem>>) offsets(%dma_start3A_656 : memref<128xi32, #tpu.memory_space<vmem>>) semaphore(%arg20 : memref<!tpu.dma_semaphore, #tpu.memory_space<semaphore_mem>>)
    %dma_start3A_659 = arith.constant 1 : i32
    %dma_start3A_660 = arith.constant 128 : i32
    %dma_start3A_661 = arith.constant 0 : i32
    %dma_start3A_662 = tpu.memref_slice %arg13[%dma_start3A_660, %dma_start3A_661] : memref<512x64xf32, #tpu.memory_space<vmem>> -> memref<128x64xf32, #tpu.memory_space<vmem>>
    %dma_start3A_663 = arith.constant 0 : i32
    %dma_start3A_664 = tpu.memref_slice %arg11[%dma_start3A_659, %dma_start3A_663] : memref<4x128xi32, #tpu.memory_space<vmem>> -> memref<1x128xi32, #tpu.memory_space<vmem>>
    %dma_start3A_665 = tpu.memref_squeeze %dma_start3A_664 : memref<1x128xi32, #tpu.memory_space<vmem>> -> memref<128xi32, #tpu.memory_space<vmem>>
    %dma_start3A_666 = arith.constant 0 : i32
    %dma_start3A_667 = arith.constant 0 : i32
    %dma_start3A_668 = tpu.memref_slice %arg3[%dma_start3A_666, %dma_start3A_667] : memref<1000000x64xf32, #tpu.memory_space<hbm>> -> memref<1000000x64xf32, #tpu.memory_space<hbm>>
    tpu.enqueue_indirect_dma source(%dma_start3A_668 : memref<1000000x64xf32, #tpu.memory_space<hbm>>) target(%dma_start3A_662 : memref<128x64xf32, #tpu.memory_space<vmem>>) offsets(%dma_start3A_665 : memref<128xi32, #tpu.memory_space<vmem>>) semaphore(%arg20 : memref<!tpu.dma_semaphore, #tpu.memory_space<semaphore_mem>>)
    %dma_start3A_669 = arith.constant 1 : i32
    %dma_start3A_670 = arith.constant 128 : i32
    %dma_start3A_671 = arith.constant 0 : i32
    %dma_start3A_672 = tpu.memref_slice %arg14[%dma_start3A_670, %dma_start3A_671] : memref<512x64xf32, #tpu.memory_space<vmem>> -> memref<128x64xf32, #tpu.memory_space<vmem>>
    %dma_start3A_673 = arith.constant 0 : i32
    %dma_start3A_674 = tpu.memref_slice %arg12[%dma_start3A_669, %dma_start3A_673] : memref<4x128xi32, #tpu.memory_space<vmem>> -> memref<1x128xi32, #tpu.memory_space<vmem>>
    %dma_start3A_675 = tpu.memref_squeeze %dma_start3A_674 : memref<1x128xi32, #tpu.memory_space<vmem>> -> memref<128xi32, #tpu.memory_space<vmem>>
    %dma_start3A_676 = arith.constant 0 : i32
    %dma_start3A_677 = arith.constant 0 : i32
    %dma_start3A_678 = tpu.memref_slice %arg5[%dma_start3A_676, %dma_start3A_677] : memref<1000000x64xf32, #tpu.memory_space<hbm>> -> memref<1000000x64xf32, #tpu.memory_space<hbm>>
    tpu.enqueue_indirect_dma source(%dma_start3A_678 : memref<1000000x64xf32, #tpu.memory_space<hbm>>) target(%dma_start3A_672 : memref<128x64xf32, #tpu.memory_space<vmem>>) offsets(%dma_start3A_675 : memref<128xi32, #tpu.memory_space<vmem>>) semaphore(%arg20 : memref<!tpu.dma_semaphore, #tpu.memory_space<semaphore_mem>>)
    %dma_start3A_679 = arith.constant 1 : i32
    %dma_start3A_680 = arith.constant 128 : i32
    %dma_start3A_681 = tpu.memref_slice %arg15[%dma_start3A_680] : memref<512xf32, #tpu.memory_space<vmem>> -> memref<128xf32, #tpu.memory_space<vmem>>
    %dma_start3A_682 = arith.constant 0 : i32
    %dma_start3A_683 = tpu.memref_slice %arg11[%dma_start3A_679, %dma_start3A_682] : memref<4x128xi32, #tpu.memory_space<vmem>> -> memref<1x128xi32, #tpu.memory_space<vmem>>
    %dma_start3A_684 = tpu.memref_squeeze %dma_start3A_683 : memref<1x128xi32, #tpu.memory_space<vmem>> -> memref<128xi32, #tpu.memory_space<vmem>>
    %dma_start3A_685 = arith.constant 0 : i32
    %dma_start3A_686 = tpu.memref_slice %arg4[%dma_start3A_685] : memref<1000000xf32, #tpu.memory_space<hbm>> -> memref<1000000xf32, #tpu.memory_space<hbm>>
    tpu.enqueue_indirect_dma source(%dma_start3A_686 : memref<1000000xf32, #tpu.memory_space<hbm>>) target(%dma_start3A_681 : memref<128xf32, #tpu.memory_space<vmem>>) offsets(%dma_start3A_684 : memref<128xi32, #tpu.memory_space<vmem>>) semaphore(%arg20 : memref<!tpu.dma_semaphore, #tpu.memory_space<semaphore_mem>>)
    %dma_start3A_687 = arith.constant 1 : i32
    %dma_start3A_688 = arith.constant 128 : i32
    %dma_start3A_689 = tpu.memref_slice %arg16[%dma_start3A_688] : memref<512xf32, #tpu.memory_space<vmem>> -> memref<128xf32, #tpu.memory_space<vmem>>
    %dma_start3A_690 = arith.constant 0 : i32
    %dma_start3A_691 = tpu.memref_slice %arg12[%dma_start3A_687, %dma_start3A_690] : memref<4x128xi32, #tpu.memory_space<vmem>> -> memref<1x128xi32, #tpu.memory_space<vmem>>
    %dma_start3A_692 = tpu.memref_squeeze %dma_start3A_691 : memref<1x128xi32, #tpu.memory_space<vmem>> -> memref<128xi32, #tpu.memory_space<vmem>>
    %dma_start3A_693 = arith.constant 0 : i32
    %dma_start3A_694 = tpu.memref_slice %arg6[%dma_start3A_693] : memref<1000000xf32, #tpu.memory_space<hbm>> -> memref<1000000xf32, #tpu.memory_space<hbm>>
    tpu.enqueue_indirect_dma source(%dma_start3A_694 : memref<1000000xf32, #tpu.memory_space<hbm>>) target(%dma_start3A_689 : memref<128xf32, #tpu.memory_space<vmem>>) offsets(%dma_start3A_692 : memref<128xi32, #tpu.memory_space<vmem>>) semaphore(%arg20 : memref<!tpu.dma_semaphore, #tpu.memory_space<semaphore_mem>>)
    %dma_start3A_695 = arith.constant 2 : i32
    %dma_start3A_696 = arith.constant 256 : i32
    %dma_start3A_697 = arith.constant 0 : i32
    %dma_start3A_698 = tpu.memref_slice %arg13[%dma_start3A_696, %dma_start3A_697] : memref<512x64xf32, #tpu.memory_space<vmem>> -> memref<128x64xf32, #tpu.memory_space<vmem>>
    %dma_start3A_699 = arith.constant 0 : i32
    %dma_start3A_700 = tpu.memref_slice %arg11[%dma_start3A_695, %dma_start3A_699] : memref<4x128xi32, #tpu.memory_space<vmem>> -> memref<1x128xi32, #tpu.memory_space<vmem>>
    %dma_start3A_701 = tpu.memref_squeeze %dma_start3A_700 : memref<1x128xi32, #tpu.memory_space<vmem>> -> memref<128xi32, #tpu.memory_space<vmem>>
    %dma_start3A_702 = arith.constant 0 : i32
    %dma_start3A_703 = arith.constant 0 : i32
    %dma_start3A_704 = tpu.memref_slice %arg3[%dma_start3A_702, %dma_start3A_703] : memref<1000000x64xf32, #tpu.memory_space<hbm>> -> memref<1000000x64xf32, #tpu.memory_space<hbm>>
    tpu.enqueue_indirect_dma source(%dma_start3A_704 : memref<1000000x64xf32, #tpu.memory_space<hbm>>) target(%dma_start3A_698 : memref<128x64xf32, #tpu.memory_space<vmem>>) offsets(%dma_start3A_701 : memref<128xi32, #tpu.memory_space<vmem>>) semaphore(%arg20 : memref<!tpu.dma_semaphore, #tpu.memory_space<semaphore_mem>>)
    %dma_start3A_705 = arith.constant 2 : i32
    %dma_start3A_706 = arith.constant 256 : i32
    %dma_start3A_707 = arith.constant 0 : i32
    %dma_start3A_708 = tpu.memref_slice %arg14[%dma_start3A_706, %dma_start3A_707] : memref<512x64xf32, #tpu.memory_space<vmem>> -> memref<128x64xf32, #tpu.memory_space<vmem>>
    %dma_start3A_709 = arith.constant 0 : i32
    %dma_start3A_710 = tpu.memref_slice %arg12[%dma_start3A_705, %dma_start3A_709] : memref<4x128xi32, #tpu.memory_space<vmem>> -> memref<1x128xi32, #tpu.memory_space<vmem>>
    %dma_start3A_711 = tpu.memref_squeeze %dma_start3A_710 : memref<1x128xi32, #tpu.memory_space<vmem>> -> memref<128xi32, #tpu.memory_space<vmem>>
    %dma_start3A_712 = arith.constant 0 : i32
    %dma_start3A_713 = arith.constant 0 : i32
    %dma_start3A_714 = tpu.memref_slice %arg5[%dma_start3A_712, %dma_start3A_713] : memref<1000000x64xf32, #tpu.memory_space<hbm>> -> memref<1000000x64xf32, #tpu.memory_space<hbm>>
    tpu.enqueue_indirect_dma source(%dma_start3A_714 : memref<1000000x64xf32, #tpu.memory_space<hbm>>) target(%dma_start3A_708 : memref<128x64xf32, #tpu.memory_space<vmem>>) offsets(%dma_start3A_711 : memref<128xi32, #tpu.memory_space<vmem>>) semaphore(%arg20 : memref<!tpu.dma_semaphore, #tpu.memory_space<semaphore_mem>>)
    %dma_start3A_715 = arith.constant 2 : i32
    %dma_start3A_716 = arith.constant 256 : i32
    %dma_start3A_717 = tpu.memref_slice %arg15[%dma_start3A_716] : memref<512xf32, #tpu.memory_space<vmem>> -> memref<128xf32, #tpu.memory_space<vmem>>
    %dma_start3A_718 = arith.constant 0 : i32
    %dma_start3A_719 = tpu.memref_slice %arg11[%dma_start3A_715, %dma_start3A_718] : memref<4x128xi32, #tpu.memory_space<vmem>> -> memref<1x128xi32, #tpu.memory_space<vmem>>
    %dma_start3A_720 = tpu.memref_squeeze %dma_start3A_719 : memref<1x128xi32, #tpu.memory_space<vmem>> -> memref<128xi32, #tpu.memory_space<vmem>>
    %dma_start3A_721 = arith.constant 0 : i32
    %dma_start3A_722 = tpu.memref_slice %arg4[%dma_start3A_721] : memref<1000000xf32, #tpu.memory_space<hbm>> -> memref<1000000xf32, #tpu.memory_space<hbm>>
    tpu.enqueue_indirect_dma source(%dma_start3A_722 : memref<1000000xf32, #tpu.memory_space<hbm>>) target(%dma_start3A_717 : memref<128xf32, #tpu.memory_space<vmem>>) offsets(%dma_start3A_720 : memref<128xi32, #tpu.memory_space<vmem>>) semaphore(%arg20 : memref<!tpu.dma_semaphore, #tpu.memory_space<semaphore_mem>>)
    %dma_start3A_723 = arith.constant 2 : i32
    %dma_start3A_724 = arith.constant 256 : i32
    %dma_start3A_725 = tpu.memref_slice %arg16[%dma_start3A_724] : memref<512xf32, #tpu.memory_space<vmem>> -> memref<128xf32, #tpu.memory_space<vmem>>
    %dma_start3A_726 = arith.constant 0 : i32
    %dma_start3A_727 = tpu.memref_slice %arg12[%dma_start3A_723, %dma_start3A_726] : memref<4x128xi32, #tpu.memory_space<vmem>> -> memref<1x128xi32, #tpu.memory_space<vmem>>
    %dma_start3A_728 = tpu.memref_squeeze %dma_start3A_727 : memref<1x128xi32, #tpu.memory_space<vmem>> -> memref<128xi32, #tpu.memory_space<vmem>>
    %dma_start3A_729 = arith.constant 0 : i32
    %dma_start3A_730 = tpu.memref_slice %arg6[%dma_start3A_729] : memref<1000000xf32, #tpu.memory_space<hbm>> -> memref<1000000xf32, #tpu.memory_space<hbm>>
    tpu.enqueue_indirect_dma source(%dma_start3A_730 : memref<1000000xf32, #tpu.memory_space<hbm>>) target(%dma_start3A_725 : memref<128xf32, #tpu.memory_space<vmem>>) offsets(%dma_start3A_728 : memref<128xi32, #tpu.memory_space<vmem>>) semaphore(%arg20 : memref<!tpu.dma_semaphore, #tpu.memory_space<semaphore_mem>>)
    %dma_start3A_731 = arith.constant 3 : i32
    %dma_start3A_732 = arith.constant 384 : i32
    %dma_start3A_733 = arith.constant 0 : i32
    %dma_start3A_734 = tpu.memref_slice %arg13[%dma_start3A_732, %dma_start3A_733] : memref<512x64xf32, #tpu.memory_space<vmem>> -> memref<128x64xf32, #tpu.memory_space<vmem>>
    %dma_start3A_735 = arith.constant 0 : i32
    %dma_start3A_736 = tpu.memref_slice %arg11[%dma_start3A_731, %dma_start3A_735] : memref<4x128xi32, #tpu.memory_space<vmem>> -> memref<1x128xi32, #tpu.memory_space<vmem>>
    %dma_start3A_737 = tpu.memref_squeeze %dma_start3A_736 : memref<1x128xi32, #tpu.memory_space<vmem>> -> memref<128xi32, #tpu.memory_space<vmem>>
    %dma_start3A_738 = arith.constant 0 : i32
    %dma_start3A_739 = arith.constant 0 : i32
    %dma_start3A_740 = tpu.memref_slice %arg3[%dma_start3A_738, %dma_start3A_739] : memref<1000000x64xf32, #tpu.memory_space<hbm>> -> memref<1000000x64xf32, #tpu.memory_space<hbm>>
    tpu.enqueue_indirect_dma source(%dma_start3A_740 : memref<1000000x64xf32, #tpu.memory_space<hbm>>) target(%dma_start3A_734 : memref<128x64xf32, #tpu.memory_space<vmem>>) offsets(%dma_start3A_737 : memref<128xi32, #tpu.memory_space<vmem>>) semaphore(%arg20 : memref<!tpu.dma_semaphore, #tpu.memory_space<semaphore_mem>>)
    %dma_start3A_741 = arith.constant 3 : i32
    %dma_start3A_742 = arith.constant 384 : i32
    %dma_start3A_743 = arith.constant 0 : i32
    %dma_start3A_744 = tpu.memref_slice %arg14[%dma_start3A_742, %dma_start3A_743] : memref<512x64xf32, #tpu.memory_space<vmem>> -> memref<128x64xf32, #tpu.memory_space<vmem>>
    %dma_start3A_745 = arith.constant 0 : i32
    %dma_start3A_746 = tpu.memref_slice %arg12[%dma_start3A_741, %dma_start3A_745] : memref<4x128xi32, #tpu.memory_space<vmem>> -> memref<1x128xi32, #tpu.memory_space<vmem>>
    %dma_start3A_747 = tpu.memref_squeeze %dma_start3A_746 : memref<1x128xi32, #tpu.memory_space<vmem>> -> memref<128xi32, #tpu.memory_space<vmem>>
    %dma_start3A_748 = arith.constant 0 : i32
    %dma_start3A_749 = arith.constant 0 : i32
    %dma_start3A_750 = tpu.memref_slice %arg5[%dma_start3A_748, %dma_start3A_749] : memref<1000000x64xf32, #tpu.memory_space<hbm>> -> memref<1000000x64xf32, #tpu.memory_space<hbm>>
    tpu.enqueue_indirect_dma source(%dma_start3A_750 : memref<1000000x64xf32, #tpu.memory_space<hbm>>) target(%dma_start3A_744 : memref<128x64xf32, #tpu.memory_space<vmem>>) offsets(%dma_start3A_747 : memref<128xi32, #tpu.memory_space<vmem>>) semaphore(%arg20 : memref<!tpu.dma_semaphore, #tpu.memory_space<semaphore_mem>>)
    %dma_start3A_751 = arith.constant 3 : i32
    %dma_start3A_752 = arith.constant 384 : i32
    %dma_start3A_753 = tpu.memref_slice %arg15[%dma_start3A_752] : memref<512xf32, #tpu.memory_space<vmem>> -> memref<128xf32, #tpu.memory_space<vmem>>
    %dma_start3A_754 = arith.constant 0 : i32
    %dma_start3A_755 = tpu.memref_slice %arg11[%dma_start3A_751, %dma_start3A_754] : memref<4x128xi32, #tpu.memory_space<vmem>> -> memref<1x128xi32, #tpu.memory_space<vmem>>
    %dma_start3A_756 = tpu.memref_squeeze %dma_start3A_755 : memref<1x128xi32, #tpu.memory_space<vmem>> -> memref<128xi32, #tpu.memory_space<vmem>>
    %dma_start3A_757 = arith.constant 0 : i32
    %dma_start3A_758 = tpu.memref_slice %arg4[%dma_start3A_757] : memref<1000000xf32, #tpu.memory_space<hbm>> -> memref<1000000xf32, #tpu.memory_space<hbm>>
    tpu.enqueue_indirect_dma source(%dma_start3A_758 : memref<1000000xf32, #tpu.memory_space<hbm>>) target(%dma_start3A_753 : memref<128xf32, #tpu.memory_space<vmem>>) offsets(%dma_start3A_756 : memref<128xi32, #tpu.memory_space<vmem>>) semaphore(%arg20 : memref<!tpu.dma_semaphore, #tpu.memory_space<semaphore_mem>>)
    %dma_start3A_759 = arith.constant 3 : i32
    %dma_start3A_760 = arith.constant 384 : i32
    %dma_start3A_761 = tpu.memref_slice %arg16[%dma_start3A_760] : memref<512xf32, #tpu.memory_space<vmem>> -> memref<128xf32, #tpu.memory_space<vmem>>
    %dma_start3A_762 = arith.constant 0 : i32
    %dma_start3A_763 = tpu.memref_slice %arg12[%dma_start3A_759, %dma_start3A_762] : memref<4x128xi32, #tpu.memory_space<vmem>> -> memref<1x128xi32, #tpu.memory_space<vmem>>
    %dma_start3A_764 = tpu.memref_squeeze %dma_start3A_763 : memref<1x128xi32, #tpu.memory_space<vmem>> -> memref<128xi32, #tpu.memory_space<vmem>>
    %dma_start3A_765 = arith.constant 0 : i32
    %dma_start3A_766 = tpu.memref_slice %arg6[%dma_start3A_765] : memref<1000000xf32, #tpu.memory_space<hbm>> -> memref<1000000xf32, #tpu.memory_space<hbm>>
    tpu.enqueue_indirect_dma source(%dma_start3A_766 : memref<1000000xf32, #tpu.memory_space<hbm>>) target(%dma_start3A_761 : memref<128xf32, #tpu.memory_space<vmem>>) offsets(%dma_start3A_764 : memref<128xi32, #tpu.memory_space<vmem>>) semaphore(%arg20 : memref<!tpu.dma_semaphore, #tpu.memory_space<semaphore_mem>>)
    %dma_wait3A = arith.constant 0 : i32
    %dma_wait3A_767 = arith.constant 0 : i32
    %dma_wait3A_768 = arith.constant 0 : i32
    %dma_wait3A_769 = tpu.memref_slice %arg13[%dma_wait3A_767, %dma_wait3A_768] : memref<512x64xf32, #tpu.memory_space<vmem>> -> memref<128x64xf32, #tpu.memory_space<vmem>>
    %dma_wait3A_770 = arith.constant 0 : i32
    %dma_wait3A_771 = tpu.memref_slice %arg11[%dma_wait3A, %dma_wait3A_770] : memref<4x128xi32, #tpu.memory_space<vmem>> -> memref<1x128xi32, #tpu.memory_space<vmem>>
    %dma_wait3A_772 = tpu.memref_squeeze %dma_wait3A_771 : memref<1x128xi32, #tpu.memory_space<vmem>> -> memref<128xi32, #tpu.memory_space<vmem>>
    %dma_wait3A_773 = arith.constant 0 : i32
    %dma_wait3A_774 = arith.constant 0 : i32
    %dma_wait3A_775 = tpu.memref_slice %arg3[%dma_wait3A_773, %dma_wait3A_774] : memref<1000000x64xf32, #tpu.memory_space<hbm>> -> memref<1000000x64xf32, #tpu.memory_space<hbm>>
    tpu.wait_indirect_dma semaphore(%arg20 : memref<!tpu.dma_semaphore, #tpu.memory_space<semaphore_mem>>) src(%dma_wait3A_775 : memref<1000000x64xf32, #tpu.memory_space<hbm>>) dst(%dma_wait3A_769 : memref<128x64xf32, #tpu.memory_space<vmem>>)
    %dma_wait3A_776 = arith.constant 0 : i32
    %dma_wait3A_777 = arith.constant 0 : i32
    %dma_wait3A_778 = arith.constant 0 : i32
    %dma_wait3A_779 = tpu.memref_slice %arg14[%dma_wait3A_777, %dma_wait3A_778] : memref<512x64xf32, #tpu.memory_space<vmem>> -> memref<128x64xf32, #tpu.memory_space<vmem>>
    %dma_wait3A_780 = arith.constant 0 : i32
    %dma_wait3A_781 = tpu.memref_slice %arg12[%dma_wait3A_776, %dma_wait3A_780] : memref<4x128xi32, #tpu.memory_space<vmem>> -> memref<1x128xi32, #tpu.memory_space<vmem>>
    %dma_wait3A_782 = tpu.memref_squeeze %dma_wait3A_781 : memref<1x128xi32, #tpu.memory_space<vmem>> -> memref<128xi32, #tpu.memory_space<vmem>>
    %dma_wait3A_783 = arith.constant 0 : i32
    %dma_wait3A_784 = arith.constant 0 : i32
    %dma_wait3A_785 = tpu.memref_slice %arg5[%dma_wait3A_783, %dma_wait3A_784] : memref<1000000x64xf32, #tpu.memory_space<hbm>> -> memref<1000000x64xf32, #tpu.memory_space<hbm>>
    tpu.wait_indirect_dma semaphore(%arg20 : memref<!tpu.dma_semaphore, #tpu.memory_space<semaphore_mem>>) src(%dma_wait3A_785 : memref<1000000x64xf32, #tpu.memory_space<hbm>>) dst(%dma_wait3A_779 : memref<128x64xf32, #tpu.memory_space<vmem>>)
    %dma_wait3A_786 = arith.constant 0 : i32
    %dma_wait3A_787 = arith.constant 0 : i32
    %dma_wait3A_788 = tpu.memref_slice %arg15[%dma_wait3A_787] : memref<512xf32, #tpu.memory_space<vmem>> -> memref<128xf32, #tpu.memory_space<vmem>>
    %dma_wait3A_789 = arith.constant 0 : i32
    %dma_wait3A_790 = tpu.memref_slice %arg11[%dma_wait3A_786, %dma_wait3A_789] : memref<4x128xi32, #tpu.memory_space<vmem>> -> memref<1x128xi32, #tpu.memory_space<vmem>>
    %dma_wait3A_791 = tpu.memref_squeeze %dma_wait3A_790 : memref<1x128xi32, #tpu.memory_space<vmem>> -> memref<128xi32, #tpu.memory_space<vmem>>
    %dma_wait3A_792 = arith.constant 0 : i32
    %dma_wait3A_793 = tpu.memref_slice %arg4[%dma_wait3A_792] : memref<1000000xf32, #tpu.memory_space<hbm>> -> memref<1000000xf32, #tpu.memory_space<hbm>>
    tpu.wait_indirect_dma semaphore(%arg20 : memref<!tpu.dma_semaphore, #tpu.memory_space<semaphore_mem>>) src(%dma_wait3A_793 : memref<1000000xf32, #tpu.memory_space<hbm>>) dst(%dma_wait3A_788 : memref<128xf32, #tpu.memory_space<vmem>>)
    %dma_wait3A_794 = arith.constant 0 : i32
    %dma_wait3A_795 = arith.constant 0 : i32
    %dma_wait3A_796 = tpu.memref_slice %arg16[%dma_wait3A_795] : memref<512xf32, #tpu.memory_space<vmem>> -> memref<128xf32, #tpu.memory_space<vmem>>
    %dma_wait3A_797 = arith.constant 0 : i32
    %dma_wait3A_798 = tpu.memref_slice %arg12[%dma_wait3A_794, %dma_wait3A_797] : memref<4x128xi32, #tpu.memory_space<vmem>> -> memref<1x128xi32, #tpu.memory_space<vmem>>
    %dma_wait3A_799 = tpu.memref_squeeze %dma_wait3A_798 : memref<1x128xi32, #tpu.memory_space<vmem>> -> memref<128xi32, #tpu.memory_space<vmem>>
    %dma_wait3A_800 = arith.constant 0 : i32
    %dma_wait3A_801 = tpu.memref_slice %arg6[%dma_wait3A_800] : memref<1000000xf32, #tpu.memory_space<hbm>> -> memref<1000000xf32, #tpu.memory_space<hbm>>
    tpu.wait_indirect_dma semaphore(%arg20 : memref<!tpu.dma_semaphore, #tpu.memory_space<semaphore_mem>>) src(%dma_wait3A_801 : memref<1000000xf32, #tpu.memory_space<hbm>>) dst(%dma_wait3A_796 : memref<128xf32, #tpu.memory_space<vmem>>)
    %dma_wait3A_802 = arith.constant 1 : i32
    %dma_wait3A_803 = arith.constant 128 : i32
    %dma_wait3A_804 = arith.constant 0 : i32
    %dma_wait3A_805 = tpu.memref_slice %arg13[%dma_wait3A_803, %dma_wait3A_804] : memref<512x64xf32, #tpu.memory_space<vmem>> -> memref<128x64xf32, #tpu.memory_space<vmem>>
    %dma_wait3A_806 = arith.constant 0 : i32
    %dma_wait3A_807 = tpu.memref_slice %arg11[%dma_wait3A_802, %dma_wait3A_806] : memref<4x128xi32, #tpu.memory_space<vmem>> -> memref<1x128xi32, #tpu.memory_space<vmem>>
    %dma_wait3A_808 = tpu.memref_squeeze %dma_wait3A_807 : memref<1x128xi32, #tpu.memory_space<vmem>> -> memref<128xi32, #tpu.memory_space<vmem>>
    %dma_wait3A_809 = arith.constant 0 : i32
    %dma_wait3A_810 = arith.constant 0 : i32
    %dma_wait3A_811 = tpu.memref_slice %arg3[%dma_wait3A_809, %dma_wait3A_810] : memref<1000000x64xf32, #tpu.memory_space<hbm>> -> memref<1000000x64xf32, #tpu.memory_space<hbm>>
    tpu.wait_indirect_dma semaphore(%arg20 : memref<!tpu.dma_semaphore, #tpu.memory_space<semaphore_mem>>) src(%dma_wait3A_811 : memref<1000000x64xf32, #tpu.memory_space<hbm>>) dst(%dma_wait3A_805 : memref<128x64xf32, #tpu.memory_space<vmem>>)
    %dma_wait3A_812 = arith.constant 1 : i32
    %dma_wait3A_813 = arith.constant 128 : i32
    %dma_wait3A_814 = arith.constant 0 : i32
    %dma_wait3A_815 = tpu.memref_slice %arg14[%dma_wait3A_813, %dma_wait3A_814] : memref<512x64xf32, #tpu.memory_space<vmem>> -> memref<128x64xf32, #tpu.memory_space<vmem>>
    %dma_wait3A_816 = arith.constant 0 : i32
    %dma_wait3A_817 = tpu.memref_slice %arg12[%dma_wait3A_812, %dma_wait3A_816] : memref<4x128xi32, #tpu.memory_space<vmem>> -> memref<1x128xi32, #tpu.memory_space<vmem>>
    %dma_wait3A_818 = tpu.memref_squeeze %dma_wait3A_817 : memref<1x128xi32, #tpu.memory_space<vmem>> -> memref<128xi32, #tpu.memory_space<vmem>>
    %dma_wait3A_819 = arith.constant 0 : i32
    %dma_wait3A_820 = arith.constant 0 : i32
    %dma_wait3A_821 = tpu.memref_slice %arg5[%dma_wait3A_819, %dma_wait3A_820] : memref<1000000x64xf32, #tpu.memory_space<hbm>> -> memref<1000000x64xf32, #tpu.memory_space<hbm>>
    tpu.wait_indirect_dma semaphore(%arg20 : memref<!tpu.dma_semaphore, #tpu.memory_space<semaphore_mem>>) src(%dma_wait3A_821 : memref<1000000x64xf32, #tpu.memory_space<hbm>>) dst(%dma_wait3A_815 : memref<128x64xf32, #tpu.memory_space<vmem>>)
    %dma_wait3A_822 = arith.constant 1 : i32
    %dma_wait3A_823 = arith.constant 128 : i32
    %dma_wait3A_824 = tpu.memref_slice %arg15[%dma_wait3A_823] : memref<512xf32, #tpu.memory_space<vmem>> -> memref<128xf32, #tpu.memory_space<vmem>>
    %dma_wait3A_825 = arith.constant 0 : i32
    %dma_wait3A_826 = tpu.memref_slice %arg11[%dma_wait3A_822, %dma_wait3A_825] : memref<4x128xi32, #tpu.memory_space<vmem>> -> memref<1x128xi32, #tpu.memory_space<vmem>>
    %dma_wait3A_827 = tpu.memref_squeeze %dma_wait3A_826 : memref<1x128xi32, #tpu.memory_space<vmem>> -> memref<128xi32, #tpu.memory_space<vmem>>
    %dma_wait3A_828 = arith.constant 0 : i32
    %dma_wait3A_829 = tpu.memref_slice %arg4[%dma_wait3A_828] : memref<1000000xf32, #tpu.memory_space<hbm>> -> memref<1000000xf32, #tpu.memory_space<hbm>>
    tpu.wait_indirect_dma semaphore(%arg20 : memref<!tpu.dma_semaphore, #tpu.memory_space<semaphore_mem>>) src(%dma_wait3A_829 : memref<1000000xf32, #tpu.memory_space<hbm>>) dst(%dma_wait3A_824 : memref<128xf32, #tpu.memory_space<vmem>>)
    %dma_wait3A_830 = arith.constant 1 : i32
    %dma_wait3A_831 = arith.constant 128 : i32
    %dma_wait3A_832 = tpu.memref_slice %arg16[%dma_wait3A_831] : memref<512xf32, #tpu.memory_space<vmem>> -> memref<128xf32, #tpu.memory_space<vmem>>
    %dma_wait3A_833 = arith.constant 0 : i32
    %dma_wait3A_834 = tpu.memref_slice %arg12[%dma_wait3A_830, %dma_wait3A_833] : memref<4x128xi32, #tpu.memory_space<vmem>> -> memref<1x128xi32, #tpu.memory_space<vmem>>
    %dma_wait3A_835 = tpu.memref_squeeze %dma_wait3A_834 : memref<1x128xi32, #tpu.memory_space<vmem>> -> memref<128xi32, #tpu.memory_space<vmem>>
    %dma_wait3A_836 = arith.constant 0 : i32
    %dma_wait3A_837 = tpu.memref_slice %arg6[%dma_wait3A_836] : memref<1000000xf32, #tpu.memory_space<hbm>> -> memref<1000000xf32, #tpu.memory_space<hbm>>
    tpu.wait_indirect_dma semaphore(%arg20 : memref<!tpu.dma_semaphore, #tpu.memory_space<semaphore_mem>>) src(%dma_wait3A_837 : memref<1000000xf32, #tpu.memory_space<hbm>>) dst(%dma_wait3A_832 : memref<128xf32, #tpu.memory_space<vmem>>)
    %dma_wait3A_838 = arith.constant 2 : i32
    %dma_wait3A_839 = arith.constant 256 : i32
    %dma_wait3A_840 = arith.constant 0 : i32
    %dma_wait3A_841 = tpu.memref_slice %arg13[%dma_wait3A_839, %dma_wait3A_840] : memref<512x64xf32, #tpu.memory_space<vmem>> -> memref<128x64xf32, #tpu.memory_space<vmem>>
    %dma_wait3A_842 = arith.constant 0 : i32
    %dma_wait3A_843 = tpu.memref_slice %arg11[%dma_wait3A_838, %dma_wait3A_842] : memref<4x128xi32, #tpu.memory_space<vmem>> -> memref<1x128xi32, #tpu.memory_space<vmem>>
    %dma_wait3A_844 = tpu.memref_squeeze %dma_wait3A_843 : memref<1x128xi32, #tpu.memory_space<vmem>> -> memref<128xi32, #tpu.memory_space<vmem>>
    %dma_wait3A_845 = arith.constant 0 : i32
    %dma_wait3A_846 = arith.constant 0 : i32
    %dma_wait3A_847 = tpu.memref_slice %arg3[%dma_wait3A_845, %dma_wait3A_846] : memref<1000000x64xf32, #tpu.memory_space<hbm>> -> memref<1000000x64xf32, #tpu.memory_space<hbm>>
    tpu.wait_indirect_dma semaphore(%arg20 : memref<!tpu.dma_semaphore, #tpu.memory_space<semaphore_mem>>) src(%dma_wait3A_847 : memref<1000000x64xf32, #tpu.memory_space<hbm>>) dst(%dma_wait3A_841 : memref<128x64xf32, #tpu.memory_space<vmem>>)
    %dma_wait3A_848 = arith.constant 2 : i32
    %dma_wait3A_849 = arith.constant 256 : i32
    %dma_wait3A_850 = arith.constant 0 : i32
    %dma_wait3A_851 = tpu.memref_slice %arg14[%dma_wait3A_849, %dma_wait3A_850] : memref<512x64xf32, #tpu.memory_space<vmem>> -> memref<128x64xf32, #tpu.memory_space<vmem>>
    %dma_wait3A_852 = arith.constant 0 : i32
    %dma_wait3A_853 = tpu.memref_slice %arg12[%dma_wait3A_848, %dma_wait3A_852] : memref<4x128xi32, #tpu.memory_space<vmem>> -> memref<1x128xi32, #tpu.memory_space<vmem>>
    %dma_wait3A_854 = tpu.memref_squeeze %dma_wait3A_853 : memref<1x128xi32, #tpu.memory_space<vmem>> -> memref<128xi32, #tpu.memory_space<vmem>>
    %dma_wait3A_855 = arith.constant 0 : i32
    %dma_wait3A_856 = arith.constant 0 : i32
    %dma_wait3A_857 = tpu.memref_slice %arg5[%dma_wait3A_855, %dma_wait3A_856] : memref<1000000x64xf32, #tpu.memory_space<hbm>> -> memref<1000000x64xf32, #tpu.memory_space<hbm>>
    tpu.wait_indirect_dma semaphore(%arg20 : memref<!tpu.dma_semaphore, #tpu.memory_space<semaphore_mem>>) src(%dma_wait3A_857 : memref<1000000x64xf32, #tpu.memory_space<hbm>>) dst(%dma_wait3A_851 : memref<128x64xf32, #tpu.memory_space<vmem>>)
    %dma_wait3A_858 = arith.constant 2 : i32
    %dma_wait3A_859 = arith.constant 256 : i32
    %dma_wait3A_860 = tpu.memref_slice %arg15[%dma_wait3A_859] : memref<512xf32, #tpu.memory_space<vmem>> -> memref<128xf32, #tpu.memory_space<vmem>>
    %dma_wait3A_861 = arith.constant 0 : i32
    %dma_wait3A_862 = tpu.memref_slice %arg11[%dma_wait3A_858, %dma_wait3A_861] : memref<4x128xi32, #tpu.memory_space<vmem>> -> memref<1x128xi32, #tpu.memory_space<vmem>>
    %dma_wait3A_863 = tpu.memref_squeeze %dma_wait3A_862 : memref<1x128xi32, #tpu.memory_space<vmem>> -> memref<128xi32, #tpu.memory_space<vmem>>
    %dma_wait3A_864 = arith.constant 0 : i32
    %dma_wait3A_865 = tpu.memref_slice %arg4[%dma_wait3A_864] : memref<1000000xf32, #tpu.memory_space<hbm>> -> memref<1000000xf32, #tpu.memory_space<hbm>>
    tpu.wait_indirect_dma semaphore(%arg20 : memref<!tpu.dma_semaphore, #tpu.memory_space<semaphore_mem>>) src(%dma_wait3A_865 : memref<1000000xf32, #tpu.memory_space<hbm>>) dst(%dma_wait3A_860 : memref<128xf32, #tpu.memory_space<vmem>>)
    %dma_wait3A_866 = arith.constant 2 : i32
    %dma_wait3A_867 = arith.constant 256 : i32
    %dma_wait3A_868 = tpu.memref_slice %arg16[%dma_wait3A_867] : memref<512xf32, #tpu.memory_space<vmem>> -> memref<128xf32, #tpu.memory_space<vmem>>
    %dma_wait3A_869 = arith.constant 0 : i32
    %dma_wait3A_870 = tpu.memref_slice %arg12[%dma_wait3A_866, %dma_wait3A_869] : memref<4x128xi32, #tpu.memory_space<vmem>> -> memref<1x128xi32, #tpu.memory_space<vmem>>
    %dma_wait3A_871 = tpu.memref_squeeze %dma_wait3A_870 : memref<1x128xi32, #tpu.memory_space<vmem>> -> memref<128xi32, #tpu.memory_space<vmem>>
    %dma_wait3A_872 = arith.constant 0 : i32
    %dma_wait3A_873 = tpu.memref_slice %arg6[%dma_wait3A_872] : memref<1000000xf32, #tpu.memory_space<hbm>> -> memref<1000000xf32, #tpu.memory_space<hbm>>
    tpu.wait_indirect_dma semaphore(%arg20 : memref<!tpu.dma_semaphore, #tpu.memory_space<semaphore_mem>>) src(%dma_wait3A_873 : memref<1000000xf32, #tpu.memory_space<hbm>>) dst(%dma_wait3A_868 : memref<128xf32, #tpu.memory_space<vmem>>)
    %dma_wait3A_874 = arith.constant 3 : i32
    %dma_wait3A_875 = arith.constant 384 : i32
    %dma_wait3A_876 = arith.constant 0 : i32
    %dma_wait3A_877 = tpu.memref_slice %arg13[%dma_wait3A_875, %dma_wait3A_876] : memref<512x64xf32, #tpu.memory_space<vmem>> -> memref<128x64xf32, #tpu.memory_space<vmem>>
    %dma_wait3A_878 = arith.constant 0 : i32
    %dma_wait3A_879 = tpu.memref_slice %arg11[%dma_wait3A_874, %dma_wait3A_878] : memref<4x128xi32, #tpu.memory_space<vmem>> -> memref<1x128xi32, #tpu.memory_space<vmem>>
    %dma_wait3A_880 = tpu.memref_squeeze %dma_wait3A_879 : memref<1x128xi32, #tpu.memory_space<vmem>> -> memref<128xi32, #tpu.memory_space<vmem>>
    %dma_wait3A_881 = arith.constant 0 : i32
    %dma_wait3A_882 = arith.constant 0 : i32
    %dma_wait3A_883 = tpu.memref_slice %arg3[%dma_wait3A_881, %dma_wait3A_882] : memref<1000000x64xf32, #tpu.memory_space<hbm>> -> memref<1000000x64xf32, #tpu.memory_space<hbm>>
    tpu.wait_indirect_dma semaphore(%arg20 : memref<!tpu.dma_semaphore, #tpu.memory_space<semaphore_mem>>) src(%dma_wait3A_883 : memref<1000000x64xf32, #tpu.memory_space<hbm>>) dst(%dma_wait3A_877 : memref<128x64xf32, #tpu.memory_space<vmem>>)
    %dma_wait3A_884 = arith.constant 3 : i32
    %dma_wait3A_885 = arith.constant 384 : i32
    %dma_wait3A_886 = arith.constant 0 : i32
    %dma_wait3A_887 = tpu.memref_slice %arg14[%dma_wait3A_885, %dma_wait3A_886] : memref<512x64xf32, #tpu.memory_space<vmem>> -> memref<128x64xf32, #tpu.memory_space<vmem>>
    %dma_wait3A_888 = arith.constant 0 : i32
    %dma_wait3A_889 = tpu.memref_slice %arg12[%dma_wait3A_884, %dma_wait3A_888] : memref<4x128xi32, #tpu.memory_space<vmem>> -> memref<1x128xi32, #tpu.memory_space<vmem>>
    %dma_wait3A_890 = tpu.memref_squeeze %dma_wait3A_889 : memref<1x128xi32, #tpu.memory_space<vmem>> -> memref<128xi32, #tpu.memory_space<vmem>>
    %dma_wait3A_891 = arith.constant 0 : i32
    %dma_wait3A_892 = arith.constant 0 : i32
    %dma_wait3A_893 = tpu.memref_slice %arg5[%dma_wait3A_891, %dma_wait3A_892] : memref<1000000x64xf32, #tpu.memory_space<hbm>> -> memref<1000000x64xf32, #tpu.memory_space<hbm>>
    tpu.wait_indirect_dma semaphore(%arg20 : memref<!tpu.dma_semaphore, #tpu.memory_space<semaphore_mem>>) src(%dma_wait3A_893 : memref<1000000x64xf32, #tpu.memory_space<hbm>>) dst(%dma_wait3A_887 : memref<128x64xf32, #tpu.memory_space<vmem>>)
    %dma_wait3A_894 = arith.constant 3 : i32
    %dma_wait3A_895 = arith.constant 384 : i32
    %dma_wait3A_896 = tpu.memref_slice %arg15[%dma_wait3A_895] : memref<512xf32, #tpu.memory_space<vmem>> -> memref<128xf32, #tpu.memory_space<vmem>>
    %dma_wait3A_897 = arith.constant 0 : i32
    %dma_wait3A_898 = tpu.memref_slice %arg11[%dma_wait3A_894, %dma_wait3A_897] : memref<4x128xi32, #tpu.memory_space<vmem>> -> memref<1x128xi32, #tpu.memory_space<vmem>>
    %dma_wait3A_899 = tpu.memref_squeeze %dma_wait3A_898 : memref<1x128xi32, #tpu.memory_space<vmem>> -> memref<128xi32, #tpu.memory_space<vmem>>
    %dma_wait3A_900 = arith.constant 0 : i32
    %dma_wait3A_901 = tpu.memref_slice %arg4[%dma_wait3A_900] : memref<1000000xf32, #tpu.memory_space<hbm>> -> memref<1000000xf32, #tpu.memory_space<hbm>>
    tpu.wait_indirect_dma semaphore(%arg20 : memref<!tpu.dma_semaphore, #tpu.memory_space<semaphore_mem>>) src(%dma_wait3A_901 : memref<1000000xf32, #tpu.memory_space<hbm>>) dst(%dma_wait3A_896 : memref<128xf32, #tpu.memory_space<vmem>>)
    %dma_wait3A_902 = arith.constant 3 : i32
    %dma_wait3A_903 = arith.constant 384 : i32
    %dma_wait3A_904 = tpu.memref_slice %arg16[%dma_wait3A_903] : memref<512xf32, #tpu.memory_space<vmem>> -> memref<128xf32, #tpu.memory_space<vmem>>
    %dma_wait3A_905 = arith.constant 0 : i32
    %dma_wait3A_906 = tpu.memref_slice %arg12[%dma_wait3A_902, %dma_wait3A_905] : memref<4x128xi32, #tpu.memory_space<vmem>> -> memref<1x128xi32, #tpu.memory_space<vmem>>
    %dma_wait3A_907 = tpu.memref_squeeze %dma_wait3A_906 : memref<1x128xi32, #tpu.memory_space<vmem>> -> memref<128xi32, #tpu.memory_space<vmem>>
    %dma_wait3A_908 = arith.constant 0 : i32
    %dma_wait3A_909 = tpu.memref_slice %arg6[%dma_wait3A_908] : memref<1000000xf32, #tpu.memory_space<hbm>> -> memref<1000000xf32, #tpu.memory_space<hbm>>
    tpu.wait_indirect_dma semaphore(%arg20 : memref<!tpu.dma_semaphore, #tpu.memory_space<semaphore_mem>>) src(%dma_wait3A_909 : memref<1000000xf32, #tpu.memory_space<hbm>>) dst(%dma_wait3A_904 : memref<128xf32, #tpu.memory_space<vmem>>)
    %get3A = arith.constant 0 : i32
    %get3A_910 = arith.index_cast %get3A : i32 to index
    %get3A_911 = arith.constant 0 : index
    %get3A_912 = tpu.vector_load %arg18[%get3A_910, %get3A_911] {strides = array<i32>} : memref<2x64xf32, #tpu.memory_space<vmem>>, vector<16xf32>,
    %get3A_913 = arith.constant 1 : i32
    %get3A_914 = arith.index_cast %get3A_913 : i32 to index
    %get3A_915 = arith.constant 0 : index
    %get3A_916 = tpu.vector_load %arg18[%get3A_914, %get3A_915] {strides = array<i32>} : memref<2x64xf32, #tpu.memory_space<vmem>>, vector<16xf32>,
    %mul3A_917 = arith.constant 1.500000e+01 : f32
    %mul3A_918 = vector.broadcast %mul3A_917 : f32 to vector<16xf32>
    %mul3A_919 = arith.mulf %get3A_912, %mul3A_918 : vector<16xf32>
    %neg3A = arith.constant 0.000000e+00 : f32
    %neg3A_920 = vector.broadcast %neg3A : f32 to vector<16xf32>
    %neg3A_921 = arith.subf %neg3A_920, %mul3A_919 : vector<16xf32>
    %exp3A = math.exp %neg3A_921 : vector<16xf32>
    %add3A_922 = arith.constant 1.000000e+00 : f32
    %add3A_923 = vector.broadcast %add3A_922 : f32 to vector<16xf32>
    %add3A_924 = arith.addf %add3A_923, %exp3A : vector<16xf32>
    %div3A = arith.constant 1.000000e+00 : f32
    %div3A_925 = vector.broadcast %div3A : f32 to vector<16xf32>
    %div3A_926 = arith.divf %div3A_925, %add3A_924 : vector<16xf32>
    %mul3A_927 = arith.constant 1.500000e+01 : f32
    %mul3A_928 = vector.broadcast %mul3A_927 : f32 to vector<16xf32>
    %mul3A_929 = arith.mulf %get3A_916, %mul3A_928 : vector<16xf32>
    %neg3A_930 = arith.constant 0.000000e+00 : f32
    %neg3A_931 = vector.broadcast %neg3A_930 : f32 to vector<16xf32>
    %neg3A_932 = arith.subf %neg3A_931, %mul3A_929 : vector<16xf32>
    %exp3A_933 = math.exp %neg3A_932 : vector<16xf32>
    %add3A_934 = arith.constant 1.000000e+00 : f32
    %add3A_935 = vector.broadcast %add3A_934 : f32 to vector<16xf32>
    %add3A_936 = arith.addf %add3A_935, %exp3A_933 : vector<16xf32>
    %div3A_937 = arith.constant 1.000000e+00 : f32
    %div3A_938 = vector.broadcast %div3A_937 : f32 to vector<16xf32>
    %div3A_939 = arith.divf %div3A_938, %add3A_936 : vector<16xf32>
    %mul3A_940 = arith.mulf %div3A_926, %div3A_939 : vector<16xf32>
    %get3A_941 = arith.constant 0 : i32
    %get3A_942 = arith.index_cast %get3A_941 : i32 to index
    %get3A_943 = arith.constant 16 : index
    %get3A_944 = tpu.vector_load %arg18[%get3A_942, %get3A_943] {strides = array<i32>} : memref<2x64xf32, #tpu.memory_space<vmem>>, vector<16xf32>,
    %get3A_945 = arith.constant 1 : i32
    %get3A_946 = arith.index_cast %get3A_945 : i32 to index
    %get3A_947 = arith.constant 16 : index
    %get3A_948 = tpu.vector_load %arg18[%get3A_946, %get3A_947] {strides = array<i32>} : memref<2x64xf32, #tpu.memory_space<vmem>>, vector<16xf32>,
    %mul3A_949 = arith.constant 1.500000e+01 : f32
    %mul3A_950 = vector.broadcast %mul3A_949 : f32 to vector<16xf32>
    %mul3A_951 = arith.mulf %get3A_944, %mul3A_950 : vector<16xf32>
    %neg3A_952 = arith.constant 0.000000e+00 : f32
    %neg3A_953 = vector.broadcast %neg3A_952 : f32 to vector<16xf32>
    %neg3A_954 = arith.subf %neg3A_953, %mul3A_951 : vector<16xf32>
    %exp3A_955 = math.exp %neg3A_954 : vector<16xf32>
    %add3A_956 = arith.constant 1.000000e+00 : f32
    %add3A_957 = vector.broadcast %add3A_956 : f32 to vector<16xf32>
    %add3A_958 = arith.addf %add3A_957, %exp3A_955 : vector<16xf32>
    %div3A_959 = arith.constant 1.000000e+00 : f32
    %div3A_960 = vector.broadcast %div3A_959 : f32 to vector<16xf32>
    %div3A_961 = arith.divf %div3A_960, %add3A_958 : vector<16xf32>
    %mul3A_962 = arith.constant 1.500000e+01 : f32
    %mul3A_963 = vector.broadcast %mul3A_962 : f32 to vector<16xf32>
    %mul3A_964 = arith.mulf %get3A_948, %mul3A_963 : vector<16xf32>
    %neg3A_965 = arith.constant 0.000000e+00 : f32
    %neg3A_966 = vector.broadcast %neg3A_965 : f32 to vector<16xf32>
    %neg3A_967 = arith.subf %neg3A_966, %mul3A_964 : vector<16xf32>
    %exp3A_968 = math.exp %neg3A_967 : vector<16xf32>
    %add3A_969 = arith.constant 1.000000e+00 : f32
    %add3A_970 = vector.broadcast %add3A_969 : f32 to vector<16xf32>
    %add3A_971 = arith.addf %add3A_970, %exp3A_968 : vector<16xf32>
    %div3A_972 = arith.constant 1.000000e+00 : f32
    %div3A_973 = vector.broadcast %div3A_972 : f32 to vector<16xf32>
    %div3A_974 = arith.divf %div3A_973, %add3A_971 : vector<16xf32>
    %mul3A_975 = arith.mulf %div3A_961, %div3A_974 : vector<16xf32>
    %get3A_976 = arith.constant 0 : i32
    %get3A_977 = arith.index_cast %get3A_976 : i32 to index
    %get3A_978 = arith.constant 32 : index
    %get3A_979 = tpu.vector_load %arg18[%get3A_977, %get3A_978] {strides = array<i32>} : memref<2x64xf32, #tpu.memory_space<vmem>>, vector<16xf32>,
    %get3A_980 = arith.constant 1 : i32
    %get3A_981 = arith.index_cast %get3A_980 : i32 to index
    %get3A_982 = arith.constant 32 : index
    %get3A_983 = tpu.vector_load %arg18[%get3A_981, %get3A_982] {strides = array<i32>} : memref<2x64xf32, #tpu.memory_space<vmem>>, vector<16xf32>,
    %mul3A_984 = arith.constant 1.500000e+01 : f32
    %mul3A_985 = vector.broadcast %mul3A_984 : f32 to vector<16xf32>
    %mul3A_986 = arith.mulf %get3A_979, %mul3A_985 : vector<16xf32>
    %neg3A_987 = arith.constant 0.000000e+00 : f32
    %neg3A_988 = vector.broadcast %neg3A_987 : f32 to vector<16xf32>
    %neg3A_989 = arith.subf %neg3A_988, %mul3A_986 : vector<16xf32>
    %exp3A_990 = math.exp %neg3A_989 : vector<16xf32>
    %add3A_991 = arith.constant 1.000000e+00 : f32
    %add3A_992 = vector.broadcast %add3A_991 : f32 to vector<16xf32>
    %add3A_993 = arith.addf %add3A_992, %exp3A_990 : vector<16xf32>
    %div3A_994 = arith.constant 1.000000e+00 : f32
    %div3A_995 = vector.broadcast %div3A_994 : f32 to vector<16xf32>
    %div3A_996 = arith.divf %div3A_995, %add3A_993 : vector<16xf32>
    %mul3A_997 = arith.constant 1.500000e+01 : f32
    %mul3A_998 = vector.broadcast %mul3A_997 : f32 to vector<16xf32>
    %mul3A_999 = arith.mulf %get3A_983, %mul3A_998 : vector<16xf32>
    %neg3A_1000 = arith.constant 0.000000e+00 : f32
    %neg3A_1001 = vector.broadcast %neg3A_1000 : f32 to vector<16xf32>
    %neg3A_1002 = arith.subf %neg3A_1001, %mul3A_999 : vector<16xf32>
    %exp3A_1003 = math.exp %neg3A_1002 : vector<16xf32>
    %add3A_1004 = arith.constant 1.000000e+00 : f32
    %add3A_1005 = vector.broadcast %add3A_1004 : f32 to vector<16xf32>
    %add3A_1006 = arith.addf %add3A_1005, %exp3A_1003 : vector<16xf32>
    %div3A_1007 = arith.constant 1.000000e+00 : f32
    %div3A_1008 = vector.broadcast %div3A_1007 : f32 to vector<16xf32>
    %div3A_1009 = arith.divf %div3A_1008, %add3A_1006 : vector<16xf32>
    %mul3A_1010 = arith.mulf %div3A_996, %div3A_1009 : vector<16xf32>
    %get3A_1011 = arith.constant 0 : i32
    %get3A_1012 = arith.index_cast %get3A_1011 : i32 to index
    %get3A_1013 = arith.constant 48 : index
    %get3A_1014 = tpu.vector_load %arg18[%get3A_1012, %get3A_1013] {strides = array<i32>} : memref<2x64xf32, #tpu.memory_space<vmem>>, vector<16xf32>,
    %get3A_1015 = arith.constant 1 : i32
    %get3A_1016 = arith.index_cast %get3A_1015 : i32 to index
    %get3A_1017 = arith.constant 48 : index
    %get3A_1018 = tpu.vector_load %arg18[%get3A_1016, %get3A_1017] {strides = array<i32>} : memref<2x64xf32, #tpu.memory_space<vmem>>, vector<16xf32>,
    %mul3A_1019 = arith.constant 1.500000e+01 : f32
    %mul3A_1020 = vector.broadcast %mul3A_1019 : f32 to vector<16xf32>
    %mul3A_1021 = arith.mulf %get3A_1014, %mul3A_1020 : vector<16xf32>
    %neg3A_1022 = arith.constant 0.000000e+00 : f32
    %neg3A_1023 = vector.broadcast %neg3A_1022 : f32 to vector<16xf32>
    %neg3A_1024 = arith.subf %neg3A_1023, %mul3A_1021 : vector<16xf32>
    %exp3A_1025 = math.exp %neg3A_1024 : vector<16xf32>
    %add3A_1026 = arith.constant 1.000000e+00 : f32
    %add3A_1027 = vector.broadcast %add3A_1026 : f32 to vector<16xf32>
    %add3A_1028 = arith.addf %add3A_1027, %exp3A_1025 : vector<16xf32>
    %div3A_1029 = arith.constant 1.000000e+00 : f32
    %div3A_1030 = vector.broadcast %div3A_1029 : f32 to vector<16xf32>
    %div3A_1031 = arith.divf %div3A_1030, %add3A_1028 : vector<16xf32>
    %mul3A_1032 = arith.constant 1.500000e+01 : f32
    %mul3A_1033 = vector.broadcast %mul3A_1032 : f32 to vector<16xf32>
    %mul3A_1034 = arith.mulf %get3A_1018, %mul3A_1033 : vector<16xf32>
    %neg3A_1035 = arith.constant 0.000000e+00 : f32
    %neg3A_1036 = vector.broadcast %neg3A_1035 : f32 to vector<16xf32>
    %neg3A_1037 = arith.subf %neg3A_1036, %mul3A_1034 : vector<16xf32>
    %exp3A_1038 = math.exp %neg3A_1037 : vector<16xf32>
    %add3A_1039 = arith.constant 1.000000e+00 : f32
    %add3A_1040 = vector.broadcast %add3A_1039 : f32 to vector<16xf32>
    %add3A_1041 = arith.addf %add3A_1040, %exp3A_1038 : vector<16xf32>
    %div3A_1042 = arith.constant 1.000000e+00 : f32
    %div3A_1043 = vector.broadcast %div3A_1042 : f32 to vector<16xf32>
    %div3A_1044 = arith.divf %div3A_1043, %add3A_1041 : vector<16xf32>
    %mul3A_1045 = arith.mulf %div3A_1031, %div3A_1044 : vector<16xf32>
    %get3A_1046 = arith.constant 0 : index
    %get3A_1047 = tpu.vector_load %arg17[%get3A_1046] {strides = array<i32>} : memref<16xf32, #tpu.memory_space<vmem>>, vector<16xf32>,
    %scan3A = arith.constant 0 : i32
    %scan3A_1048 = arith.constant 0 : i32
    %scan3A_1049 = arith.constant 32 : i32
    %scan3A_1050 = arith.addi %scan3A_1048, %scan3A_1049 : i32
    %scan3A_1051 = arith.constant 1 : i32
    scf.for %scan3A_1055 = %scan3A_1048 to %scan3A_1050 step %scan3A_1051  : i32 {
      %mul3A_1056 = arith.constant 16 : i32
      %mul3A_1057 = arith.muli %scan3A_1055, %mul3A_1056 : i32
      %broadcast_in_dim3A_1058 = arith.constant 0.000000e+00 : f32
      %broadcast_in_dim3A_1059 = vector.broadcast %broadcast_in_dim3A_1058 : f32 to vector<16xf32>
      %add3A_1060 = arith.constant 0 : i32
      %add3A_1061 = arith.addi %mul3A_1057, %add3A_1060 : i32
      %broadcast_in_dim3A_1062 = vector.broadcast %add3A_1061 : i32 to vector<16xi32>
      %broadcast_in_dim3A_1063 = arith.constant 0.000000e+00 : f32
      %broadcast_in_dim3A_1064 = vector.broadcast %broadcast_in_dim3A_1063 : f32 to vector<16xf32>
      %gather3A_1065 = tpu.vector_load_idx %arg13[%broadcast_in_dim3A_1062, %add3A_8] : memref<512x64xf32, #tpu.memory_space<vmem>>[vector<16xi32>, vector<16xi32>], vector<16xf32>,
      %gather3A_1066 = tpu.vector_load_idx %arg14[%broadcast_in_dim3A_1062, %add3A_8] : memref<512x64xf32, #tpu.memory_space<vmem>>[vector<16xi32>, vector<16xi32>], vector<16xf32>,
      %mul3A_1067 = arith.mulf %gather3A_1065, %gather3A_1066 : vector<16xf32>
      %mul3A_1068 = arith.mulf %mul3A_1067, %mul3A_940 : vector<16xf32>
      %add3A_1069 = arith.addf %broadcast_in_dim3A_1064, %mul3A_1068 : vector<16xf32>
      %gather3A_1070 = tpu.vector_load_idx %arg13[%broadcast_in_dim3A_1062, %add3A_11] : memref<512x64xf32, #tpu.memory_space<vmem>>[vector<16xi32>, vector<16xi32>], vector<16xf32>,
      %gather3A_1071 = tpu.vector_load_idx %arg14[%broadcast_in_dim3A_1062, %add3A_11] : memref<512x64xf32, #tpu.memory_space<vmem>>[vector<16xi32>, vector<16xi32>], vector<16xf32>,
      %mul3A_1072 = arith.mulf %gather3A_1070, %gather3A_1071 : vector<16xf32>
      %mul3A_1073 = arith.mulf %mul3A_1072, %mul3A_975 : vector<16xf32>
      %add3A_1074 = arith.addf %add3A_1069, %mul3A_1073 : vector<16xf32>
      %gather3A_1075 = tpu.vector_load_idx %arg13[%broadcast_in_dim3A_1062, %add3A_14] : memref<512x64xf32, #tpu.memory_space<vmem>>[vector<16xi32>, vector<16xi32>], vector<16xf32>,
      %gather3A_1076 = tpu.vector_load_idx %arg14[%broadcast_in_dim3A_1062, %add3A_14] : memref<512x64xf32, #tpu.memory_space<vmem>>[vector<16xi32>, vector<16xi32>], vector<16xf32>,
      %mul3A_1077 = arith.mulf %gather3A_1075, %gather3A_1076 : vector<16xf32>
      %mul3A_1078 = arith.mulf %mul3A_1077, %mul3A_1010 : vector<16xf32>
      %add3A_1079 = arith.addf %add3A_1074, %mul3A_1078 : vector<16xf32>
      %gather3A_1080 = tpu.vector_load_idx %arg13[%broadcast_in_dim3A_1062, %add3A_17] : memref<512x64xf32, #tpu.memory_space<vmem>>[vector<16xi32>, vector<16xi32>], vector<16xf32>,
      %gather3A_1081 = tpu.vector_load_idx %arg14[%broadcast_in_dim3A_1062, %add3A_17] : memref<512x64xf32, #tpu.memory_space<vmem>>[vector<16xi32>, vector<16xi32>], vector<16xf32>,
      %mul3A_1082 = arith.mulf %gather3A_1080, %gather3A_1081 : vector<16xf32>
      %mul3A_1083 = arith.mulf %mul3A_1082, %mul3A_1045 : vector<16xf32>
      %add3A_1084 = arith.addf %add3A_1079, %mul3A_1083 : vector<16xf32>
      %eq3A_1085 = arith.constant 0 : i32
      %eq3A_1086 = vector.broadcast %eq3A_1085 : i32 to vector<16xi32>
      %eq3A_1087 = arith.cmpi eq, %iota3A, %eq3A_1086 : vector<16xi32>
      %reduce_sum3A = arith.constant true
      %reduce_sum3A_1088 = vector.broadcast %reduce_sum3A : i1 to vector<16xi1>
      %reduce_sum3A_1089 = tpu.scan <sum>, %add3A_1084 masked %reduce_sum3A_1088 : vector<16xf32>, vector<16xi1> -> vector<16xf32>
      %reduce_sum3A_1090 = vector.extract %reduce_sum3A_1089[15] : f32 from vector<16xf32>
      %broadcast_in_dim3A_1091 = vector.broadcast %reduce_sum3A_1090 : f32 to vector<16xf32>
      %select_n3A = arith.select %eq3A_1087, %broadcast_in_dim3A_1091, %broadcast_in_dim3A_1059 : vector<16xi1>, vector<16xf32>
      %add3A_1092 = arith.constant 1 : i32
      %add3A_1093 = arith.addi %mul3A_1057, %add3A_1092 : i32
      %broadcast_in_dim3A_1094 = vector.broadcast %add3A_1093 : i32 to vector<16xi32>
      %broadcast_in_dim3A_1095 = arith.constant 0.000000e+00 : f32
      %broadcast_in_dim3A_1096 = vector.broadcast %broadcast_in_dim3A_1095 : f32 to vector<16xf32>
      %gather3A_1097 = tpu.vector_load_idx %arg13[%broadcast_in_dim3A_1094, %add3A_8] : memref<512x64xf32, #tpu.memory_space<vmem>>[vector<16xi32>, vector<16xi32>], vector<16xf32>,
      %gather3A_1098 = tpu.vector_load_idx %arg14[%broadcast_in_dim3A_1094, %add3A_8] : memref<512x64xf32, #tpu.memory_space<vmem>>[vector<16xi32>, vector<16xi32>], vector<16xf32>,
      %mul3A_1099 = arith.mulf %gather3A_1097, %gather3A_1098 : vector<16xf32>
      %mul3A_1100 = arith.mulf %mul3A_1099, %mul3A_940 : vector<16xf32>
      %add3A_1101 = arith.addf %broadcast_in_dim3A_1096, %mul3A_1100 : vector<16xf32>
      %gather3A_1102 = tpu.vector_load_idx %arg13[%broadcast_in_dim3A_1094, %add3A_11] : memref<512x64xf32, #tpu.memory_space<vmem>>[vector<16xi32>, vector<16xi32>], vector<16xf32>,
      %gather3A_1103 = tpu.vector_load_idx %arg14[%broadcast_in_dim3A_1094, %add3A_11] : memref<512x64xf32, #tpu.memory_space<vmem>>[vector<16xi32>, vector<16xi32>], vector<16xf32>,
      %mul3A_1104 = arith.mulf %gather3A_1102, %gather3A_1103 : vector<16xf32>
      %mul3A_1105 = arith.mulf %mul3A_1104, %mul3A_975 : vector<16xf32>
      %add3A_1106 = arith.addf %add3A_1101, %mul3A_1105 : vector<16xf32>
      %gather3A_1107 = tpu.vector_load_idx %arg13[%broadcast_in_dim3A_1094, %add3A_14] : memref<512x64xf32, #tpu.memory_space<vmem>>[vector<16xi32>, vector<16xi32>], vector<16xf32>,
      %gather3A_1108 = tpu.vector_load_idx %arg14[%broadcast_in_dim3A_1094, %add3A_14] : memref<512x64xf32, #tpu.memory_space<vmem>>[vector<16xi32>, vector<16xi32>], vector<16xf32>,
      %mul3A_1109 = arith.mulf %gather3A_1107, %gather3A_1108 : vector<16xf32>
      %mul3A_1110 = arith.mulf %mul3A_1109, %mul3A_1010 : vector<16xf32>
      %add3A_1111 = arith.addf %add3A_1106, %mul3A_1110 : vector<16xf32>
      %gather3A_1112 = tpu.vector_load_idx %arg13[%broadcast_in_dim3A_1094, %add3A_17] : memref<512x64xf32, #tpu.memory_space<vmem>>[vector<16xi32>, vector<16xi32>], vector<16xf32>,
      %gather3A_1113 = tpu.vector_load_idx %arg14[%broadcast_in_dim3A_1094, %add3A_17] : memref<512x64xf32, #tpu.memory_space<vmem>>[vector<16xi32>, vector<16xi32>], vector<16xf32>,
      %mul3A_1114 = arith.mulf %gather3A_1112, %gather3A_1113 : vector<16xf32>
      %mul3A_1115 = arith.mulf %mul3A_1114, %mul3A_1045 : vector<16xf32>
      %add3A_1116 = arith.addf %add3A_1111, %mul3A_1115 : vector<16xf32>
      %eq3A_1117 = arith.constant 1 : i32
      %eq3A_1118 = vector.broadcast %eq3A_1117 : i32 to vector<16xi32>
      %eq3A_1119 = arith.cmpi eq, %iota3A, %eq3A_1118 : vector<16xi32>
      %reduce_sum3A_1120 = arith.constant true
      %reduce_sum3A_1121 = vector.broadcast %reduce_sum3A_1120 : i1 to vector<16xi1>
      %reduce_sum3A_1122 = tpu.scan <sum>, %add3A_1116 masked %reduce_sum3A_1121 : vector<16xf32>, vector<16xi1> -> vector<16xf32>
      %reduce_sum3A_1123 = vector.extract %reduce_sum3A_1122[15] : f32 from vector<16xf32>
      %broadcast_in_dim3A_1124 = vector.broadcast %reduce_sum3A_1123 : f32 to vector<16xf32>
      %select_n3A_1125 = arith.select %eq3A_1119, %broadcast_in_dim3A_1124, %select_n3A : vector<16xi1>, vector<16xf32>
      %add3A_1126 = arith.constant 2 : i32
      %add3A_1127 = arith.addi %mul3A_1057, %add3A_1126 : i32
      %broadcast_in_dim3A_1128 = vector.broadcast %add3A_1127 : i32 to vector<16xi32>
      %broadcast_in_dim3A_1129 = arith.constant 0.000000e+00 : f32
      %broadcast_in_dim3A_1130 = vector.broadcast %broadcast_in_dim3A_1129 : f32 to vector<16xf32>
      %gather3A_1131 = tpu.vector_load_idx %arg13[%broadcast_in_dim3A_1128, %add3A_8] : memref<512x64xf32, #tpu.memory_space<vmem>>[vector<16xi32>, vector<16xi32>], vector<16xf32>,
      %gather3A_1132 = tpu.vector_load_idx %arg14[%broadcast_in_dim3A_1128, %add3A_8] : memref<512x64xf32, #tpu.memory_space<vmem>>[vector<16xi32>, vector<16xi32>], vector<16xf32>,
      %mul3A_1133 = arith.mulf %gather3A_1131, %gather3A_1132 : vector<16xf32>
      %mul3A_1134 = arith.mulf %mul3A_1133, %mul3A_940 : vector<16xf32>
      %add3A_1135 = arith.addf %broadcast_in_dim3A_1130, %mul3A_1134 : vector<16xf32>
      %gather3A_1136 = tpu.vector_load_idx %arg13[%broadcast_in_dim3A_1128, %add3A_11] : memref<512x64xf32, #tpu.memory_space<vmem>>[vector<16xi32>, vector<16xi32>], vector<16xf32>,
      %gather3A_1137 = tpu.vector_load_idx %arg14[%broadcast_in_dim3A_1128, %add3A_11] : memref<512x64xf32, #tpu.memory_space<vmem>>[vector<16xi32>, vector<16xi32>], vector<16xf32>,
      %mul3A_1138 = arith.mulf %gather3A_1136, %gather3A_1137 : vector<16xf32>
      %mul3A_1139 = arith.mulf %mul3A_1138, %mul3A_975 : vector<16xf32>
      %add3A_1140 = arith.addf %add3A_1135, %mul3A_1139 : vector<16xf32>
      %gather3A_1141 = tpu.vector_load_idx %arg13[%broadcast_in_dim3A_1128, %add3A_14] : memref<512x64xf32, #tpu.memory_space<vmem>>[vector<16xi32>, vector<16xi32>], vector<16xf32>,
      %gather3A_1142 = tpu.vector_load_idx %arg14[%broadcast_in_dim3A_1128, %add3A_14] : memref<512x64xf32, #tpu.memory_space<vmem>>[vector<16xi32>, vector<16xi32>], vector<16xf32>,
      %mul3A_1143 = arith.mulf %gather3A_1141, %gather3A_1142 : vector<16xf32>
      %mul3A_1144 = arith.mulf %mul3A_1143, %mul3A_1010 : vector<16xf32>
      %add3A_1145 = arith.addf %add3A_1140, %mul3A_1144 : vector<16xf32>
      %gather3A_1146 = tpu.vector_load_idx %arg13[%broadcast_in_dim3A_1128, %add3A_17] : memref<512x64xf32, #tpu.memory_space<vmem>>[vector<16xi32>, vector<16xi32>], vector<16xf32>,
      %gather3A_1147 = tpu.vector_load_idx %arg14[%broadcast_in_dim3A_1128, %add3A_17] : memref<512x64xf32, #tpu.memory_space<vmem>>[vector<16xi32>, vector<16xi32>], vector<16xf32>,
      %mul3A_1148 = arith.mulf %gather3A_1146, %gather3A_1147 : vector<16xf32>
      %mul3A_1149 = arith.mulf %mul3A_1148, %mul3A_1045 : vector<16xf32>
      %add3A_1150 = arith.addf %add3A_1145, %mul3A_1149 : vector<16xf32>
      %eq3A_1151 = arith.constant 2 : i32
      %eq3A_1152 = vector.broadcast %eq3A_1151 : i32 to vector<16xi32>
      %eq3A_1153 = arith.cmpi eq, %iota3A, %eq3A_1152 : vector<16xi32>
      %reduce_sum3A_1154 = arith.constant true
      %reduce_sum3A_1155 = vector.broadcast %reduce_sum3A_1154 : i1 to vector<16xi1>
      %reduce_sum3A_1156 = tpu.scan <sum>, %add3A_1150 masked %reduce_sum3A_1155 : vector<16xf32>, vector<16xi1> -> vector<16xf32>
      %reduce_sum3A_1157 = vector.extract %reduce_sum3A_1156[15] : f32 from vector<16xf32>
      %broadcast_in_dim3A_1158 = vector.broadcast %reduce_sum3A_1157 : f32 to vector<16xf32>
      %select_n3A_1159 = arith.select %eq3A_1153, %broadcast_in_dim3A_1158, %select_n3A_1125 : vector<16xi1>, vector<16xf32>
      %add3A_1160 = arith.constant 3 : i32
      %add3A_1161 = arith.addi %mul3A_1057, %add3A_1160 : i32
      %broadcast_in_dim3A_1162 = vector.broadcast %add3A_1161 : i32 to vector<16xi32>
      %broadcast_in_dim3A_1163 = arith.constant 0.000000e+00 : f32
      %broadcast_in_dim3A_1164 = vector.broadcast %broadcast_in_dim3A_1163 : f32 to vector<16xf32>
      %gather3A_1165 = tpu.vector_load_idx %arg13[%broadcast_in_dim3A_1162, %add3A_8] : memref<512x64xf32, #tpu.memory_space<vmem>>[vector<16xi32>, vector<16xi32>], vector<16xf32>,
      %gather3A_1166 = tpu.vector_load_idx %arg14[%broadcast_in_dim3A_1162, %add3A_8] : memref<512x64xf32, #tpu.memory_space<vmem>>[vector<16xi32>, vector<16xi32>], vector<16xf32>,
      %mul3A_1167 = arith.mulf %gather3A_1165, %gather3A_1166 : vector<16xf32>
      %mul3A_1168 = arith.mulf %mul3A_1167, %mul3A_940 : vector<16xf32>
      %add3A_1169 = arith.addf %broadcast_in_dim3A_1164, %mul3A_1168 : vector<16xf32>
      %gather3A_1170 = tpu.vector_load_idx %arg13[%broadcast_in_dim3A_1162, %add3A_11] : memref<512x64xf32, #tpu.memory_space<vmem>>[vector<16xi32>, vector<16xi32>], vector<16xf32>,
      %gather3A_1171 = tpu.vector_load_idx %arg14[%broadcast_in_dim3A_1162, %add3A_11] : memref<512x64xf32, #tpu.memory_space<vmem>>[vector<16xi32>, vector<16xi32>], vector<16xf32>,
      %mul3A_1172 = arith.mulf %gather3A_1170, %gather3A_1171 : vector<16xf32>
      %mul3A_1173 = arith.mulf %mul3A_1172, %mul3A_975 : vector<16xf32>
      %add3A_1174 = arith.addf %add3A_1169, %mul3A_1173 : vector<16xf32>
      %gather3A_1175 = tpu.vector_load_idx %arg13[%broadcast_in_dim3A_1162, %add3A_14] : memref<512x64xf32, #tpu.memory_space<vmem>>[vector<16xi32>, vector<16xi32>], vector<16xf32>,
      %gather3A_1176 = tpu.vector_load_idx %arg14[%broadcast_in_dim3A_1162, %add3A_14] : memref<512x64xf32, #tpu.memory_space<vmem>>[vector<16xi32>, vector<16xi32>], vector<16xf32>,
      %mul3A_1177 = arith.mulf %gather3A_1175, %gather3A_1176 : vector<16xf32>
      %mul3A_1178 = arith.mulf %mul3A_1177, %mul3A_1010 : vector<16xf32>
      %add3A_1179 = arith.addf %add3A_1174, %mul3A_1178 : vector<16xf32>
      %gather3A_1180 = tpu.vector_load_idx %arg13[%broadcast_in_dim3A_1162, %add3A_17] : memref<512x64xf32, #tpu.memory_space<vmem>>[vector<16xi32>, vector<16xi32>], vector<16xf32>,
      %gather3A_1181 = tpu.vector_load_idx %arg14[%broadcast_in_dim3A_1162, %add3A_17] : memref<512x64xf32, #tpu.memory_space<vmem>>[vector<16xi32>, vector<16xi32>], vector<16xf32>,
      %mul3A_1182 = arith.mulf %gather3A_1180, %gather3A_1181 : vector<16xf32>
      %mul3A_1183 = arith.mulf %mul3A_1182, %mul3A_1045 : vector<16xf32>
      %add3A_1184 = arith.addf %add3A_1179, %mul3A_1183 : vector<16xf32>
      %eq3A_1185 = arith.constant 3 : i32
      %eq3A_1186 = vector.broadcast %eq3A_1185 : i32 to vector<16xi32>
      %eq3A_1187 = arith.cmpi eq, %iota3A, %eq3A_1186 : vector<16xi32>
      %reduce_sum3A_1188 = arith.constant true
      %reduce_sum3A_1189 = vector.broadcast %reduce_sum3A_1188 : i1 to vector<16xi1>
      %reduce_sum3A_1190 = tpu.scan <sum>, %add3A_1184 masked %reduce_sum3A_1189 : vector<16xf32>, vector<16xi1> -> vector<16xf32>
      %reduce_sum3A_1191 = vector.extract %reduce_sum3A_1190[15] : f32 from vector<16xf32>
      %broadcast_in_dim3A_1192 = vector.broadcast %reduce_sum3A_1191 : f32 to vector<16xf32>
      %select_n3A_1193 = arith.select %eq3A_1187, %broadcast_in_dim3A_1192, %select_n3A_1159 : vector<16xi1>, vector<16xf32>
      %add3A_1194 = arith.constant 4 : i32
      %add3A_1195 = arith.addi %mul3A_1057, %add3A_1194 : i32
      %broadcast_in_dim3A_1196 = vector.broadcast %add3A_1195 : i32 to vector<16xi32>
      %broadcast_in_dim3A_1197 = arith.constant 0.000000e+00 : f32
      %broadcast_in_dim3A_1198 = vector.broadcast %broadcast_in_dim3A_1197 : f32 to vector<16xf32>
      %gather3A_1199 = tpu.vector_load_idx %arg13[%broadcast_in_dim3A_1196, %add3A_8] : memref<512x64xf32, #tpu.memory_space<vmem>>[vector<16xi32>, vector<16xi32>], vector<16xf32>,
      %gather3A_1200 = tpu.vector_load_idx %arg14[%broadcast_in_dim3A_1196, %add3A_8] : memref<512x64xf32, #tpu.memory_space<vmem>>[vector<16xi32>, vector<16xi32>], vector<16xf32>,
      %mul3A_1201 = arith.mulf %gather3A_1199, %gather3A_1200 : vector<16xf32>
      %mul3A_1202 = arith.mulf %mul3A_1201, %mul3A_940 : vector<16xf32>
      %add3A_1203 = arith.addf %broadcast_in_dim3A_1198, %mul3A_1202 : vector<16xf32>
      %gather3A_1204 = tpu.vector_load_idx %arg13[%broadcast_in_dim3A_1196, %add3A_11] : memref<512x64xf32, #tpu.memory_space<vmem>>[vector<16xi32>, vector<16xi32>], vector<16xf32>,
      %gather3A_1205 = tpu.vector_load_idx %arg14[%broadcast_in_dim3A_1196, %add3A_11] : memref<512x64xf32, #tpu.memory_space<vmem>>[vector<16xi32>, vector<16xi32>], vector<16xf32>,
      %mul3A_1206 = arith.mulf %gather3A_1204, %gather3A_1205 : vector<16xf32>
      %mul3A_1207 = arith.mulf %mul3A_1206, %mul3A_975 : vector<16xf32>
      %add3A_1208 = arith.addf %add3A_1203, %mul3A_1207 : vector<16xf32>
      %gather3A_1209 = tpu.vector_load_idx %arg13[%broadcast_in_dim3A_1196, %add3A_14] : memref<512x64xf32, #tpu.memory_space<vmem>>[vector<16xi32>, vector<16xi32>], vector<16xf32>,
      %gather3A_1210 = tpu.vector_load_idx %arg14[%broadcast_in_dim3A_1196, %add3A_14] : memref<512x64xf32, #tpu.memory_space<vmem>>[vector<16xi32>, vector<16xi32>], vector<16xf32>,
      %mul3A_1211 = arith.mulf %gather3A_1209, %gather3A_1210 : vector<16xf32>
      %mul3A_1212 = arith.mulf %mul3A_1211, %mul3A_1010 : vector<16xf32>
      %add3A_1213 = arith.addf %add3A_1208, %mul3A_1212 : vector<16xf32>
      %gather3A_1214 = tpu.vector_load_idx %arg13[%broadcast_in_dim3A_1196, %add3A_17] : memref<512x64xf32, #tpu.memory_space<vmem>>[vector<16xi32>, vector<16xi32>], vector<16xf32>,
      %gather3A_1215 = tpu.vector_load_idx %arg14[%broadcast_in_dim3A_1196, %add3A_17] : memref<512x64xf32, #tpu.memory_space<vmem>>[vector<16xi32>, vector<16xi32>], vector<16xf32>,
      %mul3A_1216 = arith.mulf %gather3A_1214, %gather3A_1215 : vector<16xf32>
      %mul3A_1217 = arith.mulf %mul3A_1216, %mul3A_1045 : vector<16xf32>
      %add3A_1218 = arith.addf %add3A_1213, %mul3A_1217 : vector<16xf32>
      %eq3A_1219 = arith.constant 4 : i32
      %eq3A_1220 = vector.broadcast %eq3A_1219 : i32 to vector<16xi32>
      %eq3A_1221 = arith.cmpi eq, %iota3A, %eq3A_1220 : vector<16xi32>
      %reduce_sum3A_1222 = arith.constant true
      %reduce_sum3A_1223 = vector.broadcast %reduce_sum3A_1222 : i1 to vector<16xi1>
      %reduce_sum3A_1224 = tpu.scan <sum>, %add3A_1218 masked %reduce_sum3A_1223 : vector<16xf32>, vector<16xi1> -> vector<16xf32>
      %reduce_sum3A_1225 = vector.extract %reduce_sum3A_1224[15] : f32 from vector<16xf32>
      %broadcast_in_dim3A_1226 = vector.broadcast %reduce_sum3A_1225 : f32 to vector<16xf32>
      %select_n3A_1227 = arith.select %eq3A_1221, %broadcast_in_dim3A_1226, %select_n3A_1193 : vector<16xi1>, vector<16xf32>
      %add3A_1228 = arith.constant 5 : i32
      %add3A_1229 = arith.addi %mul3A_1057, %add3A_1228 : i32
      %broadcast_in_dim3A_1230 = vector.broadcast %add3A_1229 : i32 to vector<16xi32>
      %broadcast_in_dim3A_1231 = arith.constant 0.000000e+00 : f32
      %broadcast_in_dim3A_1232 = vector.broadcast %broadcast_in_dim3A_1231 : f32 to vector<16xf32>
      %gather3A_1233 = tpu.vector_load_idx %arg13[%broadcast_in_dim3A_1230, %add3A_8] : memref<512x64xf32, #tpu.memory_space<vmem>>[vector<16xi32>, vector<16xi32>], vector<16xf32>,
      %gather3A_1234 = tpu.vector_load_idx %arg14[%broadcast_in_dim3A_1230, %add3A_8] : memref<512x64xf32, #tpu.memory_space<vmem>>[vector<16xi32>, vector<16xi32>], vector<16xf32>,
      %mul3A_1235 = arith.mulf %gather3A_1233, %gather3A_1234 : vector<16xf32>
      %mul3A_1236 = arith.mulf %mul3A_1235, %mul3A_940 : vector<16xf32>
      %add3A_1237 = arith.addf %broadcast_in_dim3A_1232, %mul3A_1236 : vector<16xf32>
      %gather3A_1238 = tpu.vector_load_idx %arg13[%broadcast_in_dim3A_1230, %add3A_11] : memref<512x64xf32, #tpu.memory_space<vmem>>[vector<16xi32>, vector<16xi32>], vector<16xf32>,
      %gather3A_1239 = tpu.vector_load_idx %arg14[%broadcast_in_dim3A_1230, %add3A_11] : memref<512x64xf32, #tpu.memory_space<vmem>>[vector<16xi32>, vector<16xi32>], vector<16xf32>,
      %mul3A_1240 = arith.mulf %gather3A_1238, %gather3A_1239 : vector<16xf32>
      %mul3A_1241 = arith.mulf %mul3A_1240, %mul3A_975 : vector<16xf32>
      %add3A_1242 = arith.addf %add3A_1237, %mul3A_1241 : vector<16xf32>
      %gather3A_1243 = tpu.vector_load_idx %arg13[%broadcast_in_dim3A_1230, %add3A_14] : memref<512x64xf32, #tpu.memory_space<vmem>>[vector<16xi32>, vector<16xi32>], vector<16xf32>,
      %gather3A_1244 = tpu.vector_load_idx %arg14[%broadcast_in_dim3A_1230, %add3A_14] : memref<512x64xf32, #tpu.memory_space<vmem>>[vector<16xi32>, vector<16xi32>], vector<16xf32>,
      %mul3A_1245 = arith.mulf %gather3A_1243, %gather3A_1244 : vector<16xf32>
      %mul3A_1246 = arith.mulf %mul3A_1245, %mul3A_1010 : vector<16xf32>
      %add3A_1247 = arith.addf %add3A_1242, %mul3A_1246 : vector<16xf32>
      %gather3A_1248 = tpu.vector_load_idx %arg13[%broadcast_in_dim3A_1230, %add3A_17] : memref<512x64xf32, #tpu.memory_space<vmem>>[vector<16xi32>, vector<16xi32>], vector<16xf32>,
      %gather3A_1249 = tpu.vector_load_idx %arg14[%broadcast_in_dim3A_1230, %add3A_17] : memref<512x64xf32, #tpu.memory_space<vmem>>[vector<16xi32>, vector<16xi32>], vector<16xf32>,
      %mul3A_1250 = arith.mulf %gather3A_1248, %gather3A_1249 : vector<16xf32>
      %mul3A_1251 = arith.mulf %mul3A_1250, %mul3A_1045 : vector<16xf32>
      %add3A_1252 = arith.addf %add3A_1247, %mul3A_1251 : vector<16xf32>
      %eq3A_1253 = arith.constant 5 : i32
      %eq3A_1254 = vector.broadcast %eq3A_1253 : i32 to vector<16xi32>
      %eq3A_1255 = arith.cmpi eq, %iota3A, %eq3A_1254 : vector<16xi32>
      %reduce_sum3A_1256 = arith.constant true
      %reduce_sum3A_1257 = vector.broadcast %reduce_sum3A_1256 : i1 to vector<16xi1>
      %reduce_sum3A_1258 = tpu.scan <sum>, %add3A_1252 masked %reduce_sum3A_1257 : vector<16xf32>, vector<16xi1> -> vector<16xf32>
      %reduce_sum3A_1259 = vector.extract %reduce_sum3A_1258[15] : f32 from vector<16xf32>
      %broadcast_in_dim3A_1260 = vector.broadcast %reduce_sum3A_1259 : f32 to vector<16xf32>
      %select_n3A_1261 = arith.select %eq3A_1255, %broadcast_in_dim3A_1260, %select_n3A_1227 : vector<16xi1>, vector<16xf32>
      %add3A_1262 = arith.constant 6 : i32
      %add3A_1263 = arith.addi %mul3A_1057, %add3A_1262 : i32
      %broadcast_in_dim3A_1264 = vector.broadcast %add3A_1263 : i32 to vector<16xi32>
      %broadcast_in_dim3A_1265 = arith.constant 0.000000e+00 : f32
      %broadcast_in_dim3A_1266 = vector.broadcast %broadcast_in_dim3A_1265 : f32 to vector<16xf32>
      %gather3A_1267 = tpu.vector_load_idx %arg13[%broadcast_in_dim3A_1264, %add3A_8] : memref<512x64xf32, #tpu.memory_space<vmem>>[vector<16xi32>, vector<16xi32>], vector<16xf32>,
      %gather3A_1268 = tpu.vector_load_idx %arg14[%broadcast_in_dim3A_1264, %add3A_8] : memref<512x64xf32, #tpu.memory_space<vmem>>[vector<16xi32>, vector<16xi32>], vector<16xf32>,
      %mul3A_1269 = arith.mulf %gather3A_1267, %gather3A_1268 : vector<16xf32>
      %mul3A_1270 = arith.mulf %mul3A_1269, %mul3A_940 : vector<16xf32>
      %add3A_1271 = arith.addf %broadcast_in_dim3A_1266, %mul3A_1270 : vector<16xf32>
      %gather3A_1272 = tpu.vector_load_idx %arg13[%broadcast_in_dim3A_1264, %add3A_11] : memref<512x64xf32, #tpu.memory_space<vmem>>[vector<16xi32>, vector<16xi32>], vector<16xf32>,
      %gather3A_1273 = tpu.vector_load_idx %arg14[%broadcast_in_dim3A_1264, %add3A_11] : memref<512x64xf32, #tpu.memory_space<vmem>>[vector<16xi32>, vector<16xi32>], vector<16xf32>,
      %mul3A_1274 = arith.mulf %gather3A_1272, %gather3A_1273 : vector<16xf32>
      %mul3A_1275 = arith.mulf %mul3A_1274, %mul3A_975 : vector<16xf32>
      %add3A_1276 = arith.addf %add3A_1271, %mul3A_1275 : vector<16xf32>
      %gather3A_1277 = tpu.vector_load_idx %arg13[%broadcast_in_dim3A_1264, %add3A_14] : memref<512x64xf32, #tpu.memory_space<vmem>>[vector<16xi32>, vector<16xi32>], vector<16xf32>,
      %gather3A_1278 = tpu.vector_load_idx %arg14[%broadcast_in_dim3A_1264, %add3A_14] : memref<512x64xf32, #tpu.memory_space<vmem>>[vector<16xi32>, vector<16xi32>], vector<16xf32>,
      %mul3A_1279 = arith.mulf %gather3A_1277, %gather3A_1278 : vector<16xf32>
      %mul3A_1280 = arith.mulf %mul3A_1279, %mul3A_1010 : vector<16xf32>
      %add3A_1281 = arith.addf %add3A_1276, %mul3A_1280 : vector<16xf32>
      %gather3A_1282 = tpu.vector_load_idx %arg13[%broadcast_in_dim3A_1264, %add3A_17] : memref<512x64xf32, #tpu.memory_space<vmem>>[vector<16xi32>, vector<16xi32>], vector<16xf32>,
      %gather3A_1283 = tpu.vector_load_idx %arg14[%broadcast_in_dim3A_1264, %add3A_17] : memref<512x64xf32, #tpu.memory_space<vmem>>[vector<16xi32>, vector<16xi32>], vector<16xf32>,
      %mul3A_1284 = arith.mulf %gather3A_1282, %gather3A_1283 : vector<16xf32>
      %mul3A_1285 = arith.mulf %mul3A_1284, %mul3A_1045 : vector<16xf32>
      %add3A_1286 = arith.addf %add3A_1281, %mul3A_1285 : vector<16xf32>
      %eq3A_1287 = arith.constant 6 : i32
      %eq3A_1288 = vector.broadcast %eq3A_1287 : i32 to vector<16xi32>
      %eq3A_1289 = arith.cmpi eq, %iota3A, %eq3A_1288 : vector<16xi32>
      %reduce_sum3A_1290 = arith.constant true
      %reduce_sum3A_1291 = vector.broadcast %reduce_sum3A_1290 : i1 to vector<16xi1>
      %reduce_sum3A_1292 = tpu.scan <sum>, %add3A_1286 masked %reduce_sum3A_1291 : vector<16xf32>, vector<16xi1> -> vector<16xf32>
      %reduce_sum3A_1293 = vector.extract %reduce_sum3A_1292[15] : f32 from vector<16xf32>
      %broadcast_in_dim3A_1294 = vector.broadcast %reduce_sum3A_1293 : f32 to vector<16xf32>
      %select_n3A_1295 = arith.select %eq3A_1289, %broadcast_in_dim3A_1294, %select_n3A_1261 : vector<16xi1>, vector<16xf32>
      %add3A_1296 = arith.constant 7 : i32
      %add3A_1297 = arith.addi %mul3A_1057, %add3A_1296 : i32
      %broadcast_in_dim3A_1298 = vector.broadcast %add3A_1297 : i32 to vector<16xi32>
      %broadcast_in_dim3A_1299 = arith.constant 0.000000e+00 : f32
      %broadcast_in_dim3A_1300 = vector.broadcast %broadcast_in_dim3A_1299 : f32 to vector<16xf32>
      %gather3A_1301 = tpu.vector_load_idx %arg13[%broadcast_in_dim3A_1298, %add3A_8] : memref<512x64xf32, #tpu.memory_space<vmem>>[vector<16xi32>, vector<16xi32>], vector<16xf32>,
      %gather3A_1302 = tpu.vector_load_idx %arg14[%broadcast_in_dim3A_1298, %add3A_8] : memref<512x64xf32, #tpu.memory_space<vmem>>[vector<16xi32>, vector<16xi32>], vector<16xf32>,
      %mul3A_1303 = arith.mulf %gather3A_1301, %gather3A_1302 : vector<16xf32>
      %mul3A_1304 = arith.mulf %mul3A_1303, %mul3A_940 : vector<16xf32>
      %add3A_1305 = arith.addf %broadcast_in_dim3A_1300, %mul3A_1304 : vector<16xf32>
      %gather3A_1306 = tpu.vector_load_idx %arg13[%broadcast_in_dim3A_1298, %add3A_11] : memref<512x64xf32, #tpu.memory_space<vmem>>[vector<16xi32>, vector<16xi32>], vector<16xf32>,
      %gather3A_1307 = tpu.vector_load_idx %arg14[%broadcast_in_dim3A_1298, %add3A_11] : memref<512x64xf32, #tpu.memory_space<vmem>>[vector<16xi32>, vector<16xi32>], vector<16xf32>,
      %mul3A_1308 = arith.mulf %gather3A_1306, %gather3A_1307 : vector<16xf32>
      %mul3A_1309 = arith.mulf %mul3A_1308, %mul3A_975 : vector<16xf32>
      %add3A_1310 = arith.addf %add3A_1305, %mul3A_1309 : vector<16xf32>
      %gather3A_1311 = tpu.vector_load_idx %arg13[%broadcast_in_dim3A_1298, %add3A_14] : memref<512x64xf32, #tpu.memory_space<vmem>>[vector<16xi32>, vector<16xi32>], vector<16xf32>,
      %gather3A_1312 = tpu.vector_load_idx %arg14[%broadcast_in_dim3A_1298, %add3A_14] : memref<512x64xf32, #tpu.memory_space<vmem>>[vector<16xi32>, vector<16xi32>], vector<16xf32>,
      %mul3A_1313 = arith.mulf %gather3A_1311, %gather3A_1312 : vector<16xf32>
      %mul3A_1314 = arith.mulf %mul3A_1313, %mul3A_1010 : vector<16xf32>
      %add3A_1315 = arith.addf %add3A_1310, %mul3A_1314 : vector<16xf32>
      %gather3A_1316 = tpu.vector_load_idx %arg13[%broadcast_in_dim3A_1298, %add3A_17] : memref<512x64xf32, #tpu.memory_space<vmem>>[vector<16xi32>, vector<16xi32>], vector<16xf32>,
      %gather3A_1317 = tpu.vector_load_idx %arg14[%broadcast_in_dim3A_1298, %add3A_17] : memref<512x64xf32, #tpu.memory_space<vmem>>[vector<16xi32>, vector<16xi32>], vector<16xf32>,
      %mul3A_1318 = arith.mulf %gather3A_1316, %gather3A_1317 : vector<16xf32>
      %mul3A_1319 = arith.mulf %mul3A_1318, %mul3A_1045 : vector<16xf32>
      %add3A_1320 = arith.addf %add3A_1315, %mul3A_1319 : vector<16xf32>
      %eq3A_1321 = arith.constant 7 : i32
      %eq3A_1322 = vector.broadcast %eq3A_1321 : i32 to vector<16xi32>
      %eq3A_1323 = arith.cmpi eq, %iota3A, %eq3A_1322 : vector<16xi32>
      %reduce_sum3A_1324 = arith.constant true
      %reduce_sum3A_1325 = vector.broadcast %reduce_sum3A_1324 : i1 to vector<16xi1>
      %reduce_sum3A_1326 = tpu.scan <sum>, %add3A_1320 masked %reduce_sum3A_1325 : vector<16xf32>, vector<16xi1> -> vector<16xf32>
      %reduce_sum3A_1327 = vector.extract %reduce_sum3A_1326[15] : f32 from vector<16xf32>
      %broadcast_in_dim3A_1328 = vector.broadcast %reduce_sum3A_1327 : f32 to vector<16xf32>
      %select_n3A_1329 = arith.select %eq3A_1323, %broadcast_in_dim3A_1328, %select_n3A_1295 : vector<16xi1>, vector<16xf32>
      %add3A_1330 = arith.constant 8 : i32
      %add3A_1331 = arith.addi %mul3A_1057, %add3A_1330 : i32
      %broadcast_in_dim3A_1332 = vector.broadcast %add3A_1331 : i32 to vector<16xi32>
      %broadcast_in_dim3A_1333 = arith.constant 0.000000e+00 : f32
      %broadcast_in_dim3A_1334 = vector.broadcast %broadcast_in_dim3A_1333 : f32 to vector<16xf32>
      %gather3A_1335 = tpu.vector_load_idx %arg13[%broadcast_in_dim3A_1332, %add3A_8] : memref<512x64xf32, #tpu.memory_space<vmem>>[vector<16xi32>, vector<16xi32>], vector<16xf32>,
      %gather3A_1336 = tpu.vector_load_idx %arg14[%broadcast_in_dim3A_1332, %add3A_8] : memref<512x64xf32, #tpu.memory_space<vmem>>[vector<16xi32>, vector<16xi32>], vector<16xf32>,
      %mul3A_1337 = arith.mulf %gather3A_1335, %gather3A_1336 : vector<16xf32>
      %mul3A_1338 = arith.mulf %mul3A_1337, %mul3A_940 : vector<16xf32>
      %add3A_1339 = arith.addf %broadcast_in_dim3A_1334, %mul3A_1338 : vector<16xf32>
      %gather3A_1340 = tpu.vector_load_idx %arg13[%broadcast_in_dim3A_1332, %add3A_11] : memref<512x64xf32, #tpu.memory_space<vmem>>[vector<16xi32>, vector<16xi32>], vector<16xf32>,
      %gather3A_1341 = tpu.vector_load_idx %arg14[%broadcast_in_dim3A_1332, %add3A_11] : memref<512x64xf32, #tpu.memory_space<vmem>>[vector<16xi32>, vector<16xi32>], vector<16xf32>,
      %mul3A_1342 = arith.mulf %gather3A_1340, %gather3A_1341 : vector<16xf32>
      %mul3A_1343 = arith.mulf %mul3A_1342, %mul3A_975 : vector<16xf32>
      %add3A_1344 = arith.addf %add3A_1339, %mul3A_1343 : vector<16xf32>
      %gather3A_1345 = tpu.vector_load_idx %arg13[%broadcast_in_dim3A_1332, %add3A_14] : memref<512x64xf32, #tpu.memory_space<vmem>>[vector<16xi32>, vector<16xi32>], vector<16xf32>,
      %gather3A_1346 = tpu.vector_load_idx %arg14[%broadcast_in_dim3A_1332, %add3A_14] : memref<512x64xf32, #tpu.memory_space<vmem>>[vector<16xi32>, vector<16xi32>], vector<16xf32>,
      %mul3A_1347 = arith.mulf %gather3A_1345, %gather3A_1346 : vector<16xf32>
      %mul3A_1348 = arith.mulf %mul3A_1347, %mul3A_1010 : vector<16xf32>
      %add3A_1349 = arith.addf %add3A_1344, %mul3A_1348 : vector<16xf32>
      %gather3A_1350 = tpu.vector_load_idx %arg13[%broadcast_in_dim3A_1332, %add3A_17] : memref<512x64xf32, #tpu.memory_space<vmem>>[vector<16xi32>, vector<16xi32>], vector<16xf32>,
      %gather3A_1351 = tpu.vector_load_idx %arg14[%broadcast_in_dim3A_1332, %add3A_17] : memref<512x64xf32, #tpu.memory_space<vmem>>[vector<16xi32>, vector<16xi32>], vector<16xf32>,
      %mul3A_1352 = arith.mulf %gather3A_1350, %gather3A_1351 : vector<16xf32>
      %mul3A_1353 = arith.mulf %mul3A_1352, %mul3A_1045 : vector<16xf32>
      %add3A_1354 = arith.addf %add3A_1349, %mul3A_1353 : vector<16xf32>
      %eq3A_1355 = arith.constant 8 : i32
      %eq3A_1356 = vector.broadcast %eq3A_1355 : i32 to vector<16xi32>
      %eq3A_1357 = arith.cmpi eq, %iota3A, %eq3A_1356 : vector<16xi32>
      %reduce_sum3A_1358 = arith.constant true
      %reduce_sum3A_1359 = vector.broadcast %reduce_sum3A_1358 : i1 to vector<16xi1>
      %reduce_sum3A_1360 = tpu.scan <sum>, %add3A_1354 masked %reduce_sum3A_1359 : vector<16xf32>, vector<16xi1> -> vector<16xf32>
      %reduce_sum3A_1361 = vector.extract %reduce_sum3A_1360[15] : f32 from vector<16xf32>
      %broadcast_in_dim3A_1362 = vector.broadcast %reduce_sum3A_1361 : f32 to vector<16xf32>
      %select_n3A_1363 = arith.select %eq3A_1357, %broadcast_in_dim3A_1362, %select_n3A_1329 : vector<16xi1>, vector<16xf32>
      %add3A_1364 = arith.constant 9 : i32
      %add3A_1365 = arith.addi %mul3A_1057, %add3A_1364 : i32
      %broadcast_in_dim3A_1366 = vector.broadcast %add3A_1365 : i32 to vector<16xi32>
      %broadcast_in_dim3A_1367 = arith.constant 0.000000e+00 : f32
      %broadcast_in_dim3A_1368 = vector.broadcast %broadcast_in_dim3A_1367 : f32 to vector<16xf32>
      %gather3A_1369 = tpu.vector_load_idx %arg13[%broadcast_in_dim3A_1366, %add3A_8] : memref<512x64xf32, #tpu.memory_space<vmem>>[vector<16xi32>, vector<16xi32>], vector<16xf32>,
      %gather3A_1370 = tpu.vector_load_idx %arg14[%broadcast_in_dim3A_1366, %add3A_8] : memref<512x64xf32, #tpu.memory_space<vmem>>[vector<16xi32>, vector<16xi32>], vector<16xf32>,
      %mul3A_1371 = arith.mulf %gather3A_1369, %gather3A_1370 : vector<16xf32>
      %mul3A_1372 = arith.mulf %mul3A_1371, %mul3A_940 : vector<16xf32>
      %add3A_1373 = arith.addf %broadcast_in_dim3A_1368, %mul3A_1372 : vector<16xf32>
      %gather3A_1374 = tpu.vector_load_idx %arg13[%broadcast_in_dim3A_1366, %add3A_11] : memref<512x64xf32, #tpu.memory_space<vmem>>[vector<16xi32>, vector<16xi32>], vector<16xf32>,
      %gather3A_1375 = tpu.vector_load_idx %arg14[%broadcast_in_dim3A_1366, %add3A_11] : memref<512x64xf32, #tpu.memory_space<vmem>>[vector<16xi32>, vector<16xi32>], vector<16xf32>,
      %mul3A_1376 = arith.mulf %gather3A_1374, %gather3A_1375 : vector<16xf32>
      %mul3A_1377 = arith.mulf %mul3A_1376, %mul3A_975 : vector<16xf32>
      %add3A_1378 = arith.addf %add3A_1373, %mul3A_1377 : vector<16xf32>
      %gather3A_1379 = tpu.vector_load_idx %arg13[%broadcast_in_dim3A_1366, %add3A_14] : memref<512x64xf32, #tpu.memory_space<vmem>>[vector<16xi32>, vector<16xi32>], vector<16xf32>,
      %gather3A_1380 = tpu.vector_load_idx %arg14[%broadcast_in_dim3A_1366, %add3A_14] : memref<512x64xf32, #tpu.memory_space<vmem>>[vector<16xi32>, vector<16xi32>], vector<16xf32>,
      %mul3A_1381 = arith.mulf %gather3A_1379, %gather3A_1380 : vector<16xf32>
      %mul3A_1382 = arith.mulf %mul3A_1381, %mul3A_1010 : vector<16xf32>
      %add3A_1383 = arith.addf %add3A_1378, %mul3A_1382 : vector<16xf32>
      %gather3A_1384 = tpu.vector_load_idx %arg13[%broadcast_in_dim3A_1366, %add3A_17] : memref<512x64xf32, #tpu.memory_space<vmem>>[vector<16xi32>, vector<16xi32>], vector<16xf32>,
      %gather3A_1385 = tpu.vector_load_idx %arg14[%broadcast_in_dim3A_1366, %add3A_17] : memref<512x64xf32, #tpu.memory_space<vmem>>[vector<16xi32>, vector<16xi32>], vector<16xf32>,
      %mul3A_1386 = arith.mulf %gather3A_1384, %gather3A_1385 : vector<16xf32>
      %mul3A_1387 = arith.mulf %mul3A_1386, %mul3A_1045 : vector<16xf32>
      %add3A_1388 = arith.addf %add3A_1383, %mul3A_1387 : vector<16xf32>
      %eq3A_1389 = arith.constant 9 : i32
      %eq3A_1390 = vector.broadcast %eq3A_1389 : i32 to vector<16xi32>
      %eq3A_1391 = arith.cmpi eq, %iota3A, %eq3A_1390 : vector<16xi32>
      %reduce_sum3A_1392 = arith.constant true
      %reduce_sum3A_1393 = vector.broadcast %reduce_sum3A_1392 : i1 to vector<16xi1>
      %reduce_sum3A_1394 = tpu.scan <sum>, %add3A_1388 masked %reduce_sum3A_1393 : vector<16xf32>, vector<16xi1> -> vector<16xf32>
      %reduce_sum3A_1395 = vector.extract %reduce_sum3A_1394[15] : f32 from vector<16xf32>
      %broadcast_in_dim3A_1396 = vector.broadcast %reduce_sum3A_1395 : f32 to vector<16xf32>
      %select_n3A_1397 = arith.select %eq3A_1391, %broadcast_in_dim3A_1396, %select_n3A_1363 : vector<16xi1>, vector<16xf32>
      %add3A_1398 = arith.constant 10 : i32
      %add3A_1399 = arith.addi %mul3A_1057, %add3A_1398 : i32
      %broadcast_in_dim3A_1400 = vector.broadcast %add3A_1399 : i32 to vector<16xi32>
      %broadcast_in_dim3A_1401 = arith.constant 0.000000e+00 : f32
      %broadcast_in_dim3A_1402 = vector.broadcast %broadcast_in_dim3A_1401 : f32 to vector<16xf32>
      %gather3A_1403 = tpu.vector_load_idx %arg13[%broadcast_in_dim3A_1400, %add3A_8] : memref<512x64xf32, #tpu.memory_space<vmem>>[vector<16xi32>, vector<16xi32>], vector<16xf32>,
      %gather3A_1404 = tpu.vector_load_idx %arg14[%broadcast_in_dim3A_1400, %add3A_8] : memref<512x64xf32, #tpu.memory_space<vmem>>[vector<16xi32>, vector<16xi32>], vector<16xf32>,
      %mul3A_1405 = arith.mulf %gather3A_1403, %gather3A_1404 : vector<16xf32>
      %mul3A_1406 = arith.mulf %mul3A_1405, %mul3A_940 : vector<16xf32>
      %add3A_1407 = arith.addf %broadcast_in_dim3A_1402, %mul3A_1406 : vector<16xf32>
      %gather3A_1408 = tpu.vector_load_idx %arg13[%broadcast_in_dim3A_1400, %add3A_11] : memref<512x64xf32, #tpu.memory_space<vmem>>[vector<16xi32>, vector<16xi32>], vector<16xf32>,
      %gather3A_1409 = tpu.vector_load_idx %arg14[%broadcast_in_dim3A_1400, %add3A_11] : memref<512x64xf32, #tpu.memory_space<vmem>>[vector<16xi32>, vector<16xi32>], vector<16xf32>,
      %mul3A_1410 = arith.mulf %gather3A_1408, %gather3A_1409 : vector<16xf32>
      %mul3A_1411 = arith.mulf %mul3A_1410, %mul3A_975 : vector<16xf32>
      %add3A_1412 = arith.addf %add3A_1407, %mul3A_1411 : vector<16xf32>
      %gather3A_1413 = tpu.vector_load_idx %arg13[%broadcast_in_dim3A_1400, %add3A_14] : memref<512x64xf32, #tpu.memory_space<vmem>>[vector<16xi32>, vector<16xi32>], vector<16xf32>,
      %gather3A_1414 = tpu.vector_load_idx %arg14[%broadcast_in_dim3A_1400, %add3A_14] : memref<512x64xf32, #tpu.memory_space<vmem>>[vector<16xi32>, vector<16xi32>], vector<16xf32>,
      %mul3A_1415 = arith.mulf %gather3A_1413, %gather3A_1414 : vector<16xf32>
      %mul3A_1416 = arith.mulf %mul3A_1415, %mul3A_1010 : vector<16xf32>
      %add3A_1417 = arith.addf %add3A_1412, %mul3A_1416 : vector<16xf32>
      %gather3A_1418 = tpu.vector_load_idx %arg13[%broadcast_in_dim3A_1400, %add3A_17] : memref<512x64xf32, #tpu.memory_space<vmem>>[vector<16xi32>, vector<16xi32>], vector<16xf32>,
      %gather3A_1419 = tpu.vector_load_idx %arg14[%broadcast_in_dim3A_1400, %add3A_17] : memref<512x64xf32, #tpu.memory_space<vmem>>[vector<16xi32>, vector<16xi32>], vector<16xf32>,
      %mul3A_1420 = arith.mulf %gather3A_1418, %gather3A_1419 : vector<16xf32>
      %mul3A_1421 = arith.mulf %mul3A_1420, %mul3A_1045 : vector<16xf32>
      %add3A_1422 = arith.addf %add3A_1417, %mul3A_1421 : vector<16xf32>
      %eq3A_1423 = arith.constant 10 : i32
      %eq3A_1424 = vector.broadcast %eq3A_1423 : i32 to vector<16xi32>
      %eq3A_1425 = arith.cmpi eq, %iota3A, %eq3A_1424 : vector<16xi32>
      %reduce_sum3A_1426 = arith.constant true
      %reduce_sum3A_1427 = vector.broadcast %reduce_sum3A_1426 : i1 to vector<16xi1>
      %reduce_sum3A_1428 = tpu.scan <sum>, %add3A_1422 masked %reduce_sum3A_1427 : vector<16xf32>, vector<16xi1> -> vector<16xf32>
      %reduce_sum3A_1429 = vector.extract %reduce_sum3A_1428[15] : f32 from vector<16xf32>
      %broadcast_in_dim3A_1430 = vector.broadcast %reduce_sum3A_1429 : f32 to vector<16xf32>
      %select_n3A_1431 = arith.select %eq3A_1425, %broadcast_in_dim3A_1430, %select_n3A_1397 : vector<16xi1>, vector<16xf32>
      %add3A_1432 = arith.constant 11 : i32
      %add3A_1433 = arith.addi %mul3A_1057, %add3A_1432 : i32
      %broadcast_in_dim3A_1434 = vector.broadcast %add3A_1433 : i32 to vector<16xi32>
      %broadcast_in_dim3A_1435 = arith.constant 0.000000e+00 : f32
      %broadcast_in_dim3A_1436 = vector.broadcast %broadcast_in_dim3A_1435 : f32 to vector<16xf32>
      %gather3A_1437 = tpu.vector_load_idx %arg13[%broadcast_in_dim3A_1434, %add3A_8] : memref<512x64xf32, #tpu.memory_space<vmem>>[vector<16xi32>, vector<16xi32>], vector<16xf32>,
      %gather3A_1438 = tpu.vector_load_idx %arg14[%broadcast_in_dim3A_1434, %add3A_8] : memref<512x64xf32, #tpu.memory_space<vmem>>[vector<16xi32>, vector<16xi32>], vector<16xf32>,
      %mul3A_1439 = arith.mulf %gather3A_1437, %gather3A_1438 : vector<16xf32>
      %mul3A_1440 = arith.mulf %mul3A_1439, %mul3A_940 : vector<16xf32>
      %add3A_1441 = arith.addf %broadcast_in_dim3A_1436, %mul3A_1440 : vector<16xf32>
      %gather3A_1442 = tpu.vector_load_idx %arg13[%broadcast_in_dim3A_1434, %add3A_11] : memref<512x64xf32, #tpu.memory_space<vmem>>[vector<16xi32>, vector<16xi32>], vector<16xf32>,
      %gather3A_1443 = tpu.vector_load_idx %arg14[%broadcast_in_dim3A_1434, %add3A_11] : memref<512x64xf32, #tpu.memory_space<vmem>>[vector<16xi32>, vector<16xi32>], vector<16xf32>,
      %mul3A_1444 = arith.mulf %gather3A_1442, %gather3A_1443 : vector<16xf32>
      %mul3A_1445 = arith.mulf %mul3A_1444, %mul3A_975 : vector<16xf32>
      %add3A_1446 = arith.addf %add3A_1441, %mul3A_1445 : vector<16xf32>
      %gather3A_1447 = tpu.vector_load_idx %arg13[%broadcast_in_dim3A_1434, %add3A_14] : memref<512x64xf32, #tpu.memory_space<vmem>>[vector<16xi32>, vector<16xi32>], vector<16xf32>,
      %gather3A_1448 = tpu.vector_load_idx %arg14[%broadcast_in_dim3A_1434, %add3A_14] : memref<512x64xf32, #tpu.memory_space<vmem>>[vector<16xi32>, vector<16xi32>], vector<16xf32>,
      %mul3A_1449 = arith.mulf %gather3A_1447, %gather3A_1448 : vector<16xf32>
      %mul3A_1450 = arith.mulf %mul3A_1449, %mul3A_1010 : vector<16xf32>
      %add3A_1451 = arith.addf %add3A_1446, %mul3A_1450 : vector<16xf32>
      %gather3A_1452 = tpu.vector_load_idx %arg13[%broadcast_in_dim3A_1434, %add3A_17] : memref<512x64xf32, #tpu.memory_space<vmem>>[vector<16xi32>, vector<16xi32>], vector<16xf32>,
      %gather3A_1453 = tpu.vector_load_idx %arg14[%broadcast_in_dim3A_1434, %add3A_17] : memref<512x64xf32, #tpu.memory_space<vmem>>[vector<16xi32>, vector<16xi32>], vector<16xf32>,
      %mul3A_1454 = arith.mulf %gather3A_1452, %gather3A_1453 : vector<16xf32>
      %mul3A_1455 = arith.mulf %mul3A_1454, %mul3A_1045 : vector<16xf32>
      %add3A_1456 = arith.addf %add3A_1451, %mul3A_1455 : vector<16xf32>
      %eq3A_1457 = arith.constant 11 : i32
      %eq3A_1458 = vector.broadcast %eq3A_1457 : i32 to vector<16xi32>
      %eq3A_1459 = arith.cmpi eq, %iota3A, %eq3A_1458 : vector<16xi32>
      %reduce_sum3A_1460 = arith.constant true
      %reduce_sum3A_1461 = vector.broadcast %reduce_sum3A_1460 : i1 to vector<16xi1>
      %reduce_sum3A_1462 = tpu.scan <sum>, %add3A_1456 masked %reduce_sum3A_1461 : vector<16xf32>, vector<16xi1> -> vector<16xf32>
      %reduce_sum3A_1463 = vector.extract %reduce_sum3A_1462[15] : f32 from vector<16xf32>
      %broadcast_in_dim3A_1464 = vector.broadcast %reduce_sum3A_1463 : f32 to vector<16xf32>
      %select_n3A_1465 = arith.select %eq3A_1459, %broadcast_in_dim3A_1464, %select_n3A_1431 : vector<16xi1>, vector<16xf32>
      %add3A_1466 = arith.constant 12 : i32
      %add3A_1467 = arith.addi %mul3A_1057, %add3A_1466 : i32
      %broadcast_in_dim3A_1468 = vector.broadcast %add3A_1467 : i32 to vector<16xi32>
      %broadcast_in_dim3A_1469 = arith.constant 0.000000e+00 : f32
      %broadcast_in_dim3A_1470 = vector.broadcast %broadcast_in_dim3A_1469 : f32 to vector<16xf32>
      %gather3A_1471 = tpu.vector_load_idx %arg13[%broadcast_in_dim3A_1468, %add3A_8] : memref<512x64xf32, #tpu.memory_space<vmem>>[vector<16xi32>, vector<16xi32>], vector<16xf32>,
      %gather3A_1472 = tpu.vector_load_idx %arg14[%broadcast_in_dim3A_1468, %add3A_8] : memref<512x64xf32, #tpu.memory_space<vmem>>[vector<16xi32>, vector<16xi32>], vector<16xf32>,
      %mul3A_1473 = arith.mulf %gather3A_1471, %gather3A_1472 : vector<16xf32>
      %mul3A_1474 = arith.mulf %mul3A_1473, %mul3A_940 : vector<16xf32>
      %add3A_1475 = arith.addf %broadcast_in_dim3A_1470, %mul3A_1474 : vector<16xf32>
      %gather3A_1476 = tpu.vector_load_idx %arg13[%broadcast_in_dim3A_1468, %add3A_11] : memref<512x64xf32, #tpu.memory_space<vmem>>[vector<16xi32>, vector<16xi32>], vector<16xf32>,
      %gather3A_1477 = tpu.vector_load_idx %arg14[%broadcast_in_dim3A_1468, %add3A_11] : memref<512x64xf32, #tpu.memory_space<vmem>>[vector<16xi32>, vector<16xi32>], vector<16xf32>,
      %mul3A_1478 = arith.mulf %gather3A_1476, %gather3A_1477 : vector<16xf32>
      %mul3A_1479 = arith.mulf %mul3A_1478, %mul3A_975 : vector<16xf32>
      %add3A_1480 = arith.addf %add3A_1475, %mul3A_1479 : vector<16xf32>
      %gather3A_1481 = tpu.vector_load_idx %arg13[%broadcast_in_dim3A_1468, %add3A_14] : memref<512x64xf32, #tpu.memory_space<vmem>>[vector<16xi32>, vector<16xi32>], vector<16xf32>,
      %gather3A_1482 = tpu.vector_load_idx %arg14[%broadcast_in_dim3A_1468, %add3A_14] : memref<512x64xf32, #tpu.memory_space<vmem>>[vector<16xi32>, vector<16xi32>], vector<16xf32>,
      %mul3A_1483 = arith.mulf %gather3A_1481, %gather3A_1482 : vector<16xf32>
      %mul3A_1484 = arith.mulf %mul3A_1483, %mul3A_1010 : vector<16xf32>
      %add3A_1485 = arith.addf %add3A_1480, %mul3A_1484 : vector<16xf32>
      %gather3A_1486 = tpu.vector_load_idx %arg13[%broadcast_in_dim3A_1468, %add3A_17] : memref<512x64xf32, #tpu.memory_space<vmem>>[vector<16xi32>, vector<16xi32>], vector<16xf32>,
      %gather3A_1487 = tpu.vector_load_idx %arg14[%broadcast_in_dim3A_1468, %add3A_17] : memref<512x64xf32, #tpu.memory_space<vmem>>[vector<16xi32>, vector<16xi32>], vector<16xf32>,
      %mul3A_1488 = arith.mulf %gather3A_1486, %gather3A_1487 : vector<16xf32>
      %mul3A_1489 = arith.mulf %mul3A_1488, %mul3A_1045 : vector<16xf32>
      %add3A_1490 = arith.addf %add3A_1485, %mul3A_1489 : vector<16xf32>
      %eq3A_1491 = arith.constant 12 : i32
      %eq3A_1492 = vector.broadcast %eq3A_1491 : i32 to vector<16xi32>
      %eq3A_1493 = arith.cmpi eq, %iota3A, %eq3A_1492 : vector<16xi32>
      %reduce_sum3A_1494 = arith.constant true
      %reduce_sum3A_1495 = vector.broadcast %reduce_sum3A_1494 : i1 to vector<16xi1>
      %reduce_sum3A_1496 = tpu.scan <sum>, %add3A_1490 masked %reduce_sum3A_1495 : vector<16xf32>, vector<16xi1> -> vector<16xf32>
      %reduce_sum3A_1497 = vector.extract %reduce_sum3A_1496[15] : f32 from vector<16xf32>
      %broadcast_in_dim3A_1498 = vector.broadcast %reduce_sum3A_1497 : f32 to vector<16xf32>
      %select_n3A_1499 = arith.select %eq3A_1493, %broadcast_in_dim3A_1498, %select_n3A_1465 : vector<16xi1>, vector<16xf32>
      %add3A_1500 = arith.constant 13 : i32
      %add3A_1501 = arith.addi %mul3A_1057, %add3A_1500 : i32
      %broadcast_in_dim3A_1502 = vector.broadcast %add3A_1501 : i32 to vector<16xi32>
      %broadcast_in_dim3A_1503 = arith.constant 0.000000e+00 : f32
      %broadcast_in_dim3A_1504 = vector.broadcast %broadcast_in_dim3A_1503 : f32 to vector<16xf32>
      %gather3A_1505 = tpu.vector_load_idx %arg13[%broadcast_in_dim3A_1502, %add3A_8] : memref<512x64xf32, #tpu.memory_space<vmem>>[vector<16xi32>, vector<16xi32>], vector<16xf32>,
      %gather3A_1506 = tpu.vector_load_idx %arg14[%broadcast_in_dim3A_1502, %add3A_8] : memref<512x64xf32, #tpu.memory_space<vmem>>[vector<16xi32>, vector<16xi32>], vector<16xf32>,
      %mul3A_1507 = arith.mulf %gather3A_1505, %gather3A_1506 : vector<16xf32>
      %mul3A_1508 = arith.mulf %mul3A_1507, %mul3A_940 : vector<16xf32>
      %add3A_1509 = arith.addf %broadcast_in_dim3A_1504, %mul3A_1508 : vector<16xf32>
      %gather3A_1510 = tpu.vector_load_idx %arg13[%broadcast_in_dim3A_1502, %add3A_11] : memref<512x64xf32, #tpu.memory_space<vmem>>[vector<16xi32>, vector<16xi32>], vector<16xf32>,
      %gather3A_1511 = tpu.vector_load_idx %arg14[%broadcast_in_dim3A_1502, %add3A_11] : memref<512x64xf32, #tpu.memory_space<vmem>>[vector<16xi32>, vector<16xi32>], vector<16xf32>,
      %mul3A_1512 = arith.mulf %gather3A_1510, %gather3A_1511 : vector<16xf32>
      %mul3A_1513 = arith.mulf %mul3A_1512, %mul3A_975 : vector<16xf32>
      %add3A_1514 = arith.addf %add3A_1509, %mul3A_1513 : vector<16xf32>
      %gather3A_1515 = tpu.vector_load_idx %arg13[%broadcast_in_dim3A_1502, %add3A_14] : memref<512x64xf32, #tpu.memory_space<vmem>>[vector<16xi32>, vector<16xi32>], vector<16xf32>,
      %gather3A_1516 = tpu.vector_load_idx %arg14[%broadcast_in_dim3A_1502, %add3A_14] : memref<512x64xf32, #tpu.memory_space<vmem>>[vector<16xi32>, vector<16xi32>], vector<16xf32>,
      %mul3A_1517 = arith.mulf %gather3A_1515, %gather3A_1516 : vector<16xf32>
      %mul3A_1518 = arith.mulf %mul3A_1517, %mul3A_1010 : vector<16xf32>
      %add3A_1519 = arith.addf %add3A_1514, %mul3A_1518 : vector<16xf32>
      %gather3A_1520 = tpu.vector_load_idx %arg13[%broadcast_in_dim3A_1502, %add3A_17] : memref<512x64xf32, #tpu.memory_space<vmem>>[vector<16xi32>, vector<16xi32>], vector<16xf32>,
      %gather3A_1521 = tpu.vector_load_idx %arg14[%broadcast_in_dim3A_1502, %add3A_17] : memref<512x64xf32, #tpu.memory_space<vmem>>[vector<16xi32>, vector<16xi32>], vector<16xf32>,
      %mul3A_1522 = arith.mulf %gather3A_1520, %gather3A_1521 : vector<16xf32>
      %mul3A_1523 = arith.mulf %mul3A_1522, %mul3A_1045 : vector<16xf32>
      %add3A_1524 = arith.addf %add3A_1519, %mul3A_1523 : vector<16xf32>
      %eq3A_1525 = arith.constant 13 : i32
      %eq3A_1526 = vector.broadcast %eq3A_1525 : i32 to vector<16xi32>
      %eq3A_1527 = arith.cmpi eq, %iota3A, %eq3A_1526 : vector<16xi32>
      %reduce_sum3A_1528 = arith.constant true
      %reduce_sum3A_1529 = vector.broadcast %reduce_sum3A_1528 : i1 to vector<16xi1>
      %reduce_sum3A_1530 = tpu.scan <sum>, %add3A_1524 masked %reduce_sum3A_1529 : vector<16xf32>, vector<16xi1> -> vector<16xf32>
      %reduce_sum3A_1531 = vector.extract %reduce_sum3A_1530[15] : f32 from vector<16xf32>
      %broadcast_in_dim3A_1532 = vector.broadcast %reduce_sum3A_1531 : f32 to vector<16xf32>
      %select_n3A_1533 = arith.select %eq3A_1527, %broadcast_in_dim3A_1532, %select_n3A_1499 : vector<16xi1>, vector<16xf32>
      %add3A_1534 = arith.constant 14 : i32
      %add3A_1535 = arith.addi %mul3A_1057, %add3A_1534 : i32
      %broadcast_in_dim3A_1536 = vector.broadcast %add3A_1535 : i32 to vector<16xi32>
      %broadcast_in_dim3A_1537 = arith.constant 0.000000e+00 : f32
      %broadcast_in_dim3A_1538 = vector.broadcast %broadcast_in_dim3A_1537 : f32 to vector<16xf32>
      %gather3A_1539 = tpu.vector_load_idx %arg13[%broadcast_in_dim3A_1536, %add3A_8] : memref<512x64xf32, #tpu.memory_space<vmem>>[vector<16xi32>, vector<16xi32>], vector<16xf32>,
      %gather3A_1540 = tpu.vector_load_idx %arg14[%broadcast_in_dim3A_1536, %add3A_8] : memref<512x64xf32, #tpu.memory_space<vmem>>[vector<16xi32>, vector<16xi32>], vector<16xf32>,
      %mul3A_1541 = arith.mulf %gather3A_1539, %gather3A_1540 : vector<16xf32>
      %mul3A_1542 = arith.mulf %mul3A_1541, %mul3A_940 : vector<16xf32>
      %add3A_1543 = arith.addf %broadcast_in_dim3A_1538, %mul3A_1542 : vector<16xf32>
      %gather3A_1544 = tpu.vector_load_idx %arg13[%broadcast_in_dim3A_1536, %add3A_11] : memref<512x64xf32, #tpu.memory_space<vmem>>[vector<16xi32>, vector<16xi32>], vector<16xf32>,
      %gather3A_1545 = tpu.vector_load_idx %arg14[%broadcast_in_dim3A_1536, %add3A_11] : memref<512x64xf32, #tpu.memory_space<vmem>>[vector<16xi32>, vector<16xi32>], vector<16xf32>,
      %mul3A_1546 = arith.mulf %gather3A_1544, %gather3A_1545 : vector<16xf32>
      %mul3A_1547 = arith.mulf %mul3A_1546, %mul3A_975 : vector<16xf32>
      %add3A_1548 = arith.addf %add3A_1543, %mul3A_1547 : vector<16xf32>
      %gather3A_1549 = tpu.vector_load_idx %arg13[%broadcast_in_dim3A_1536, %add3A_14] : memref<512x64xf32, #tpu.memory_space<vmem>>[vector<16xi32>, vector<16xi32>], vector<16xf32>,
      %gather3A_1550 = tpu.vector_load_idx %arg14[%broadcast_in_dim3A_1536, %add3A_14] : memref<512x64xf32, #tpu.memory_space<vmem>>[vector<16xi32>, vector<16xi32>], vector<16xf32>,
      %mul3A_1551 = arith.mulf %gather3A_1549, %gather3A_1550 : vector<16xf32>
      %mul3A_1552 = arith.mulf %mul3A_1551, %mul3A_1010 : vector<16xf32>
      %add3A_1553 = arith.addf %add3A_1548, %mul3A_1552 : vector<16xf32>
      %gather3A_1554 = tpu.vector_load_idx %arg13[%broadcast_in_dim3A_1536, %add3A_17] : memref<512x64xf32, #tpu.memory_space<vmem>>[vector<16xi32>, vector<16xi32>], vector<16xf32>,
      %gather3A_1555 = tpu.vector_load_idx %arg14[%broadcast_in_dim3A_1536, %add3A_17] : memref<512x64xf32, #tpu.memory_space<vmem>>[vector<16xi32>, vector<16xi32>], vector<16xf32>,
      %mul3A_1556 = arith.mulf %gather3A_1554, %gather3A_1555 : vector<16xf32>
      %mul3A_1557 = arith.mulf %mul3A_1556, %mul3A_1045 : vector<16xf32>
      %add3A_1558 = arith.addf %add3A_1553, %mul3A_1557 : vector<16xf32>
      %eq3A_1559 = arith.constant 14 : i32
      %eq3A_1560 = vector.broadcast %eq3A_1559 : i32 to vector<16xi32>
      %eq3A_1561 = arith.cmpi eq, %iota3A, %eq3A_1560 : vector<16xi32>
      %reduce_sum3A_1562 = arith.constant true
      %reduce_sum3A_1563 = vector.broadcast %reduce_sum3A_1562 : i1 to vector<16xi1>
      %reduce_sum3A_1564 = tpu.scan <sum>, %add3A_1558 masked %reduce_sum3A_1563 : vector<16xf32>, vector<16xi1> -> vector<16xf32>
      %reduce_sum3A_1565 = vector.extract %reduce_sum3A_1564[15] : f32 from vector<16xf32>
      %broadcast_in_dim3A_1566 = vector.broadcast %reduce_sum3A_1565 : f32 to vector<16xf32>
      %select_n3A_1567 = arith.select %eq3A_1561, %broadcast_in_dim3A_1566, %select_n3A_1533 : vector<16xi1>, vector<16xf32>
      %add3A_1568 = arith.constant 15 : i32
      %add3A_1569 = arith.addi %mul3A_1057, %add3A_1568 : i32
      %broadcast_in_dim3A_1570 = vector.broadcast %add3A_1569 : i32 to vector<16xi32>
      %broadcast_in_dim3A_1571 = arith.constant 0.000000e+00 : f32
      %broadcast_in_dim3A_1572 = vector.broadcast %broadcast_in_dim3A_1571 : f32 to vector<16xf32>
      %gather3A_1573 = tpu.vector_load_idx %arg13[%broadcast_in_dim3A_1570, %add3A_8] : memref<512x64xf32, #tpu.memory_space<vmem>>[vector<16xi32>, vector<16xi32>], vector<16xf32>,
      %gather3A_1574 = tpu.vector_load_idx %arg14[%broadcast_in_dim3A_1570, %add3A_8] : memref<512x64xf32, #tpu.memory_space<vmem>>[vector<16xi32>, vector<16xi32>], vector<16xf32>,
      %mul3A_1575 = arith.mulf %gather3A_1573, %gather3A_1574 : vector<16xf32>
      %mul3A_1576 = arith.mulf %mul3A_1575, %mul3A_940 : vector<16xf32>
      %add3A_1577 = arith.addf %broadcast_in_dim3A_1572, %mul3A_1576 : vector<16xf32>
      %gather3A_1578 = tpu.vector_load_idx %arg13[%broadcast_in_dim3A_1570, %add3A_11] : memref<512x64xf32, #tpu.memory_space<vmem>>[vector<16xi32>, vector<16xi32>], vector<16xf32>,
      %gather3A_1579 = tpu.vector_load_idx %arg14[%broadcast_in_dim3A_1570, %add3A_11] : memref<512x64xf32, #tpu.memory_space<vmem>>[vector<16xi32>, vector<16xi32>], vector<16xf32>,
      %mul3A_1580 = arith.mulf %gather3A_1578, %gather3A_1579 : vector<16xf32>
      %mul3A_1581 = arith.mulf %mul3A_1580, %mul3A_975 : vector<16xf32>
      %add3A_1582 = arith.addf %add3A_1577, %mul3A_1581 : vector<16xf32>
      %gather3A_1583 = tpu.vector_load_idx %arg13[%broadcast_in_dim3A_1570, %add3A_14] : memref<512x64xf32, #tpu.memory_space<vmem>>[vector<16xi32>, vector<16xi32>], vector<16xf32>,
      %gather3A_1584 = tpu.vector_load_idx %arg14[%broadcast_in_dim3A_1570, %add3A_14] : memref<512x64xf32, #tpu.memory_space<vmem>>[vector<16xi32>, vector<16xi32>], vector<16xf32>,
      %mul3A_1585 = arith.mulf %gather3A_1583, %gather3A_1584 : vector<16xf32>
      %mul3A_1586 = arith.mulf %mul3A_1585, %mul3A_1010 : vector<16xf32>
      %add3A_1587 = arith.addf %add3A_1582, %mul3A_1586 : vector<16xf32>
      %gather3A_1588 = tpu.vector_load_idx %arg13[%broadcast_in_dim3A_1570, %add3A_17] : memref<512x64xf32, #tpu.memory_space<vmem>>[vector<16xi32>, vector<16xi32>], vector<16xf32>,
      %gather3A_1589 = tpu.vector_load_idx %arg14[%broadcast_in_dim3A_1570, %add3A_17] : memref<512x64xf32, #tpu.memory_space<vmem>>[vector<16xi32>, vector<16xi32>], vector<16xf32>,
      %mul3A_1590 = arith.mulf %gather3A_1588, %gather3A_1589 : vector<16xf32>
      %mul3A_1591 = arith.mulf %mul3A_1590, %mul3A_1045 : vector<16xf32>
      %add3A_1592 = arith.addf %add3A_1587, %mul3A_1591 : vector<16xf32>
      %eq3A_1593 = arith.constant 15 : i32
      %eq3A_1594 = vector.broadcast %eq3A_1593 : i32 to vector<16xi32>
      %eq3A_1595 = arith.cmpi eq, %iota3A, %eq3A_1594 : vector<16xi32>
      %reduce_sum3A_1596 = arith.constant true
      %reduce_sum3A_1597 = vector.broadcast %reduce_sum3A_1596 : i1 to vector<16xi1>
      %reduce_sum3A_1598 = tpu.scan <sum>, %add3A_1592 masked %reduce_sum3A_1597 : vector<16xf32>, vector<16xi1> -> vector<16xf32>
      %reduce_sum3A_1599 = vector.extract %reduce_sum3A_1598[15] : f32 from vector<16xf32>
      %broadcast_in_dim3A_1600 = vector.broadcast %reduce_sum3A_1599 : f32 to vector<16xf32>
      %select_n3A_1601 = arith.select %eq3A_1595, %broadcast_in_dim3A_1600, %select_n3A_1567 : vector<16xi1>, vector<16xf32>
      %get3A_1602 = arith.index_cast %mul3A_1057 : i32 to index
      %get3A_1603 = tpu.vector_load %arg15[%get3A_1602] {strides = array<i32>} : memref<512xf32, #tpu.memory_space<vmem>>, vector<16xf32>,
      %get3A_1604 = arith.index_cast %mul3A_1057 : i32 to index
      %get3A_1605 = tpu.vector_load %arg16[%get3A_1604] {strides = array<i32>} : memref<512xf32, #tpu.memory_space<vmem>>, vector<16xf32>,
      %add3A_1606 = arith.addf %select_n3A_1601, %get3A_1603 : vector<16xf32>
      %add3A_1607 = arith.addf %add3A_1606, %get3A_1605 : vector<16xf32>
      %add3A_1608 = arith.addf %add3A_1607, %get3A_1047 : vector<16xf32>
      %neg3A_1609 = arith.constant 0.000000e+00 : f32
      %neg3A_1610 = vector.broadcast %neg3A_1609 : f32 to vector<16xf32>
      %neg3A_1611 = arith.subf %neg3A_1610, %add3A_1608 : vector<16xf32>
      %exp3A_1612 = math.exp %neg3A_1611 : vector<16xf32>
      %add3A_1613 = arith.constant 1.000000e+00 : f32
      %add3A_1614 = vector.broadcast %add3A_1613 : f32 to vector<16xf32>
      %add3A_1615 = arith.addf %add3A_1614, %exp3A_1612 : vector<16xf32>
      %div3A_1616 = arith.constant 1.000000e+00 : f32
      %div3A_1617 = vector.broadcast %div3A_1616 : f32 to vector<16xf32>
      %div3A_1618 = arith.divf %div3A_1617, %add3A_1615 : vector<16xf32>
      %swap3A_1619 = arith.index_cast %mul3A_1057 : i32 to index
      %swap3A_1620 = tpu.vector_load %arg19[%swap3A_1619] {strides = array<i32>} : memref<512xf32, #tpu.memory_space<vmem>>, vector<16xf32>,
      tpu.vector_store %arg19[%swap3A_1619], %div3A_1618 {strides = array<i32>} : memref<512xf32, #tpu.memory_space<vmem>>, vector<16xf32>,
    }
    %scan3A_1052 = arith.constant 32 : i32
    %mul3A_1053 = arith.constant 512 : i32
    %mul3A_1054 = arith.muli %add3A, %mul3A_1053 : i32
    "tpu.region"() ({
      %run_scoped3A = tpu.sem_alloc : memref<!tpu.dma_semaphore, #tpu.memory_space<semaphore_mem>>
      %dma_start3A_1055 = tpu.memref_slice %arg9[%mul3A_1054] : memref<16384xf32, #tpu.memory_space<hbm>> -> memref<512xf32, #tpu.memory_space<hbm>>
      %dma_start3A_1056 = tpu.memref_slice %arg9[%mul3A_1054] : memref<16384xf32, #tpu.memory_space<hbm>> -> memref<512xf32, #tpu.memory_space<hbm>>
      tpu.enqueue_dma source(%arg19 : memref<512xf32, #tpu.memory_space<vmem>>) target(%dma_start3A_1056 : memref<512xf32, #tpu.memory_space<hbm>>) target_semaphore(%run_scoped3A : memref<!tpu.dma_semaphore, #tpu.memory_space<semaphore_mem>>)
      %dma_wait3A_1057 = tpu.memref_slice %arg9[%mul3A_1054] : memref<16384xf32, #tpu.memory_space<hbm>> -> memref<512xf32, #tpu.memory_space<hbm>>
      %dma_wait3A_1058 = tpu.memref_slice %arg9[%mul3A_1054] : memref<16384xf32, #tpu.memory_space<hbm>> -> memref<512xf32, #tpu.memory_space<hbm>>
      tpu.wait_dma2 semaphore(%run_scoped3A : memref<!tpu.dma_semaphore, #tpu.memory_space<semaphore_mem>>) src(%arg19 : memref<512xf32, #tpu.memory_space<vmem>>) dst(%dma_wait3A_1058 : memref<512xf32, #tpu.memory_space<hbm>>)
      tpu.yield
    }) : () -> ()
    return
  }
}

</mosaic_0001>

<sc_bundles>
// kernel: kernel.3.cloned.1.call-start
scs
__scs_entry_jumppad:
0x0: {  	(pc) =	sbr.rel $0x88, $3  }
0x1: {  	(tag) =	ssettag $0x0;
	lr =	simm.s32 $0x1  }
0x2: {  	[smem:$0x3F9A] =	sst lr;
	_ =	strace $0xD0000000  }
0x3: {  	_ = 	snop  }
0x4: {  	_ = 	snop  }
0x5: {  	_ = 	snop  }
0x6: {  	_ = 	snop  }
0x7: {  	_ = 	snop  }
__scs_overlays_trampoline_lowered:
0x8: {  	[smem:$0x3FA9] =	sst s0  }
0x9: {  	[smem:$0x3FAA] =	sst s1  }
0xa: {  	[smem:$0x3FAB] =	sst s2  }
0xb: {  	[smem:$0x3FAC] =	sst s3  }
0xc: {  	[smem:$0x3FAD] =	sst s4  }
0xd: {  	[smem:$0x3FAE] =	sst s5  }
0xe: {  	[smem:$0x3FAF] =	sst s6  }
0xf: {  	[smem:$0x3FB0] =	sst s7  }
0x10: {  	[smem:$0x3FB1] =	sst s8  }
0x11: {  	[smem:$0x3FB2] =	sst s9;
	s0 =	simm.s32 @!p0 $0x0  }
0x12: {  	s1 =	sld [smem:$0x3F98];
	s0 =	simm.s32 @p0 $0x1  }
0x13: {  	[smem:$0x3FB3] =	sst s0;
	s0 =	simm.s32 @!p1 $0x0  }
0x14: {  	s2 =	sld [smem:$0x3F97];
	s0 =	simm.s32 @p1 $0x1  }
0x15: {  	[smem:$0x3FB4] =	sst s0;
	s0 =	simm.s32 @!p2 $0x0  }
0x16: {  	s3 =	sld [smem:$0x3FDB];
	s0 =	simm.s32 @p2 $0x1  }
0x17: {  	s4 =	simm.s32 $0x1BF5;
	[smem:$0x3FB6] =	sst s0  }
0x18: {  	s0 =	sld [smem:$0x3F99];
	_ =	swait.ge [sflag:s4], $0x0  }
0x19: {  	s7 =	sld [smem:$0x3F9A]  }
0x1a: {  	s8 =	sadd.s32 $0xFFFFE003, lr  }
0x1b: {  	s9 =	sadd.s32 $0xFFFFFEF7, lr;
	s5 =	simm.s32 $0xFFFFFFFF;
	p2 =	slt.u32 s8, $0xFFFFF086  }
0x1c: {  	p1 =	slt.u32 s9, $0xF7A;
	s5 =	simm.s32 @!p2 $0x0  }
0x1d: {  	s5 =	simm.s32 @p1 $0x1;
	p0 =	seq.s32 s7, s2  }
0x1e: {  	s7 =	smul.u32 @!p0 $0xF7A, s2;
	p2 =	seq.s32 @!p0 s5, $0x0  }
0x1f: {  	s9 =	smul.u32 $0xF7A, s1;
	s8 =	simm.s32 @!p0 $0x1BF5;
	p2 =	por !p2, p0  }
0x20: {  	[sflag:s8] =	ssyncset.s32 @!p0 $0xFFFFF086;
	s6 =	sadd.s32 @!p0 s3, s7;
	s7 =	simm.s32 @!p0 $0x108  }
0x21: {  	s3 =	sadd.s32 s3, s9;
	s6 =	sadd.s32 @!p0 $0x88, s6;
	s7 =	simm.s32 @p2 $0x1082  }
0x22: {  	[simem:s7], [sflag:s8] =	dma.local @!p0 [hbm:s6], $0xF7A  }
0x23: {  	s9 =	sor.u32 $0xD0000000, s2;
	s6 =	simm.s32 $0x108;
	_ =	swait.ge @!p0 [sflag:s8], $0x0  }
0x24: {  	s3 =	sadd.s32 $0x88, s3;
	s6 =	simm.s32 @!p1 $0x1082;
	[sflag:s4] =	ssyncset.s32 $0xFFFFF086  }
0x25: {  	[simem:s6], [sflag:s4] =	dma.local [hbm:s3], $0xF7A  }
0x26: {  	[smem:$0x3F9A] =	sst s1;
	(tag) =	ssettag s2;
	_ =	strace s9  }
0x27: {  	s1 =	sld [smem:$0x3FAA]  }
0x28: {  	s2 =	sld [smem:$0x3FAB]  }
0x29: {  	s4 =	sld [smem:$0x3FAD]  }
0x2a: {  	p0 =	seq.s32 s5, $0x0;
	s5 =	sld [smem:$0x3FAE]  }
0x2b: {  	s6 =	sld [smem:$0x3FAF]  }
0x2c: {  	s7 =	sld [smem:$0x3FB0]  }
0x2d: {  	s3 =	simm.s32 $0x108;
	s8 =	sld [smem:$0x3FB1]  }
0x2e: {  	s3 =	simm.s32 @!p0 $0x1082;
	s9 =	sld [smem:$0x3FB2]  }
0x2f: {  	lr =	sadd.s32 s0, s3;
	s0 =	sld [smem:$0x3FA9]  }
0x30: {  	s3 =	sld [smem:$0x3FAC]  }
0x31: {  	[smem:$0x3FB5] =	sst s10  }
0x32: {  	s10 =	sld [smem:$0x3FB3];
	_ =	sdelay $0x3  }
0x33: {  	p0 =	seq.s32 s10, $0x1;
	s10 =	sld [smem:$0x3FB5];
	_ =	sdelay $0x3  }
0x34: {  	[smem:$0x3FB5] =	sst s10  }
0x35: {  	s10 =	sld [smem:$0x3FB4];
	_ =	sdelay $0x3  }
0x36: {  	p1 =	seq.s32 s10, $0x1;
	s10 =	sld [smem:$0x3FB5];
	_ =	sdelay $0x3  }
0x37: {  	[smem:$0x3FB5] =	sst s10  }
0x38: {  	s10 =	sld [smem:$0x3FB6]  }
0x39: {  	_ = 	snop;
	(pc) =	sbr.ind lr, $3  }
0x3a: {  	_ = 	snop  }
0x3b: {  	_ = 	snop  }
0x3c: {  	p2 =	seq.s32 s10, $0x1;
	s10 =	sld [smem:$0x3FB5]  }
0x3d: {  	_ =	shalt  }
0x3e: {  	_ =	shalt  }
0x3f: {  	_ =	shalt  }
0x40: {  	_ =	shalt  }
0x41: {  	_ =	shalt  }
0x42: {  	_ =	shalt  }
0x43: {  	_ =	shalt  }
0x44: {  	_ =	shalt  }
0x45: {  	_ =	shalt  }
0x46: {  	_ =	shalt  }
0x47: {  	_ =	shalt  }
0x48: {  	_ =	shalt  }
0x49: {  	_ =	shalt  }
0x4a: {  	_ =	shalt  }
0x4b: {  	_ =	shalt  }
0x4c: {  	_ =	shalt  }
0x4d: {  	_ =	shalt  }
0x4e: {  	_ =	shalt  }
0x4f: {  	_ =	shalt  }
0x50: {  	_ =	shalt  }
0x51: {  	_ =	shalt  }
0x52: {  	_ =	shalt  }
0x53: {  	_ =	shalt  }
0x54: {  	_ =	shalt  }
0x55: {  	_ =	shalt  }
0x56: {  	_ =	shalt  }
0x57: {  	_ =	shalt  }
0x58: {  	_ =	shalt  }
0x59: {  	_ =	shalt  }
0x5a: {  	_ =	shalt  }
0x5b: {  	_ =	shalt  }
0x5c: {  	_ =	shalt  }
0x5d: {  	_ =	shalt  }
0x5e: {  	_ =	shalt  }
0x5f: {  	_ =	shalt  }
0x60: {  	_ =	shalt  }
0x61: {  	_ =	shalt  }
0x62: {  	_ =	shalt  }
0x63: {  	_ =	shalt  }
0x64: {  	_ =	shalt  }
0x65: {  	_ =	shalt  }
0x66: {  	_ =	shalt  }
0x67: {  	_ =	shalt  }
0x68: {  	_ =	shalt  }
0x69: {  	_ =	shalt  }
0x6a: {  	_ =	shalt  }
0x6b: {  	_ =	shalt  }
0x6c: {  	_ =	shalt  }
0x6d: {  	_ =	shalt  }
0x6e: {  	_ =	shalt  }
0x6f: {  	_ =	shalt  }
0x70: {  	_ =	shalt  }
0x71: {  	_ =	shalt  }
0x72: {  	_ =	shalt  }
0x73: {  	_ =	shalt  }
0x74: {  	_ =	shalt  }
0x75: {  	_ =	shalt  }
0x76: {  	_ =	shalt  }
0x77: {  	_ =	shalt  }
0x78: {  	_ =	shalt  }
0x79: {  	_ =	shalt  }
0x7a: {  	_ =	shalt  }
0x7b: {  	_ =	shalt  }
0x7c: {  	_ =	shalt  }
0x7d: {  	_ =	shalt  }
0x7e: {  	_ =	shalt  }
0x7f: {  	_ =	shalt  }
0x80: {  	_ =	shalt  }
0x81: {  	_ =	shalt  }
0x82: {  	_ =	shalt  }
0x83: {  	_ =	shalt  }
0x84: {  	_ =	shalt  }
0x85: {  	_ =	shalt  }
0x86: {  	_ =	shalt  }
0x87: {  	_ =	shalt  }
.Lfunc_end0:
.L_simem_size_0:
called_computation_lowered:
.L_overlay_start_0:
0x88: {  	s2 =	sld [smem:$0x3FD9]  }
0x89: {  	s3 =	sld [smem:$0x3FFE];
	_ =	sdelay $0x1  }
0x8a: {  	s1 =	srdreg.scid  }
0x8b: {  	s0 =	sand.u32 $0x1, s1  }
0x8c: {  	s14 =	sshll.u32 s0, $0xA;
	s2 =	sadd.s32 s3, s2  }
0x8d: {  	s2 =	sadd.s32 s2, s14  }
0x8e: {  	[smem:$0x3FC1] =	sst s2  }
0x8f: {  	_ = 	snop  }
0x90: {  	s2 =	sld [smem:$0x3FD0];
	_ =	sdelay $0x2  }
0x91: {  	s15 =	simm.s32 $0xA;
	s4 =	simm.s32 $0x10  }
0x92: {  	[smem:s4], [sflag:s15] =	dma.local [hbm:s2], $0x1  }
0x93: {  	_ =	swait.eq [sflag:s15], $0x1  }
0x94: {  	[sflag:s15] =	ssyncset.done $0x0  }
0x95: {  	[sflag:s15] =	ssyncadd.s32 $0xFFFFFFFF  }
0x96: {  	s16 =	sld [smem:$0x10];
	(tm) =	ssettm $0x1  }
0x97: {  	s17 =	sld [smem:$0x3FFB];
	_ =	sdelay $0x3  }
0x98: {  	_ =	strace s17  }
0x99: {  	s3 =	sld [smem:$0x3FFC];
	_ =	sdelay $0x3  }
0x9a: {  	_ =	strace s3  }
0x9b: {  	s3 =	sld [smem:$0x3FFD];
	_ =	sdelay $0x3  }
0x9c: {  	_ =	strace s3  }
0x9d: {  	_ =	strace $0x8FFFFFFF  }
0x9e: {  	s18 =	sld [smem:$0x3FDB];
	_ =	sdelay $0x1  }
0x9f: {  	s19 =	simm.s32 $_scs_section_size  }
0xa0: {  	s5 =	simm.s32 $_size__tile_overlayer_lowered;
	s6 =	simm.s32 $_tile_overlayer_lowered  }
0xa1: {  	s22 =	simm.s32 $0x1BFF;
	s21 =	sshll.u32 s6, $0x1;
	s3 =	sadd.s32 s19, s18  }
0xa2: {  	s7 =	simm.s32 $0x0;
	s20 =	sshll.u32 s5, $0x1;
	s5 =	sadd.s32 s21, s3  }
0xa3: {  	[timem:s7], [sflag:s22] =	dma.local [hbm:s5], s20  }
0xa4: {  	_ =	swait.ge [sflag:s22], s20  }
0xa5: {  	s4 =	ssub.s32 $0x0, s20;
	[sflag:s22] =	ssyncset.done $0x0  }
0xa6: {  	[sflag:s22] =	ssyncadd.s32 s4;
	_ =	sdelay $0x1  }
0xa7: {  	s23 =	simm.s32 $0x1B8B  }
0xa8: {  	_ =	swait.ge [sflag:s23], $0x1  }
0xa9: {  	[sflag:s23] =	ssyncset.done $0x0  }
0xaa: {  	s25 =	simm.s32 $0x1B8E;
	s24 =	sld [smem:$0x3FFE];
	[sflag:s23] =	ssyncadd.s32 $0xFFFFFFFF  }
0xab: {  	s26 =	simm.s32 $execute0_lowered;
	[smem:$0x3FD2] =	sst s25  }
0xac: {  	s5 =	sshll.u32 s26, $0x1;
	_ =	strace $0x80000046;
	[dreg:$0x1] =	wrdreg $0xFFFFFFFF  }
0xad: {  	s28 =	simm.s32 $_size_execute0_lowered;
	s3 =	sadd.s32 s3, s5;
	[dreg:$0x0] =	wrdreg $0x0  }
0xae: {  	s5 =	sshll.u32 s28, $0x1;
	[dreg:$0x2] =	wrdreg s3  }
0xaf: {  	[dreg:$0x3] =	wrdreg s5  }
0xb0: {  	[dreg:$0x4] =	wrdreg $0xC0  }
0xb1: {  	_ =	task [dreg:s7], $0x5FFFF  }
0xb2: {  	[dreg:$0x1] =	wrdreg $0xFFFFFFFF  }
0xb3: {  	[dreg:$0x0] =	wrdreg $0x60  }
0xb4: {  	[dreg:$0x2] =	wrdreg s24  }
0xb5: {  	[dreg:$0x3] =	wrdreg s16  }
0xb6: {  	[dreg:$0x4] =	wrdreg $0x9  }
0xb7: {  	_ =	task.clear_ibuf [dreg:s7], $0x5FFFF;
	_ =	strace $0x90000046  }
0xb8: {  	s29 =	simm.s32 $0x9;
	_ =	strace $0x80000048  }
0xb9: {  	_ =	swait.ge [sflag:s29], $0x1  }
0xba: {  	[sflag:s29] =	ssyncadd.s32 $0xFFFFFFFF  }
0xbb: {  	_ =	strace $0x90000048  }
0xbc: {  	_ =	sfence  }
0xbd: {  	s30 =	sld [smem:$0x0];
	_ =	sdelay $0x2  }
0xbe: {  	s31 =	sshll.u32 s1, $0xD;
	s1 =	sshrl.u32 s1, $0x2  }
0xbf: {  	s3 =	sand.u32 $0x4000, s31;
	s1 =	sadd.s32 s1, s30  }
0xc0: {  	s0 =	sor.u32 s3, s0;
	s1 =	sshll.u32 s1, $0x11  }
0xc1: {  	s0 =	sor.u32 s1, s0  }
0xc2: {  	s0 =	sadd.s32 $0x8F2B, s0  }
0xc3: {  	[sflag:s0] =	ssyncadd.remote.s32 $0x1  }
0xc4: {  	_ =	sfence.sel $0xFFFF  }
0xc5: {  	[dreg:$0x0] =	wrdreg $0xFFFFFFFF;
	(pc) =	sbr.abs _section_cstart, $3  }
0xc6: {  	[dreg:$0x1] =	wrdreg $0xFFFFFFFF  }
0xc7: {  	_ =	task.clear_ibuf [dreg:s7], $0x2FFFF;
	_ =	strace $0x9FFFFFFF  }
0xc8: {  	(tm) =	ssettm $0x7FFFFFFF  }
0xc9: {  	_ =	shalt  }
tec
execute0_lowered:
.L_overlay_start_1:
0x0: {  	(tag) =	ssettag $0x1  }
0x1: {  	v55 =	vlaneseq.u32  }
0x2: {  	v0 =	vmul.u32 $0x2, v55;
	_ =	sdelay $0x1  }
0x3: {  	v1 =	vor.u32 $0x1, v0  }
0x4: {  	v62 =	vor.u32 $0x20, v0;
	[tilespmem:$0x1FC00] =	vst v1  }
0x5: {  	v63 =	vor.u32 $0x21, v0;
	[tilespmem:$0x1FC10] =	vst v62  }
0x6: {  	v4 =	vor.u32 $0x40, v0;
	[tilespmem:$0x1FC20] =	vst v63  }
0x7: {  	v5 =	vor.u32 $0x41, v0;
	[tilespmem:$0x1FC30] =	vst v4  }
0x8: {  	v6 =	vor.u32 $0x60, v0;
	[tilespmem:$0x1FC40] =	vst v5  }
0x9: {  	v7 =	vor.u32 $0x61, v0;
	[tilespmem:$0x1FC50] =	vst v6  }
0xa: {  	v8 =	vor.u32 $0x80, v0;
	[tilespmem:$0x1FC60] =	vst v7  }
0xb: {  	v9 =	vor.u32 $0x81, v0;
	[tilespmem:$0x1FC70] =	vst v8  }
0xc: {  	v10 =	vor.u32 $0xA0, v0;
	[tilespmem:$0x1FC80] =	vst v9  }
0xd: {  	v11 =	vor.u32 $0xA1, v0;
	[tilespmem:$0x1FC90] =	vst v10  }
0xe: {  	v12 =	vor.u32 $0xC0, v0;
	[tilespmem:$0x1FCA0] =	vst v11  }
0xf: {  	v13 =	vor.u32 $0xC1, v0;
	[tilespmem:$0x1FCB0] =	vst v12  }
0x10: {  	v14 =	vor.u32 $0xE0, v0;
	[tilespmem:$0x1FCC0] =	vst v13  }
0x11: {  	v15 =	vor.u32 $0xE1, v0;
	[tilespmem:$0x1FCD0] =	vst v14  }
0x12: {  	v16 =	vor.u32 $0x100, v0;
	[tilespmem:$0x1FCE0] =	vst v15  }
0x13: {  	v17 =	vor.u32 $0x101, v0;
	[tilespmem:$0x1FCF0] =	vst v16  }
0x14: {  	v18 =	vor.u32 $0x120, v0;
	[tilespmem:$0x1FD00] =	vst v17  }
0x15: {  	v19 =	vor.u32 $0x121, v0;
	[tilespmem:$0x1FD10] =	vst v18  }
0x16: {  	v20 =	vor.u32 $0x140, v0;
	[tilespmem:$0x1FD20] =	vst v19  }
0x17: {  	v21 =	vor.u32 $0x141, v0;
	[tilespmem:$0x1FD30] =	vst v20  }
0x18: {  	v22 =	vor.u32 $0x160, v0;
	[tilespmem:$0x1FD40] =	vst v21  }
0x19: {  	v23 =	vor.u32 $0x161, v0;
	[tilespmem:$0x1FD50] =	vst v22  }
0x1a: {  	v24 =	vor.u32 $0x180, v0;
	[tilespmem:$0x1FD60] =	vst v23  }
0x1b: {  	v25 =	vor.u32 $0x181, v0;
	[tilespmem:$0x1FD70] =	vst v24  }
0x1c: {  	v26 =	vor.u32 $0x1A0, v0;
	[tilespmem:$0x1FD80] =	vst v25  }
0x1d: {  	v27 =	vor.u32 $0x1A1, v0;
	[tilespmem:$0x1FD90] =	vst v26  }
0x1e: {  	v28 =	vor.u32 $0x1C0, v0;
	[tilespmem:$0x1FDA0] =	vst v27  }
0x1f: {  	v29 =	vor.u32 $0x1C1, v0;
	[tilespmem:$0x1FDB0] =	vst v28  }
0x20: {  	s0 =	rddreg [dreg:$0x0];
	s2 =	simm.s32 $0x0;
	v30 =	vor.u32 $0x1E0, v0;
	[tilespmem:$0x1FDC0] =	vst v29  }
0x21: {  	[smem:$0x7FF] =	sst s2;
	v31 =	vor.u32 $0x1E1, v0;
	[tilespmem:$0x1FDD0] =	vst v30  }
0x22: {  	s1 =	rddreg [dreg:$0x1];
	v32 =	vor.u32 $0x200, v0;
	_ =	strace $0x80000047;
	[tilespmem:$0x1FDE0] =	vst v31  }
0x23: {  	v33 =	vor.u32 $0x201, v0;
	[tilespmem:$0x1FDF0] =	vst v32  }
0x24: {  	v34 =	vor.u32 $0x220, v0;
	[tilespmem:$0x1FE00] =	vst v33  }
0x25: {  	v35 =	vor.u32 $0x221, v0;
	[tilespmem:$0x1FE10] =	vst v34  }
0x26: {  	v36 =	vor.u32 $0x240, v0;
	[tilespmem:$0x1FE20] =	vst v35  }
0x27: {  	v37 =	vor.u32 $0x241, v0;
	[tilespmem:$0x1FE30] =	vst v36  }
0x28: {  	v38 =	vor.u32 $0x260, v0;
	[tilespmem:$0x1FE40] =	vst v37  }
0x29: {  	v39 =	vor.u32 $0x261, v0;
	[tilespmem:$0x1FE50] =	vst v38  }
0x2a: {  	v40 =	vor.u32 $0x280, v0;
	[tilespmem:$0x1FE60] =	vst v39  }
0x2b: {  	v41 =	vor.u32 $0x281, v0;
	[tilespmem:$0x1FE70] =	vst v40  }
0x2c: {  	v42 =	vor.u32 $0x2A0, v0;
	[tilespmem:$0x1FE80] =	vst v41  }
0x2d: {  	v43 =	vor.u32 $0x2A1, v0;
	[tilespmem:$0x1FE90] =	vst v42  }
0x2e: {  	v44 =	vor.u32 $0x2C0, v0;
	[tilespmem:$0x1FEA0] =	vst v43  }
0x2f: {  	v45 =	vor.u32 $0x2C1, v0;
	[tilespmem:$0x1FEB0] =	vst v44  }
0x30: {  	v46 =	vor.u32 $0x2E0, v0;
	[tilespmem:$0x1FEC0] =	vst v45  }
0x31: {  	v47 =	vor.u32 $0x2E1, v0;
	[tilespmem:$0x1FED0] =	vst v46  }
0x32: {  	v48 =	vor.u32 $0x300, v0;
	[tilespmem:$0x1FEE0] =	vst v47  }
0x33: {  	v49 =	vor.u32 $0x301, v0;
	[tilespmem:$0x1FEF0] =	vst v48  }
0x34: {  	v50 =	vor.u32 $0x320, v0;
	[tilespmem:$0x1FF00] =	vst v49  }
0x35: {  	v51 =	vor.u32 $0x321, v0;
	[tilespmem:$0x1FF10] =	vst v50  }
0x36: {  	v52 =	vor.u32 $0x340, v0;
	[tilespmem:$0x1FF20] =	vst v51  }
0x37: {  	v53 =	vor.u32 $0x341, v0;
	[tilespmem:$0x1FF30] =	vst v52  }
0x38: {  	s3 =	srdreg.scid;
	v54 =	vor.u32 $0x360, v0;
	[tilespmem:$0x1FF40] =	vst v53  }
0x39: {  	s4 =	stileid.u32;
	s12 =	simm.s32 $0x2;
	s15 =	simm.s32 $0x80;
	v56 =	vor.u32 $0x361, v0;
	[tilespmem:$0x1FF50] =	vst v54  }
0x3a: {  	s17 =	simm.s32 $0x800;
	s19 =	simm.s32 $0x8800;
	s29 =	simm.s32 $0x700;
	v57 =	vor.u32 $0x380, v0;
	[tilespmem:$0x1FF60] =	vst v56  }
0x3b: {  	s14 =	simm.s32 $0x780;
	s28 =	simm.s32 $0x10C90;
	s30 =	simm.s32 $0x0;
	v58 =	vor.u32 $0x381, v0;
	[tilespmem:$0x1FF70] =	vst v57  }
0x3c: {  	s7 =	sand.u32 $0x1, s3;
	s24 =	sshll.u32 s4, $0x1;
	s3 =	sadd.s32 $0x16E3800, s0;
	v59 =	vor.u32 $0x3A0, v0;
	[tilespmem:$0x1FF80] =	vst v58  }
0x3d: {  	vm0 =	vmmov $0x1;
	s4 =	sadd.s32 $0x1FC00, s0;
	s5 =	sadd.s32 $0xF42600, s0;
	s6 =	sadd.s32 $0x1200, s0;
	v60 =	vor.u32 $0x3A1, v0;
	[tilespmem:$0x1FF90] =	vst v59  }
0x3e: {  	vm1 =	vmmov $0x3;
	vm2 =	vmmov $0x7;
	s10 =	sadd.s32 $0x3E800, s0;
	s8 =	sor.u32 s7, s24;
	s7 =	ssub.s32 $0x2, s7;
	v61 =	vor.u32 $0x3C0, v0;
	[tilespmem:$0x1FFA0] =	vst v60  }
0x3f: {  	vm3 =	vmmov $0xf;
	vm4 =	vmmov $0x1f;
	s25 =	sshll.u32 s8, $0x7;
	s26 =	sshrl.u32 s7, $0x1;
	s8 =	sshll.u32 s8, $0x6;
	v62 =	vor.u32 $0x3C1, v0;
	[tilespmem:$0x1FFB0] =	vst v61  }
0x40: {  	vm5 =	vmmov $0x3f;
	vm6 =	vmmov $0x7f;
	s9 =	sadd.s32 s25, s0;
	s0 =	sadd.s32 $0x3E600, s0;
	v63 =	vor.u32 $0x3E0, v0;
	[dreg:$0x3] =	wrdreg s10;
	[tilespmem:$0x1FFC0] =	vst v62  }
0x41: {  	vm7 =	vmmov $0xff;
	vm8 =	vmmov $0x1ff;
	vm9 =	vmmov $0x3ff;
	s25 =	simm.s32 $0x1;
	[dreg:$0x4] =	wrdreg s0;
	s0 =	ssub.s32 s7, s26;
	[tilespmem:$0x1FFD0] =	vst v63  }
0x42: {  	vm10 =	vmmov $0x7ff;
	vm11 =	vmmov $0xfff;
	s31 =	sadd.s32 $0x200, s9;
	s10 =	sadd.s32 s1, s8;
	s26 =	simm.s32 $0x500;
	[tilespmem:$0x1FFE0] =	vst v0;
	v0 =	vor.u32 $0x3E1, v0  }
0x43: {  	vm12 =	vmmov $0x1fff;
	vm13 =	vmmov $0x3fff;
	vm14 =	vmmov $0x7fff;
	s1 =	simm.s32 $0x580;
	[dreg:$0x5] =	wrdreg s31;
	s11 =	smax.u32 s0, $0x1;
	[tilespmem:$0x1FFF0] =	vst v0  }
.LBB2_1:
0x44: {  	s0 =	rddreg [dreg:$0x5]  }
0x45: {  	[tilespmem:s2], [sflag:$0x2] =	stream.linear.gather [hbm4b:s0+s2], $0x400, $0x38;
	[tilespmem:$0x10E90] =	vst v63  }
0x46: {  	_ =	swait.ge [sflag:s12], $0x400  }
0x47: {  	[sflag:s12] =	ssyncset.done $0x0  }
0x48: {  	s7 =	simm.s32 $0x10C00;
	s13 =	rddreg [dreg:$0x3];
	[sflag:s12] =	ssyncadd.s32 $0xFFFFFC00  }
0x49: {  	[tilespmem:s7], [sflag:$0x2] =	stream.linear.gather [hbm4b:s13+s2], $0x10, $0x38;
	[tilespmem:$0x10E90] =	vst v63  }
0x4a: {  	_ =	swait.ge [sflag:s12], $0x10  }
0x4b: {  	[sflag:s12] =	ssyncset.done $0x0  }
0x4c: {  	s18 =	simm.s32 $0x10C10;
	s16 =	rddreg [dreg:$0x4];
	[sflag:s12] =	ssyncadd.s32 $0xFFFFFFF0  }
0x4d: {  	[tilespmem:s18], [sflag:$0x2] =	stream.linear.gather [hbm4b:s16+s2], $0x80, $0x38;
	[tilespmem:$0x10E90] =	vst v63  }
0x4e: {  	_ =	swait.ge [sflag:s12], $0x80  }
0x4f: {  	v0 =	vld [tilespmem:$0x1FFE0];
	_ =	sdelay $0x5  }
0x50: {  	[sflag:s12] =	ssyncset.done $0x0  }
0x51: {  	[sflag:s12] =	ssyncadd.s32 $0xFFFFFF80  }
0x52: {  	v0 =	vld.idx.msk [tilespmem:v0+s2+$0x0], $0xffff;
	_ =	sdelay $0x4  }
0x53: {  	[tilespmem:$0x400] =	vst v0;
	v0 =	vld [tilespmem:$0x1FC00];
	_ =	sdelay $0x7  }
0x54: {  	v0 =	vld.idx.msk [tilespmem:v0+s2+$0x0], $0xffff;
	_ =	sdelay $0x4  }
0x55: {  	[tilespmem:$0x600] =	vst v0;
	v0 =	vld [tilespmem:$0x1FC10];
	_ =	sdelay $0x7  }
0x56: {  	v0 =	vld.idx.msk [tilespmem:v0+s2+$0x0], $0xffff;
	_ =	sdelay $0x4  }
0x57: {  	[tilespmem:$0x410] =	vst v0;
	v0 =	vld [tilespmem:$0x1FC20];
	_ =	sdelay $0x7  }
0x58: {  	v0 =	vld.idx.msk [tilespmem:v0+s2+$0x0], $0xffff;
	_ =	sdelay $0x4  }
0x59: {  	[tilespmem:$0x610] =	vst v0;
	v0 =	vld [tilespmem:$0x1FC30];
	_ =	sdelay $0x7  }
0x5a: {  	v0 =	vld.idx.msk [tilespmem:v0+s2+$0x0], $0xffff;
	_ =	sdelay $0x4  }
0x5b: {  	[tilespmem:$0x420] =	vst v0;
	v0 =	vld [tilespmem:$0x1FC40];
	_ =	sdelay $0x7  }
0x5c: {  	v0 =	vld.idx.msk [tilespmem:v0+s2+$0x0], $0xffff;
	_ =	sdelay $0x4  }
0x5d: {  	[tilespmem:$0x620] =	vst v0;
	v0 =	vld [tilespmem:$0x1FC50];
	_ =	sdelay $0x7  }
0x5e: {  	v0 =	vld.idx.msk [tilespmem:v0+s2+$0x0], $0xffff;
	_ =	sdelay $0x4  }
0x5f: {  	[tilespmem:$0x430] =	vst v0;
	v0 =	vld [tilespmem:$0x1FC60];
	_ =	sdelay $0x7  }
0x60: {  	v0 =	vld.idx.msk [tilespmem:v0+s2+$0x0], $0xffff;
	_ =	sdelay $0x4  }
0x61: {  	[tilespmem:$0x630] =	vst v0;
	v0 =	vld [tilespmem:$0x1FC70];
	_ =	sdelay $0x7  }
0x62: {  	v0 =	vld.idx.msk [tilespmem:v0+s2+$0x0], $0xffff;
	_ =	sdelay $0x4  }
0x63: {  	[tilespmem:$0x440] =	vst v0;
	v0 =	vld [tilespmem:$0x1FC80];
	_ =	sdelay $0x7  }
0x64: {  	v0 =	vld.idx.msk [tilespmem:v0+s2+$0x0], $0xffff;
	_ =	sdelay $0x4  }
0x65: {  	[tilespmem:$0x640] =	vst v0;
	v0 =	vld [tilespmem:$0x1FC90];
	_ =	sdelay $0x7  }
0x66: {  	v0 =	vld.idx.msk [tilespmem:v0+s2+$0x0], $0xffff;
	_ =	sdelay $0x4  }
0x67: {  	[tilespmem:$0x450] =	vst v0;
	v0 =	vld [tilespmem:$0x1FCA0];
	_ =	sdelay $0x7  }
0x68: {  	v0 =	vld.idx.msk [tilespmem:v0+s2+$0x0], $0xffff;
	_ =	sdelay $0x4  }
0x69: {  	[tilespmem:$0x650] =	vst v0;
	v0 =	vld [tilespmem:$0x1FCB0];
	_ =	sdelay $0x7  }
0x6a: {  	v0 =	vld.idx.msk [tilespmem:v0+s2+$0x0], $0xffff;
	_ =	sdelay $0x4  }
0x6b: {  	[tilespmem:$0x460] =	vst v0;
	v0 =	vld [tilespmem:$0x1FCC0];
	_ =	sdelay $0x7  }
0x6c: {  	v0 =	vld.idx.msk [tilespmem:v0+s2+$0x0], $0xffff;
	_ =	sdelay $0x4  }
0x6d: {  	[tilespmem:$0x660] =	vst v0;
	v0 =	vld [tilespmem:$0x1FCD0];
	_ =	sdelay $0x7  }
0x6e: {  	v0 =	vld.idx.msk [tilespmem:v0+s2+$0x0], $0xffff;
	_ =	sdelay $0x4  }
0x6f: {  	[tilespmem:$0x470] =	vst v0;
	v0 =	vld [tilespmem:$0x1FCE0];
	_ =	sdelay $0x7  }
0x70: {  	v0 =	vld.idx.msk [tilespmem:v0+s2+$0x0], $0xffff;
	_ =	sdelay $0x4  }
0x71: {  	[tilespmem:$0x670] =	vst v0;
	v0 =	vld [tilespmem:$0x1FCF0];
	_ =	sdelay $0x7  }
0x72: {  	v0 =	vld.idx.msk [tilespmem:v0+s2+$0x0], $0xffff;
	_ =	sdelay $0x4  }
0x73: {  	[tilespmem:$0x480] =	vst v0;
	v0 =	vld [tilespmem:$0x1FD00];
	_ =	sdelay $0x7  }
0x74: {  	v0 =	vld.idx.msk [tilespmem:v0+s2+$0x0], $0xffff;
	_ =	sdelay $0x4  }
0x75: {  	[tilespmem:$0x680] =	vst v0;
	v0 =	vld [tilespmem:$0x1FD10];
	_ =	sdelay $0x7  }
0x76: {  	v0 =	vld.idx.msk [tilespmem:v0+s2+$0x0], $0xffff;
	_ =	sdelay $0x4  }
0x77: {  	[tilespmem:$0x490] =	vst v0;
	v0 =	vld [tilespmem:$0x1FD20];
	_ =	sdelay $0x7  }
0x78: {  	v0 =	vld.idx.msk [tilespmem:v0+s2+$0x0], $0xffff;
	_ =	sdelay $0x4  }
0x79: {  	[tilespmem:$0x690] =	vst v0;
	v0 =	vld [tilespmem:$0x1FD30];
	_ =	sdelay $0x7  }
0x7a: {  	v0 =	vld.idx.msk [tilespmem:v0+s2+$0x0], $0xffff;
	_ =	sdelay $0x4  }
0x7b: {  	[tilespmem:$0x4A0] =	vst v0;
	v0 =	vld [tilespmem:$0x1FD40];
	_ =	sdelay $0x7  }
0x7c: {  	v0 =	vld.idx.msk [tilespmem:v0+s2+$0x0], $0xffff;
	_ =	sdelay $0x4  }
0x7d: {  	[tilespmem:$0x6A0] =	vst v0;
	v0 =	vld [tilespmem:$0x1FD50];
	_ =	sdelay $0x7  }
0x7e: {  	v0 =	vld.idx.msk [tilespmem:v0+s2+$0x0], $0xffff;
	_ =	sdelay $0x4  }
0x7f: {  	[tilespmem:$0x4B0] =	vst v0;
	v0 =	vld [tilespmem:$0x1FD60];
	_ =	sdelay $0x7  }
0x80: {  	v0 =	vld.idx.msk [tilespmem:v0+s2+$0x0], $0xffff;
	_ =	sdelay $0x4  }
0x81: {  	[tilespmem:$0x6B0] =	vst v0;
	v0 =	vld [tilespmem:$0x1FD70];
	_ =	sdelay $0x7  }
0x82: {  	v0 =	vld.idx.msk [tilespmem:v0+s2+$0x0], $0xffff;
	_ =	sdelay $0x4  }
0x83: {  	[tilespmem:$0x4C0] =	vst v0;
	v0 =	vld [tilespmem:$0x1FD80];
	_ =	sdelay $0x7  }
0x84: {  	v0 =	vld.idx.msk [tilespmem:v0+s2+$0x0], $0xffff;
	_ =	sdelay $0x4  }
0x85: {  	[tilespmem:$0x6C0] =	vst v0;
	v0 =	vld [tilespmem:$0x1FD90];
	_ =	sdelay $0x7  }
0x86: {  	v0 =	vld.idx.msk [tilespmem:v0+s2+$0x0], $0xffff;
	_ =	sdelay $0x4  }
0x87: {  	[tilespmem:$0x4D0] =	vst v0;
	v0 =	vld [tilespmem:$0x1FDA0];
	_ =	sdelay $0x7  }
0x88: {  	v0 =	vld.idx.msk [tilespmem:v0+s2+$0x0], $0xffff;
	_ =	sdelay $0x4  }
0x89: {  	[tilespmem:$0x6D0] =	vst v0;
	v0 =	vld [tilespmem:$0x1FDB0];
	_ =	sdelay $0x7  }
0x8a: {  	v0 =	vld.idx.msk [tilespmem:v0+s2+$0x0], $0xffff;
	_ =	sdelay $0x4  }
0x8b: {  	[tilespmem:$0x4E0] =	vst v0;
	v0 =	vld [tilespmem:$0x1FDC0];
	_ =	sdelay $0x7  }
0x8c: {  	v0 =	vld.idx.msk [tilespmem:v0+s2+$0x0], $0xffff;
	_ =	sdelay $0x4  }
0x8d: {  	[tilespmem:$0x6E0] =	vst v0;
	v0 =	vld [tilespmem:$0x1FDD0];
	_ =	sdelay $0x7  }
0x8e: {  	v0 =	vld.idx.msk [tilespmem:v0+s2+$0x0], $0xffff;
	_ =	sdelay $0x4  }
0x8f: {  	[tilespmem:$0x4F0] =	vst v0;
	v0 =	vld [tilespmem:$0x1FDE0];
	_ =	sdelay $0x7  }
0x90: {  	v0 =	vld.idx.msk [tilespmem:v0+s2+$0x0], $0xffff;
	_ =	sdelay $0x4  }
0x91: {  	[tilespmem:$0x6F0] =	vst v0;
	v0 =	vld [tilespmem:$0x1FDF0];
	_ =	sdelay $0x7  }
0x92: {  	v0 =	vld.idx.msk [tilespmem:v0+s2+$0x0], $0xffff;
	_ =	sdelay $0x4  }
0x93: {  	[tilespmem:$0x500] =	vst v0;
	v0 =	vld [tilespmem:$0x1FE00];
	_ =	sdelay $0x7  }
0x94: {  	v0 =	vld.idx.msk [tilespmem:v0+s2+$0x0], $0xffff;
	_ =	sdelay $0x4  }
0x95: {  	[tilespmem:$0x700] =	vst v0;
	v0 =	vld [tilespmem:$0x1FE10];
	_ =	sdelay $0x7  }
0x96: {  	v0 =	vld.idx.msk [tilespmem:v0+s2+$0x0], $0xffff;
	_ =	sdelay $0x4  }
0x97: {  	[tilespmem:$0x510] =	vst v0;
	v0 =	vld [tilespmem:$0x1FE20];
	_ =	sdelay $0x7  }
0x98: {  	v0 =	vld.idx.msk [tilespmem:v0+s2+$0x0], $0xffff;
	_ =	sdelay $0x4  }
0x99: {  	[tilespmem:$0x710] =	vst v0;
	v0 =	vld [tilespmem:$0x1FE30];
	_ =	sdelay $0x7  }
0x9a: {  	v0 =	vld.idx.msk [tilespmem:v0+s2+$0x0], $0xffff;
	_ =	sdelay $0x4  }
0x9b: {  	[tilespmem:$0x520] =	vst v0;
	v0 =	vld [tilespmem:$0x1FE40];
	_ =	sdelay $0x7  }
0x9c: {  	v0 =	vld.idx.msk [tilespmem:v0+s2+$0x0], $0xffff;
	_ =	sdelay $0x4  }
0x9d: {  	[tilespmem:$0x720] =	vst v0;
	v0 =	vld [tilespmem:$0x1FE50];
	_ =	sdelay $0x7  }
0x9e: {  	v0 =	vld.idx.msk [tilespmem:v0+s2+$0x0], $0xffff;
	_ =	sdelay $0x4  }
0x9f: {  	[tilespmem:$0x530] =	vst v0;
	v0 =	vld [tilespmem:$0x1FE60];
	_ =	sdelay $0x7  }
0xa0: {  	v0 =	vld.idx.msk [tilespmem:v0+s2+$0x0], $0xffff;
	_ =	sdelay $0x4  }
0xa1: {  	[tilespmem:$0x730] =	vst v0;
	v0 =	vld [tilespmem:$0x1FE70];
	_ =	sdelay $0x7  }
0xa2: {  	v0 =	vld.idx.msk [tilespmem:v0+s2+$0x0], $0xffff;
	_ =	sdelay $0x4  }
0xa3: {  	[tilespmem:$0x540] =	vst v0;
	v0 =	vld [tilespmem:$0x1FE80];
	_ =	sdelay $0x7  }
0xa4: {  	v0 =	vld.idx.msk [tilespmem:v0+s2+$0x0], $0xffff;
	_ =	sdelay $0x4  }
0xa5: {  	[tilespmem:$0x740] =	vst v0;
	v0 =	vld [tilespmem:$0x1FE90];
	_ =	sdelay $0x7  }
0xa6: {  	v0 =	vld.idx.msk [tilespmem:v0+s2+$0x0], $0xffff;
	_ =	sdelay $0x4  }
0xa7: {  	[tilespmem:$0x550] =	vst v0;
	v0 =	vld [tilespmem:$0x1FEA0];
	_ =	sdelay $0x7  }
0xa8: {  	v0 =	vld.idx.msk [tilespmem:v0+s2+$0x0], $0xffff;
	_ =	sdelay $0x4  }
0xa9: {  	[tilespmem:$0x750] =	vst v0;
	v0 =	vld [tilespmem:$0x1FEB0];
	_ =	sdelay $0x7  }
0xaa: {  	v0 =	vld.idx.msk [tilespmem:v0+s2+$0x0], $0xffff;
	_ =	sdelay $0x4  }
0xab: {  	[tilespmem:$0x560] =	vst v0;
	v0 =	vld [tilespmem:$0x1FEC0];
	_ =	sdelay $0x7  }
0xac: {  	v0 =	vld.idx.msk [tilespmem:v0+s2+$0x0], $0xffff;
	_ =	sdelay $0x4  }
0xad: {  	[tilespmem:$0x760] =	vst v0;
	v0 =	vld [tilespmem:$0x1FED0];
	_ =	sdelay $0x7  }
0xae: {  	v0 =	vld.idx.msk [tilespmem:v0+s2+$0x0], $0xffff;
	_ =	sdelay $0x4  }
0xaf: {  	[tilespmem:$0x570] =	vst v0;
	v0 =	vld [tilespmem:$0x1FEE0];
	_ =	sdelay $0x7  }
0xb0: {  	v0 =	vld.idx.msk [tilespmem:v0+s2+$0x0], $0xffff;
	_ =	sdelay $0x4  }
0xb1: {  	[tilespmem:$0x770] =	vst v0;
	v0 =	vld [tilespmem:$0x1FEF0];
	_ =	sdelay $0x7  }
0xb2: {  	v0 =	vld.idx.msk [tilespmem:v0+s2+$0x0], $0xffff;
	_ =	sdelay $0x4  }
0xb3: {  	[tilespmem:$0x580] =	vst v0;
	v0 =	vld [tilespmem:$0x1FF00];
	_ =	sdelay $0x7  }
0xb4: {  	v0 =	vld.idx.msk [tilespmem:v0+s2+$0x0], $0xffff;
	_ =	sdelay $0x4  }
0xb5: {  	[tilespmem:$0x780] =	vst v0;
	v0 =	vld [tilespmem:$0x1FF10];
	_ =	sdelay $0x7  }
0xb6: {  	v0 =	vld.idx.msk [tilespmem:v0+s2+$0x0], $0xffff;
	_ =	sdelay $0x4  }
0xb7: {  	[tilespmem:$0x590] =	vst v0;
	v0 =	vld [tilespmem:$0x1FF20];
	_ =	sdelay $0x7  }
0xb8: {  	v0 =	vld.idx.msk [tilespmem:v0+s2+$0x0], $0xffff;
	_ =	sdelay $0x4  }
0xb9: {  	[tilespmem:$0x790] =	vst v0;
	v0 =	vld [tilespmem:$0x1FF30];
	_ =	sdelay $0x7  }
0xba: {  	v0 =	vld.idx.msk [tilespmem:v0+s2+$0x0], $0xffff;
	_ =	sdelay $0x4  }
0xbb: {  	[tilespmem:$0x5A0] =	vst v0;
	v0 =	vld [tilespmem:$0x1FF40];
	_ =	sdelay $0x7  }
0xbc: {  	v0 =	vld.idx.msk [tilespmem:v0+s2+$0x0], $0xffff;
	_ =	sdelay $0x4  }
0xbd: {  	[tilespmem:$0x7A0] =	vst v0;
	v0 =	vld [tilespmem:$0x1FF50];
	_ =	sdelay $0x7  }
0xbe: {  	v0 =	vld.idx.msk [tilespmem:v0+s2+$0x0], $0xffff;
	_ =	sdelay $0x4  }
0xbf: {  	[tilespmem:$0x5B0] =	vst v0;
	v0 =	vld [tilespmem:$0x1FF60];
	_ =	sdelay $0x7  }
0xc0: {  	v0 =	vld.idx.msk [tilespmem:v0+s2+$0x0], $0xffff;
	_ =	sdelay $0x4  }
0xc1: {  	[tilespmem:$0x7B0] =	vst v0;
	v0 =	vld [tilespmem:$0x1FF70];
	_ =	sdelay $0x7  }
0xc2: {  	v0 =	vld.idx.msk [tilespmem:v0+s2+$0x0], $0xffff;
	_ =	sdelay $0x4  }
0xc3: {  	[tilespmem:$0x5C0] =	vst v0;
	v0 =	vld [tilespmem:$0x1FF80];
	_ =	sdelay $0x7  }
0xc4: {  	v0 =	vld.idx.msk [tilespmem:v0+s2+$0x0], $0xffff;
	_ =	sdelay $0x4  }
0xc5: {  	[tilespmem:$0x7C0] =	vst v0;
	v0 =	vld [tilespmem:$0x1FF90];
	_ =	sdelay $0x7  }
0xc6: {  	v0 =	vld.idx.msk [tilespmem:v0+s2+$0x0], $0xffff;
	_ =	sdelay $0x4  }
0xc7: {  	[tilespmem:$0x5D0] =	vst v0;
	v0 =	vld [tilespmem:$0x1FFA0];
	_ =	sdelay $0x7  }
0xc8: {  	v0 =	vld.idx.msk [tilespmem:v0+s2+$0x0], $0xffff;
	_ =	sdelay $0x4  }
0xc9: {  	[tilespmem:$0x7D0] =	vst v0;
	v0 =	vld [tilespmem:$0x1FFB0];
	_ =	sdelay $0x7  }
0xca: {  	v0 =	vld.idx.msk [tilespmem:v0+s2+$0x0], $0xffff;
	_ =	sdelay $0x4  }
0xcb: {  	[tilespmem:$0x5E0] =	vst v0;
	v0 =	vld [tilespmem:$0x1FFC0];
	_ =	sdelay $0x7  }
0xcc: {  	v0 =	vld.idx.msk [tilespmem:v0+s2+$0x0], $0xffff;
	_ =	sdelay $0x4  }
0xcd: {  	[tilespmem:$0x7E0] =	vst v0;
	v0 =	vld [tilespmem:$0x1FFD0];
	_ =	sdelay $0x7  }
0xce: {  	v0 =	vld.idx.msk [tilespmem:v0+s2+$0x0], $0xffff;
	_ =	sdelay $0x4  }
0xcf: {  	[tilespmem:$0x5F0] =	vst v0;
	v0 =	vld [tilespmem:$0x1FFF0];
	_ =	sdelay $0x7  }
0xd0: {  	v0 =	vld.idx.msk [tilespmem:v0+s2+$0x0], $0xffff;
	_ =	sdelay $0x4  }
0xd1: {  	[tilespmem:$0x7F0] =	vst v0  }
0xd2: {  	s20 =	simm.s32 $0x400;
	[bflag:$0x0] =	sbarrier.arrive $0xFFFF  }
0xd3: {  	[tilespmem:s17], [sflag:$0x1] =	stream.indirect.gather [hbm4b:s3+s15], $0x40, s20, s15, $0xb8;
	[tilespmem:$0x10E90] =	vst v63  }
0xd4: {  	s8 =	simm.s32 $0x600  }
0xd5: {  	[tilespmem:s19], [sflag:$0x1] =	stream.indirect.gather [hbm4b:s5+s15], $0x40, s8, s15, $0xb8;
	[tilespmem:$0x10E90] =	vst v63  }
0xd6: {  	s0 =	simm.s32 $0x10800  }
0xd7: {  	[tilespmem:s0], [sflag:$0x1] =	stream.indirect.gather [hbm4b:s4+s15], $0x1, s20, s15, $0xb8;
	[tilespmem:$0x10E90] =	vst v63  }
0xd8: {  	s31 =	simm.s32 $0x10A00  }
0xd9: {  	[tilespmem:s31], [sflag:$0x1] =	stream.indirect.gather [hbm4b:s6+s15], $0x1, s8, s15, $0xb8;
	[tilespmem:$0x10E90] =	vst v63  }
0xda: {  	s21 =	simm.s32 $0x480;
	s22 =	simm.s32 $0x2800  }
0xdb: {  	[tilespmem:s22], [sflag:$0x1] =	stream.indirect.gather [hbm4b:s3+s15], $0x40, s21, s15, $0xb8;
	[tilespmem:$0x10E90] =	vst v63  }
0xdc: {  	s23 =	simm.s32 $0x680;
	s9 =	simm.s32 $0xA800  }
0xdd: {  	[tilespmem:s9], [sflag:$0x1] =	stream.indirect.gather [hbm4b:s5+s15], $0x40, s23, s15, $0xb8;
	[tilespmem:$0x10E90] =	vst v63  }
0xde: {  	s24 =	simm.s32 $0x10880  }
0xdf: {  	[tilespmem:s24], [sflag:$0x1] =	stream.indirect.gather [hbm4b:s4+s15], $0x1, s21, s15, $0xb8;
	[tilespmem:$0x10E90] =	vst v63  }
0xe0: {  	s13 =	simm.s32 $0x10A80  }
0xe1: {  	[tilespmem:s13], [sflag:$0x1] =	stream.indirect.gather [hbm4b:s6+s15], $0x1, s23, s15, $0xb8;
	[tilespmem:$0x10E90] =	vst v63  }
0xe2: {  	s16 =	simm.s32 $0x4800  }
0xe3: {  	[tilespmem:s16], [sflag:$0x1] =	stream.indirect.gather [hbm4b:s3+s15], $0x40, s26, s15, $0xb8;
	[tilespmem:$0x10E90] =	vst v63  }
0xe4: {  	s18 =	simm.s32 $0xC800  }
0xe5: {  	[tilespmem:s18], [sflag:$0x1] =	stream.indirect.gather [hbm4b:s5+s15], $0x40, s29, s15, $0xb8;
	[tilespmem:$0x10E90] =	vst v63  }
0xe6: {  	s20 =	simm.s32 $0x10900  }
0xe7: {  	[tilespmem:s20], [sflag:$0x1] =	stream.indirect.gather [hbm4b:s4+s15], $0x1, s26, s15, $0xb8;
	[tilespmem:$0x10E90] =	vst v63  }
0xe8: {  	s21 =	simm.s32 $0x10B00  }
0xe9: {  	[tilespmem:s21], [sflag:$0x1] =	stream.indirect.gather [hbm4b:s6+s15], $0x1, s29, s15, $0xb8;
	[tilespmem:$0x10E90] =	vst v63  }
0xea: {  	s22 =	simm.s32 $0x6800  }
0xeb: {  	[tilespmem:s22], [sflag:$0x1] =	stream.indirect.gather [hbm4b:s3+s15], $0x40, s1, s15, $0xb8;
	[tilespmem:$0x10E90] =	vst v63  }
0xec: {  	s23 =	simm.s32 $0xE800  }
0xed: {  	[tilespmem:s23], [sflag:$0x1] =	stream.indirect.gather [hbm4b:s5+s15], $0x40, s14, s15, $0xb8;
	[tilespmem:$0x10E90] =	vst v63  }
0xee: {  	s24 =	simm.s32 $0x10980  }
0xef: {  	[tilespmem:s24], [sflag:$0x1] =	stream.indirect.gather [hbm4b:s4+s15], $0x1, s1, s15, $0xb8;
	[tilespmem:$0x10E90] =	vst v63  }
0xf0: {  	s8 =	simm.s32 $0x10B80  }
0xf1: {  	[tilespmem:s8], [sflag:$0x1] =	stream.indirect.gather [hbm4b:s6+s15], $0x1, s14, s15, $0xb8;
	[tilespmem:$0x10E90] =	vst v63  }
0xf2: {  	_ =	swait.ge [sflag:s25], $0x2000  }
0xf3: {  	[sflag:s25] =	ssyncset.done $0x0  }
0xf4: {  	[sflag:s25] =	ssyncadd.s32 $0xFFFFE000  }
0xf5: {  	_ =	swait.ge [sflag:s25], $0x2000  }
0xf6: {  	[sflag:s25] =	ssyncset.done $0x0  }
0xf7: {  	[sflag:s25] =	ssyncadd.s32 $0xFFFFE000  }
0xf8: {  	_ =	swait.ge [sflag:s25], $0x80  }
0xf9: {  	[sflag:s25] =	ssyncset.done $0x0  }
0xfa: {  	[sflag:s25] =	ssyncadd.s32 $0xFFFFFF80  }
0xfb: {  	_ =	swait.ge [sflag:s25], $0x80  }
0xfc: {  	[sflag:s25] =	ssyncset.done $0x0  }
0xfd: {  	[sflag:s25] =	ssyncadd.s32 $0xFFFFFF80  }
0xfe: {  	_ =	swait.ge [sflag:s25], $0x2000  }
0xff: {  	[sflag:s25] =	ssyncset.done $0x0  }
0x100: {  	[sflag:s25] =	ssyncadd.s32 $0xFFFFE000  }
0x101: {  	_ =	swait.ge [sflag:s25], $0x2000  }
0x102: {  	[sflag:s25] =	ssyncset.done $0x0  }
0x103: {  	[sflag:s25] =	ssyncadd.s32 $0xFFFFE000  }
0x104: {  	_ =	swait.ge [sflag:s25], $0x80  }
0x105: {  	[sflag:s25] =	ssyncset.done $0x0  }
0x106: {  	[sflag:s25] =	ssyncadd.s32 $0xFFFFFF80  }
0x107: {  	_ =	swait.ge [sflag:s25], $0x80  }
0x108: {  	[sflag:s25] =	ssyncset.done $0x0  }
0x109: {  	[sflag:s25] =	ssyncadd.s32 $0xFFFFFF80  }
0x10a: {  	_ =	swait.ge [sflag:s25], $0x2000  }
0x10b: {  	[sflag:s25] =	ssyncset.done $0x0  }
0x10c: {  	[sflag:s25] =	ssyncadd.s32 $0xFFFFE000  }
0x10d: {  	_ =	swait.ge [sflag:s25], $0x2000  }
0x10e: {  	[sflag:s25] =	ssyncset.done $0x0  }
0x10f: {  	[sflag:s25] =	ssyncadd.s32 $0xFFFFE000  }
0x110: {  	_ =	swait.ge [sflag:s25], $0x80  }
0x111: {  	[sflag:s25] =	ssyncset.done $0x0  }
0x112: {  	[sflag:s25] =	ssyncadd.s32 $0xFFFFFF80  }
0x113: {  	_ =	swait.ge [sflag:s25], $0x80  }
0x114: {  	[sflag:s25] =	ssyncset.done $0x0  }
0x115: {  	[sflag:s25] =	ssyncadd.s32 $0xFFFFFF80  }
0x116: {  	_ =	swait.ge [sflag:s25], $0x2000  }
0x117: {  	[sflag:s25] =	ssyncset.done $0x0  }
0x118: {  	[sflag:s25] =	ssyncadd.s32 $0xFFFFE000  }
0x119: {  	_ =	swait.ge [sflag:s25], $0x2000  }
0x11a: {  	[sflag:s25] =	ssyncset.done $0x0  }
0x11b: {  	[sflag:s25] =	ssyncadd.s32 $0xFFFFE000  }
0x11c: {  	_ =	swait.ge [sflag:s25], $0x80  }
0x11d: {  	[sflag:s25] =	ssyncset.done $0x0  }
0x11e: {  	[sflag:s25] =	ssyncadd.s32 $0xFFFFFF80  }
0x11f: {  	_ =	swait.ge [sflag:s25], $0x80  }
0x120: {  	[sflag:s25] =	ssyncset.done $0x0  }
0x121: {  	[sflag:s25] =	ssyncadd.s32 $0xFFFFFF80  }
0x122: {  	v0 =	vld [tilespmem:$0x10C10];
	_ =	sdelay $0x4  }
0x123: {  	v0 =	vmul.f32 $1.500000000e+01, v0;
	_ =	sdelay $0x1  }
0x124: {  	v0 =	vsub.f32 $0.0e+00, v0;
	_ =	sdelay $0x1  }
0x125: {  	v0 =	vmul.f32 $1.442695020e+00, v0;
	_ =	sdelay $0x1  }
0x126: {  	(erf) = vpow2.f32 v0;
	_ =	sdelay $0x1  }
0x127: {  	v0 =	vld [tilespmem:$0x10C50];
	_ =	sdelay $0x4  }
0x128: {  	v0 =	vmul.f32 $1.500000000e+01, v0;
	_ =	sdelay $0x1  }
0x129: {  	v0 =	vsub.f32 $0.0e+00, v0;
	v1 =	vpop (erf)  }
0x12a: {  	v1 =	vadd.f32 $1.000000000e+00, v1  }
0x12b: {  	v0 =	vmul.f32 $1.442695020e+00, v0  }
0x12c: {  	(erf) = vrcp.f32 v1  }
0x12d: {  	(erf) = vpow2.f32 v0;
	_ =	sdelay $0x1  }
0x12e: {  	v0 =	vld [tilespmem:$0x10C20];
	_ =	sdelay $0x4  }
0x12f: {  	v1 =	vmul.f32 $1.500000000e+01, v0  }
0x130: {  	v4 =	vpop (erf)  }
0x131: {  	v1 =	vsub.f32 $0.0e+00, v1;
	v2 =	vpop (erf)  }
0x132: {  	v2 =	vadd.f32 $1.000000000e+00, v2  }
0x133: {  	v1 =	vmul.f32 $1.442695020e+00, v1  }
0x134: {  	(erf) = vrcp.f32 v2  }
0x135: {  	(erf) = vpow2.f32 v1;
	_ =	sdelay $0x1  }
0x136: {  	v1 =	vld [tilespmem:$0x10C60];
	_ =	sdelay $0x2  }
0x137: {  	v63 =	vor.u32 $0x30, v55;
	s9 =	simm.s32 $0x380  }
0x138: {  	v5 =	vor.u32 s9, v63  }
0x139: {  	v2 =	vmul.f32 $1.500000000e+01, v1  }
0x13a: {  	v18 =	vpop (erf)  }
0x13b: {  	v2 =	vsub.f32 $0.0e+00, v2;
	v3 =	vpop (erf)  }
0x13c: {  	v61 =	vor.u32 $0x10, v55;
	s13 =	simm.s32 $0x3C0;
	v3 =	vadd.f32 $1.000000000e+00, v3  }
0x13d: {  	v8 =	vor.u32 s13, v61;
	v0 =	vld.idx.msk [tilespmem:v5+s17+$0x0], $0xffff;
	v2 =	vmul.f32 $1.442695020e+00, v2  }
0x13e: {  	(erf) = vrcp.f32 v3  }
0x13f: {  	(erf) = vpow2.f32 v2;
	v2 =	vld [tilespmem:$0x10C30];
	_ =	sdelay $0x2  }
0x140: {  	[tilespmem:$0x1F840] =	vst v0;
	v0 =	vld.idx.msk [tilespmem:v8+s17+$0x0], $0xffff;
	_ =	sdelay $0x1  }
0x141: {  	v3 =	vmul.f32 $1.500000000e+01, v2;
	_ =	sdelay $0x1  }
0x142: {  	v11 =	vsub.f32 $0.0e+00, v3  }
0x143: {  	[tilespmem:$0x1F860] =	vst v0;
	v0 =	vld.idx.msk [tilespmem:v8+s19+$0x0], $0xffff  }
0x144: {  	v12 =	vmul.f32 $1.442695020e+00, v11;
	v11 =	vld.idx.msk [tilespmem:v5+s19+$0x0], $0xffff;
	v5 =	vor.u32 s13, v55;
	_ =	sdelay $0x4  }
0x145: {  	[tilespmem:$0x1F870] =	vst v0;
	v0 =	vld.idx.msk [tilespmem:v5+s17+$0x0], $0xffff;
	_ =	sdelay $0x3  }
0x146: {  	s16 =	simm.s32 $0x300  }
0x147: {  	v15 =	vor.u32 s16, v63;
	[tilespmem:$0x1F880] =	vst v0;
	v0 =	vld.idx.msk [tilespmem:v5+s19+$0x0], $0xffff;
	_ =	sdelay $0x3  }
0x148: {  	v7 =	vor.u32 $0x20, v55;
	s21 =	simm.s32 $0x340  }
0x149: {  	v8 =	vor.u32 s21, v7;
	[tilespmem:$0x1F890] =	vst v0;
	v0 =	vld.idx.msk [tilespmem:v15+s19+$0x0], $0xffff;
	_ =	sdelay $0x4  }
0x14a: {  	[tilespmem:$0x1F850] =	vst v0;
	v0 =	vld.idx.msk [tilespmem:v8+s17+$0x0], $0xffff;
	_ =	sdelay $0x3  }
0x14b: {  	v57 =	vpop (erf)  }
0x14c: {  	v20 =	vor.u32 s9, v61;
	v10 =	vpop (erf);
	[tilespmem:$0x1F8C0] =	vst v0;
	v0 =	vld.idx.msk [tilespmem:v8+s19+$0x0], $0xffff  }
0x14d: {  	v10 =	vadd.f32 $1.000000000e+00, v10;
	_ =	sdelay $0x1  }
0x14e: {  	(erf) = vrcp.f32 v10  }
0x14f: {  	(erf) = vpow2.f32 v12  }
0x150: {  	[tilespmem:$0x1F8D0] =	vst v0;
	v0 =	vld.idx.msk [tilespmem:v20+s17+$0x0], $0xffff  }
0x151: {  	v6 =	vld [tilespmem:$0x10C70];
	_ =	sdelay $0x3  }
0x152: {  	s18 =	simm.s32 $0x2C0;
	v26 =	vor.u32 s21, v61;
	[tilespmem:$0x1F8A0] =	vst v0;
	v0 =	vld.idx.msk [tilespmem:v20+s19+$0x0], $0xffff  }
0x153: {  	v6 =	vmul.f32 $1.500000000e+01, v6;
	v5 =	vor.u32 s18, v63  }
0x154: {  	v23 =	vpop (erf)  }
0x155: {  	v6 =	vsub.f32 $0.0e+00, v6;
	v8 =	vpop (erf)  }
0x156: {  	v8 =	vadd.f32 $1.000000000e+00, v8  }
0x157: {  	v6 =	vmul.f32 $1.442695020e+00, v6;
	[tilespmem:$0x1F8B0] =	vst v0;
	v0 =	vld.idx.msk [tilespmem:v26+s17+$0x0], $0xffff  }
0x158: {  	v27 =	vld.idx.msk [tilespmem:v5+s17+$0x0], $0xffff;
	(erf) = vrcp.f32 v8  }
0x159: {  	v28 =	vld.idx.msk [tilespmem:v5+s19+$0x0], $0xffff;
	v5 =	vor.u32 s9, v55;
	(erf) = vpow2.f32 v6;
	_ =	sdelay $0x1  }
0x15a: {  	v9 =	vld [tilespmem:$0x10C40];
	v6 =	vor.u32 s18, v7  }
0x15b: {  	[tilespmem:$0x1F8F0] =	vst v0;
	v0 =	vld.idx.msk [tilespmem:v26+s19+$0x0], $0xffff  }
0x15c: {  	v8 =	vor.u32 s16, v61  }
0x15d: {  	v31 =	vld.idx.msk [tilespmem:v5+s17+$0x0], $0xffff  }
0x15e: {  	v33 =	vld.idx.msk [tilespmem:v5+s19+$0x0], $0xffff  }
0x15f: {  	v5 =	vmul.f32 $1.500000000e+01, v9;
	v35 =	vld.idx.msk [tilespmem:v6+s19+$0x0], $0xffff  }
0x160: {  	[tilespmem:$0x1F900] =	vst v0;
	v0 =	vld.idx.msk [tilespmem:v6+s17+$0x0], $0xffff;
	v6 =	vpop (erf)  }
0x161: {  	v5 =	vsub.f32 $0.0e+00, v5;
	v36 =	vld.idx.msk [tilespmem:v8+s17+$0x0], $0xffff;
	v37 =	vpop (erf)  }
0x162: {  	v39 =	vld.idx.msk [tilespmem:v8+s19+$0x0], $0xffff;
	v8 =	vadd.f32 $1.000000000e+00, v37  }
0x163: {  	v5 =	vmul.f32 $1.442695020e+00, v5  }
0x164: {  	s22 =	simm.s32 $0x200;
	(erf) = vrcp.f32 v8  }
0x165: {  	v8 =	vor.u32 s22, v63;
	(erf) = vpow2.f32 v5  }
0x166: {  	v5 =	vor.u32 s16, v55  }
0x167: {  	v19 =	vld [tilespmem:$0x10C80];
	_ =	sdelay $0x2  }
0x168: {  	v49 =	vld.idx.msk [tilespmem:v8+s19+$0x0], $0xffff  }
0x169: {  	s20 =	simm.s32 $0x240;
	v45 =	vld.idx.msk [tilespmem:v5+s17+$0x0], $0xffff  }
0x16a: {  	v1 =	vor.u32 s20, v55;
	v47 =	vld.idx.msk [tilespmem:v5+s19+$0x0], $0xffff;
	v5 =	vmul.f32 $1.500000000e+01, v19  }
0x16b: {  	v19 =	vld.idx.msk [tilespmem:v8+s17+$0x0], $0xffff;
	v8 =	vor.u32 s18, v55;
	v48 =	vpop (erf)  }
0x16c: {  	v5 =	vsub.f32 $0.0e+00, v5;
	v50 =	vpop (erf)  }
0x16d: {  	v13 =	vor.u32 s9, v7;
	v50 =	vadd.f32 $1.000000000e+00, v50  }
0x16e: {  	v5 =	vmul.f32 $1.442695020e+00, v5  }
0x16f: {  	v14 =	vld.idx.msk [tilespmem:v1+s19+$0x0], $0xffff;
	v9 =	vor.u32 s20, v63;
	(erf) = vrcp.f32 v50  }
0x170: {  	v40 =	vor.u32 s18, v61;
	s18 =	simm.s32 $0x180;
	v16 =	vld.idx.msk [tilespmem:v8+s19+$0x0], $0xffff;
	(erf) = vpow2.f32 v5  }
0x171: {  	s23 =	simm.s32 $0x280;
	v50 =	vld.idx.msk [tilespmem:v8+s17+$0x0], $0xffff;
	v8 =	vor.u32 s18, v63  }
0x172: {  	v10 =	vld.idx.msk [tilespmem:v13+s17+$0x0], $0xffff;
	v5 =	vor.u32 s23, v55  }
0x173: {  	v12 =	vld.idx.msk [tilespmem:v13+s19+$0x0], $0xffff  }
0x174: {  	v41 =	vld.idx.msk [tilespmem:v9+s17+$0x0], $0xffff  }
0x175: {  	v42 =	vld.idx.msk [tilespmem:v9+s19+$0x0], $0xffff  }
0x176: {  	v62 =	vld.idx.msk [tilespmem:v8+s17+$0x0], $0xffff  }
0x177: {  	v60 =	vld.idx.msk [tilespmem:v5+s17+$0x0], $0xffff  }
0x178: {  	v9 =	vor.u32 s20, v7;
	v30 =	vld.idx.msk [tilespmem:v5+s19+$0x0], $0xffff;
	v5 =	vpop (erf)  }
0x179: {  	v17 =	vld.idx.msk [tilespmem:v8+s19+$0x0], $0xffff;
	v8 =	vpop (erf)  }
0x17a: {  	v24 =	vor.u32 s16, v7;
	s24 =	simm.s32 $0x1C0;
	v13 =	vld.idx.msk [tilespmem:v15+s17+$0x0], $0xffff;
	v8 =	vadd.f32 $1.000000000e+00, v8  }
0x17b: {  	v15 =	vld.idx.msk [tilespmem:v1+s17+$0x0], $0xffff;
	v1 =	vor.u32 s24, v61  }
0x17c: {  	(erf) = vrcp.f32 v8  }
0x17d: {  	v51 =	vld.idx.msk [tilespmem:v9+s17+$0x0], $0xffff  }
0x17e: {  	v53 =	vld.idx.msk [tilespmem:v9+s19+$0x0], $0xffff;
	v9 =	vor.u32 s20, v61  }
0x17f: {  	v29 =	vld.idx.msk [tilespmem:v24+s17+$0x0], $0xffff  }
0x180: {  	v46 =	vor.u32 s23, v61;
	v43 =	vmul.f32 v18, v4;
	v4 =	vld.idx.msk [tilespmem:v1+s17+$0x0], $0xffff  }
0x181: {  	v44 =	vld.idx.msk [tilespmem:v40+s17+$0x0], $0xffff  }
0x182: {  	v40 =	vld.idx.msk [tilespmem:v40+s19+$0x0], $0xffff  }
0x183: {  	v52 =	vor.u32 s22, v7;
	v25 =	vld.idx.msk [tilespmem:v9+s17+$0x0], $0xffff  }
0x184: {  	v22 =	vld.idx.msk [tilespmem:v9+s19+$0x0], $0xffff;
	v9 =	vor.u32 s22, v61  }
0x185: {  	v54 =	vld.idx.msk [tilespmem:v46+s17+$0x0], $0xffff;
	[tilespmem:$0x1F940] =	vst v4;
	v4 =	vmul.f32 v23, v57;
	v23 =	vpop (erf)  }
0x186: {  	v59 =	vmul.f32 v23, v5;
	v5 =	vld [tilespmem:$0x1F840]  }
0x187: {  	v46 =	vld.idx.msk [tilespmem:v46+s19+$0x0], $0xffff  }
0x188: {  	v38 =	vor.u32 s23, v7;
	v56 =	vld.idx.msk [tilespmem:v52+s17+$0x0], $0xffff  }
0x189: {  	v2 =	vld.idx.msk [tilespmem:v9+s17+$0x0], $0xffff  }
0x18a: {  	v52 =	vld.idx.msk [tilespmem:v52+s19+$0x0], $0xffff  }
0x18b: {  	v11 =	vmul.f32 v11, v5;
	v5 =	vld [tilespmem:$0x1F850]  }
0x18c: {  	v3 =	vld.idx.msk [tilespmem:v24+s19+$0x0], $0xffff  }
0x18d: {  	v32 =	vor.u32 s21, v55;
	v24 =	vld.idx.msk [tilespmem:v38+s17+$0x0], $0xffff  }
0x18e: {  	[tilespmem:$0x1F910] =	vst v2;
	v2 =	vld.idx.msk [tilespmem:v9+s19+$0x0], $0xffff  }
0x18f: {  	v57 =	vmul.f32 v48, v6;
	v6 =	vld [tilespmem:$0x1F870]  }
0x190: {  	v10 =	vmul.f32 v12, v10;
	v8 =	vor.u32 s18, v7;
	v12 =	vmul.f32 v5, v13;
	v5 =	vld [tilespmem:$0x1F860]  }
0x191: {  	v29 =	vmul.f32 v3, v29;
	v3 =	vld [tilespmem:$0x1F8C0]  }
0x192: {  	s7 =	simm.s32 $0x140;
	v37 =	vld.idx.msk [tilespmem:v32+s17+$0x0], $0xffff  }
0x193: {  	v32 =	vld.idx.msk [tilespmem:v32+s19+$0x0], $0xffff;
	[tilespmem:$0x1F8E0] =	vst v0;
	v0 =	vor.u32 s7, v63  }
0x194: {  	v48 =	vld.idx.msk [tilespmem:v1+s19+$0x0], $0xffff;
	v1 =	vor.u32 s18, v61  }
0x195: {  	[tilespmem:$0x1F920] =	vst v2;
	v2 =	vld.idx.msk [tilespmem:v8+s17+$0x0], $0xffff;
	v5 =	vmul.f32 v6, v5  }
0x196: {  	v6 =	vld [tilespmem:$0x1F890]  }
0x197: {  	[tilespmem:$0x1F990] =	vst v5;
	v5 =	vld [tilespmem:$0x1F880]  }
0x198: {  	v21 =	vld.idx.msk [tilespmem:v0+s17+$0x0], $0xffff  }
0x199: {  	v9 =	vld.idx.msk [tilespmem:v1+s17+$0x0], $0xffff  }
0x19a: {  	v18 =	vld.idx.msk [tilespmem:v1+s19+$0x0], $0xffff  }
0x19b: {  	v1 =	vld [tilespmem:$0x1F8E0]  }
0x19c: {  	v34 =	vld.idx.msk [tilespmem:v8+s19+$0x0], $0xffff;
	[tilespmem:$0x1F930] =	vst v2;
	v2 =	vor.u32 s7, v7;
	v5 =	vmul.f32 v6, v5  }
0x19d: {  	v8 =	vld [tilespmem:$0x1F8B0]  }
0x19e: {  	[tilespmem:$0x1F980] =	vst v5;
	v5 =	vld [tilespmem:$0x1F8A0]  }
0x19f: {  	v20 =	vld.idx.msk [tilespmem:v0+s19+$0x0], $0xffff  }
0x1a0: {  	v0 =	vor.u32 s22, v55;
	v35 =	vmul.f32 v35, v1;
	v1 =	vld [tilespmem:$0x1F8F0]  }
0x1a1: {  	v28 =	vmul.f32 v28, v27;
	v27 =	vmul.f32 v33, v31;
	v31 =	vld.idx.msk [tilespmem:v2+s19+$0x0], $0xffff  }
0x1a2: {  	v6 =	vld.idx.msk [tilespmem:v2+s17+$0x0], $0xffff  }
0x1a3: {  	v58 =	vor.u32 s24, v7;
	s16 =	simm.s32 $0xC0;
	v33 =	vmul.f32 v8, v5;
	v5 =	vld [tilespmem:$0x1F8D0]  }
0x1a4: {  	v2 =	vor.u32 s16, v63;
	v8 =	vld [tilespmem:$0x1F900]  }
0x1a5: {  	v23 =	vld.idx.msk [tilespmem:v0+s17+$0x0], $0xffff  }
0x1a6: {  	v13 =	vld.idx.msk [tilespmem:v0+s19+$0x0], $0xffff;
	v0 =	vor.u32 s24, v55  }
0x1a7: {  	v38 =	vld.idx.msk [tilespmem:v38+s19+$0x0], $0xffff  }
0x1a8: {  	v26 =	vld.idx.msk [tilespmem:v58+s17+$0x0], $0xffff;
	v45 =	vmul.f32 v47, v45;
	v3 =	vmul.f32 v5, v3  }
0x1a9: {  	v47 =	vld.idx.msk [tilespmem:v2+s19+$0x0], $0xffff;
	v5 =	vor.u32 s13, v63;
	v1 =	vmul.f32 v8, v1;
	v8 =	vmul.f32 v32, v37  }
0x1aa: {  	v32 =	vld.idx.msk [tilespmem:v2+s17+$0x0], $0xffff;
	v2 =	vmul.f32 v10, v57;
	v10 =	vor.u32 s18, v55;
	[tilespmem:$0x1F970] =	vst v3;
	v3 =	vmul.f32 v27, v43  }
0x1ab: {  	v39 =	vmul.f32 v39, v36;
	s22 =	simm.s32 $0x100;
	v36 =	vld.idx.msk [tilespmem:v0+s19+$0x0], $0xffff  }
0x1ac: {  	[tilespmem:$0x1F960] =	vst v1;
	v1 =	vor.u32 s22, v7;
	v27 =	vld.idx.msk [tilespmem:v0+s17+$0x0], $0xffff;
	v0 =	vmul.f32 v33, v4;
	v3 =	vadd.f32 $0.0e+00, v3  }
0x1ad: {  	v41 =	vmul.f32 v42, v41;
	v58 =	vld.idx.msk [tilespmem:v58+s19+$0x0], $0xffff;
	v37 =	vmul.f32 v38, v24  }
0x1ae: {  	v38 =	vld.idx.msk [tilespmem:v5+s17+$0x0], $0xffff;
	v0 =	vadd.f32 v0, v3;
	v3 =	vmul.f32 v40, v44;
	v40 =	vmul.f32 v49, v19  }
0x1af: {  	v42 =	vor.u32 s7, v61;
	v19 =	vmul.f32 v16, v50;
	v50 =	vmul.f32 v52, v56;
	v52 =	vld.idx.msk [tilespmem:v10+s17+$0x0], $0xffff  }
0x1b0: {  	v44 =	vmul.f32 v53, v51;
	v53 =	vld.idx.msk [tilespmem:v10+s19+$0x0], $0xffff  }
0x1b1: {  	s9 =	simm.s32 $0x80;
	[tilespmem:$0x1F950] =	vst v8;
	v8 =	vld.idx.msk [tilespmem:v1+s17+$0x0], $0xffff  }
0x1b2: {  	v49 =	vld.idx.msk [tilespmem:v1+s19+$0x0], $0xffff;
	v1 =	vor.u32 s9, v63;
	v0 =	vadd.f32 v2, v0;
	v2 =	vmul.f32 v11, v59  }
0x1b3: {  	v16 =	vmul.f32 v17, v62;
	v17 =	vld [tilespmem:$0x1F910];
	v11 =	vmul.f32 v45, v43  }
0x1b4: {  	v45 =	vld.idx.msk [tilespmem:v42+s17+$0x0], $0xffff;
	v51 =	vadd.f32 v2, v0;
	v0 =	vor.u32 s16, v7  }
0x1b5: {  	v39 =	vmul.f32 v39, v4;
	v42 =	vld.idx.msk [tilespmem:v42+s19+$0x0], $0xffff;
	v11 =	vadd.f32 $0.0e+00, v11  }
0x1b6: {  	v2 =	vmul.f32 v46, v54;
	v46 =	vmul.f32 v22, v25;
	v54 =	vor.u32 s22, v61;
	v22 =	vld [tilespmem:$0x1F920]  }
0x1b7: {  	v29 =	vmul.f32 v29, v57;
	v10 =	vmul.f32 v19, v43;
	v11 =	vadd.f32 v39, v11;
	v39 =	vld.idx.msk [tilespmem:v1+s17+$0x0], $0xffff  }
0x1b8: {  	v14 =	vmul.f32 v14, v15;
	v15 =	vor.u32 s7, v55;
	v62 =	vld.idx.msk [tilespmem:v1+s19+$0x0], $0xffff  }
0x1b9: {  	s20 =	simm.s32 $0x0;
	v10 =	vadd.f32 $0.0e+00, v10;
	v19 =	vadd.f32 v29, v11;
	v29 =	vld.idx.msk [tilespmem:v0+s17+$0x0], $0xffff  }
0x1ba: {  	v33 =	vmovc v5;
	v1 =	vmul.f32 v3, v4;
	v3 =	vmul.f32 v30, v60;
	v60 =	vor.u32 s20, v63;
	v5 =	vld.idx.msk [tilespmem:v0+s19+$0x0], $0xffff  }
0x1bb: {  	v0 =	vmul.f32 v35, v57;
	v35 =	vld.idx.msk [tilespmem:v54+s17+$0x0], $0xffff  }
0x1bc: {  	v1 =	vadd.f32 v1, v10;
	v24 =	vld.idx.msk [tilespmem:v54+s19+$0x0], $0xffff  }
0x1bd: {  	v32 =	vmul.f32 v47, v32;
	v47 =	vor.u32 s9, v61;
	v54 =	vld.idx.msk [tilespmem:v15+s17+$0x0], $0xffff  }
0x1be: {  	v13 =	vmul.f32 v13, v23;
	v15 =	vld.idx.msk [tilespmem:v15+s19+$0x0], $0xffff;
	v0 =	vadd.f32 v0, v1;
	v1 =	vmul.f32 v14, v43  }
0x1bf: {  	v23 =	vor.u32 s9, v7;
	v14 =	vmul.f32 v20, v21;
	v21 =	vmul.f32 v28, v59;
	v30 =	vld.idx.msk [tilespmem:v60+s17+$0x0], $0xffff  }
0x1c0: {  	v46 =	vmul.f32 v46, v4;
	v28 =	vmul.f32 v22, v17;
	v17 =	vld [tilespmem:$0x1F930]  }
0x1c1: {  	v20 =	vor.u32 s16, v61;
	v56 =	vld.idx.msk [tilespmem:v60+s19+$0x0], $0xffff;
	v21 =	vadd.f32 v21, v0;
	v0 =	vmul.f32 v13, v43  }
0x1c2: {  	v1 =	vadd.f32 $0.0e+00, v1;
	v13 =	vmul.f32 v31, v6;
	v6 =	vmul.f32 v49, v8;
	v49 =	vld.idx.msk [tilespmem:v47+s17+$0x0], $0xffff  }
0x1c3: {  	v12 =	vmul.f32 v12, v59;
	v11 =	vor.u32 s21, v63;
	s21 =	simm.s32 $0x40;
	v47 =	vld.idx.msk [tilespmem:v47+s19+$0x0], $0xffff  }
0x1c4: {  	v39 =	vmul.f32 v62, v39;
	v62 =	vor.u32 s21, v55;
	v1 =	vadd.f32 v46, v1;
	v46 =	vld.idx.msk [tilespmem:v23+s17+$0x0], $0xffff  }
0x1c5: {  	v10 =	vmul.f32 v58, v26;
	v26 =	vor.u32 s20, v7;
	v31 =	vmul.f32 v44, v57;
	v23 =	vld.idx.msk [tilespmem:v23+s19+$0x0], $0xffff  }
0x1c6: {  	v60 =	vadd.f32 $0.0e+00, v0;
	v0 =	vld [tilespmem:$0x1F940];
	v25 =	vmul.f32 v34, v17;
	v34 =	vor.u32 s22, v55  }
0x1c7: {  	v18 =	vmul.f32 v18, v9;
	v12 =	vadd.f32 v12, v19;
	v44 =	vmul.f32 v53, v52;
	v52 =	vld.idx.msk [tilespmem:v20+s17+$0x0], $0xffff  }
0x1c8: {  	v41 =	vmul.f32 v41, v59;
	(xrf2) =	vadd.scan.msk.f32 $0xffff, v51;
	v20 =	vld.idx.msk [tilespmem:v20+s19+$0x0], $0xffff;
	v31 =	vadd.f32 v31, v1  }
0x1c9: {  	v18 =	vmul.f32 v18, v4;
	(xrf2) =	vadd.scan.msk.f32 $0xffff, v12;
	v17 =	vor.u32 s16, v55;
	v12 =	vld.idx.msk [tilespmem:v62+s19+$0x0], $0xffff  }
0x1ca: {  	v28 =	vmul.f32 v28, v4;
	v44 =	vmul.f32 v44, v43;
	v31 =	vadd.f32 v41, v31;
	v41 =	vld.idx.msk [tilespmem:v26+s17+$0x0], $0xffff  }
0x1cb: {  	v50 =	vmul.f32 v50, v57;
	v42 =	vmul.f32 v42, v45;
	v45 =	vor.u32 s20, v61;
	v22 =	vld.idx.msk [tilespmem:v34+s17+$0x0], $0xffff  }
0x1cc: {  	v28 =	vadd.f32 v28, v60;
	v44 =	vadd.f32 $0.0e+00, v44;
	v58 =	vld.idx.msk [tilespmem:v34+s19+$0x0], $0xffff;
	v34 =	vor.u32 s9, v55  }
0x1cd: {  	v27 =	vmul.f32 v36, v27;
	v15 =	vmul.f32 v15, v54;
	v60 =	vor.u32 s20, v55;
	v26 =	vld.idx.msk [tilespmem:v26+s19+$0x0], $0xffff  }
0x1ce: {  	v25 =	vmul.f32 v25, v57;
	v28 =	vadd.f32 v50, v28;
	v18 =	vadd.f32 v18, v44;
	v50 =	vld.idx.msk [tilespmem:v17+s17+$0x0], $0xffff  }
0x1cf: {  	v32 =	vmul.f32 v32, v59;
	v15 =	vmul.f32 v15, v43;
	v17 =	vld.idx.msk [tilespmem:v17+s19+$0x0], $0xffff  }
0x1d0: {  	v40 =	vmul.f32 v40, v59;
	v16 =	vmul.f32 v16, v59;
	v18 =	vadd.f32 v25, v18;
	v25 =	vld.idx.msk [tilespmem:v45+s17+$0x0], $0xffff  }
0x1d1: {  	v42 =	vmul.f32 v42, v4;
	v51 =	vor.u32 s21, v61;
	v15 =	vadd.f32 $0.0e+00, v15;
	v44 =	vld.idx.msk [tilespmem:v34+s17+$0x0], $0xffff  }
0x1d2: {  	v53 =	vor.u32 s21, v7;
	v14 =	vmul.f32 v14, v59;
	v29 =	vmul.f32 v5, v29;
	v36 =	vld.idx.msk [tilespmem:v34+s19+$0x0], $0xffff  }
0x1d3: {  	v24 =	vmul.f32 v24, v35;
	v13 =	vmul.f32 v13, v57;
	v15 =	vadd.f32 v42, v15;
	v35 =	vld.idx.msk [tilespmem:v60+s19+$0x0], $0xffff  }
0x1d4: {  	v29 =	vmul.f32 v29, v57;
	v28 =	vadd.f32 v40, v28;
	v40 =	vld.idx.msk [tilespmem:v60+s17+$0x0], $0xffff;
	v17 =	vmul.f32 v17, v50  }
0x1d5: {  	v0 =	vmul.f32 v48, v0;
	v20 =	vmul.f32 v20, v52;
	v60 =	vld.idx.msk [tilespmem:v45+s19+$0x0], $0xffff;
	v13 =	vadd.f32 v13, v15  }
0x1d6: {  	v15 =	vmul.f32 v23, v46;
	v16 =	vadd.f32 v16, v18;
	v18 =	vld.idx.msk [tilespmem:v62+s17+$0x0], $0xffff;
	v17 =	vmul.f32 v17, v43  }
0x1d7: {  	v5 =	vor.u32 s21, v63;
	v23 =	vld.idx.msk [tilespmem:v51+s17+$0x0], $0xffff;
	v20 =	vmul.f32 v20, v4;
	v36 =	vmul.f32 v36, v44  }
0x1d8: {  	v62 =	vmul.f32 v47, v49;
	v13 =	vadd.f32 v14, v13;
	v14 =	vld.idx.msk [tilespmem:v51+s19+$0x0], $0xffff;
	v17 =	vadd.f32 $0.0e+00, v17  }
0x1d9: {  	(xrf2) =	vadd.scan.msk.f32 $0xffff, v21;
	v48 =	vor.u32 s24, v63;
	v15 =	vmul.f32 v15, v57;
	v36 =	vmul.f32 v36, v43  }
0x1da: {  	v9 =	vld.idx.msk [tilespmem:v53+s17+$0x0], $0xffff;
	v26 =	vmul.f32 v26, v41;
	v35 =	vmul.f32 v35, v40;
	v17 =	vadd.f32 v20, v17  }
0x1db: {  	(xrf2) =	vadd.scan.msk.f32 $0xffff, v31;
	v47 =	vmul.f32 v62, v4;
	v12 =	vmul.f32 v12, v18;
	v20 =	vld.idx.msk [tilespmem:v53+s19+$0x0], $0xffff;
	v21 =	vadd.f32 $0.0e+00, v36  }
0x1dc: {  	v25 =	vmul.f32 v60, v25;
	v31 =	vmul.f32 v35, v43;
	v17 =	vadd.f32 v29, v17;
	v29 =	vld.idx.msk [tilespmem:v5+s17+$0x0], $0xffff  }
0x1dd: {  	v14 =	vmul.f32 v14, v23;
	v12 =	vmul.f32 v12, v43;
	v18 =	vadd.f32 v47, v21;
	v21 =	vld.idx.msk [tilespmem:v5+s19+$0x0], $0xffff  }
0x1de: {  	(xrf2) =	vadd.scan.msk.f32 $0xffff, v28;
	v25 =	vmul.f32 v25, v4;
	v23 =	vmul.f32 v26, v57;
	v28 =	vadd.f32 $0.0e+00, v31  }
0x1df: {  	(xrf2) =	vadd.scan.msk.f32 $0xffff, v16;
	v14 =	vmul.f32 v14, v4;
	v12 =	vadd.f32 $0.0e+00, v12;
	v17 =	vadd.f32 v32, v17  }
0x1e0: {  	(xrf2) =	vadd.scan.msk.f32 $0xffff, v13;
	v20 =	vmul.f32 v20, v9;
	v15 =	vadd.f32 v15, v18;
	v18 =	vadd.f32 v25, v28  }
0x1e1: {  	v12 =	vadd.f32 v14, v12;
	(xrf2) =	vadd.scan.msk.f32 $0xffff, v17  }
0x1e2: {  	v14 =	vmul.f32 v20, v57;
	v17 =	vadd.f32 v23, v18;
	v23 =	vld.idx.msk [tilespmem:v48+s17+$0x0], $0xffff;
	v20 =	vmul.f32 v21, v29  }
0x1e3: {  	v54 =	vor.u32 s22, v63;
	v21 =	vld.idx.msk [tilespmem:v48+s19+$0x0], $0xffff  }
0x1e4: {  	v12 =	vadd.f32 v14, v12;
	v14 =	vmul.f32 v20, v59;
	v20 =	vmul.f32 v27, v43  }
0x1e5: {  	v5 =	vld [tilespmem:$0x1F950]  }
0x1e6: {  	v0 =	vmul.f32 v0, v4;
	v12 =	vadd.f32 v14, v12;
	v14 =	vadd.f32 $0.0e+00, v20  }
0x1e7: {  	v10 =	vmul.f32 v10, v57  }
0x1e8: {  	v39 =	vmul.f32 v39, v59;
	v0 =	vadd.f32 v0, v14;
	v14 =	vmul.f32 v21, v23  }
0x1e9: {  	v30 =	vmul.f32 v56, v30;
	v16 =	vld.idx.msk [tilespmem:v54+s17+$0x0], $0xffff;
	v22 =	vmul.f32 v58, v22  }
0x1ea: {  	v0 =	vadd.f32 v10, v0;
	v10 =	vmul.f32 v14, v59;
	v14 =	vmul.f32 v5, v43;
	v5 =	vld [tilespmem:$0x1F960]  }
0x1eb: {  	v1 =	vor.u32 s23, v63;
	v13 =	vld.idx.msk [tilespmem:v54+s19+$0x0], $0xffff  }
0x1ec: {  	v22 =	vmul.f32 v22, v43;
	v15 =	vadd.f32 v39, v15;
	v18 =	vmul.f32 v30, v59;
	_ =	sdelay $0x1  }
0x1ed: {  	(xrf2) =	vadd.scan.msk.f32 $0xffff, v15;
	v15 =	vadd.f32 v18, v17;
	v17 =	vadd.f32 $0.0e+00, v22;
	v18 =	vmul.f32 v24, v4  }
0x1ee: {  	v0 =	vadd.f32 v10, v0;
	v10 =	vadd.f32 $0.0e+00, v14;
	v14 =	vmul.f32 v5, v4;
	v5 =	vld [tilespmem:$0x1F970]  }
0x1ef: {  	v13 =	vmul.f32 v13, v16;
	v22 =	vld.idx.msk [tilespmem:v1+s17+$0x0], $0xffff;
	v17 =	vadd.f32 v18, v17;
	v18 =	vmul.f32 v6, v57  }
0x1f0: {  	v3 =	vmul.f32 v3, v43;
	v19 =	vor.u32 s13, v7;
	v1 =	vld.idx.msk [tilespmem:v1+s19+$0x0], $0xffff  }
0x1f1: {  	v13 =	vmul.f32 v13, v59;
	(xrf2) =	vadd.scan.msk.f32 $0xffff, v15;
	v15 =	vld.idx.msk [tilespmem:v11+s17+$0x0], $0xffff;
	v16 =	vadd.f32 v18, v17  }
0x1f2: {  	v2 =	vmul.f32 v2, v4;
	v3 =	vadd.f32 $0.0e+00, v3;
	v11 =	vld.idx.msk [tilespmem:v11+s19+$0x0], $0xffff  }
0x1f3: {  	v17, _, _ =	vpop (xrf2);
	(xrf2) =	vadd.scan.msk.f32 $0xffff, v12;
	v13 =	vadd.f32 v13, v16;
	v10 =	vadd.f32 v14, v10;
	v14 =	vmul.f32 v5, v57;
	v5 =	vld [tilespmem:$0x1F980]  }
0x1f4: {  	v12, _, _ =	vpop (xrf2)  }
0x1f5: {  	v2 =	vadd.f32 v2, v3;
	v3 =	vmul.f32 v37, v57;
	v18 =	vld.idx.msk [tilespmem:v19+s17+$0x0], $0xffff;
	v1 =	vmul.f32 v1, v22;
	v16, _, _ =	vpop (xrf2)  }
0x1f6: {  	v19 =	vld.idx.msk [tilespmem:v19+s19+$0x0], $0xffff;
	v20, _, _ =	vpop (xrf2)  }
0x1f7: {  	v2 =	vadd.f32 v3, v2;
	v1 =	vmul.f32 v1, v59;
	(xrf2) =	vadd.scan.msk.f32 $0xffff, v13;
	v13, _, _ =	vpop (xrf2)  }
0x1f8: {  	v3 =	vmul.f32 v11, v15;
	v22, _, _ =	vpop (xrf2);
	v15 =	vmul.f32 v5, v43  }
0x1f9: {  	v1 =	vadd.f32 v1, v2;
	v2 =	vld [tilespmem:$0x1F990];
	v11, _, _ =	vpop (xrf2);
	v10 =	vadd.f32 v14, v10  }
0x1fa: {  	(xrf2) =	vadd.scan.msk.f32 $0xffff, v0;
	v0, _, _ =	vpop (xrf2)  }
0x1fb: {  	v18 =	vmul.f32 v19, v18;
	v3 =	vmul.f32 v3, v59;
	v19, _, _ =	vpop (xrf2)  }
0x1fc: {  	v21 =	vld.idx.msk [tilespmem:v33+s19+$0x0], $0xffff;
	v14 =	vadd.f32 $0.0e+00, v15;
	v15, _, _ =	vpop (xrf2)  }
0x1fd: {  	(xrf2) =	vadd.scan.msk.f32 $0xffff, v1;
	v1 =	vadd.f32 v3, v10;
	v10, _, _ =	vpop (xrf2)  }
0x1fe: {  	v2 =	vmul.f32 v2, v4;
	v10 =	vbroadcast v10, $0xF;
	_ =	sdelay $0x1  }
0x1ff: {  	v2 =	vadd.f32 v2, v14;
	v14 =	vbroadcast v15, $0xF  }
0x200: {  	v21 =	vmul.f32 v21, v38;
	v3 =	vmul.f32 v18, v57  }
0x201: {  	v15 =	vbroadcast v19, $0xF;
	(xrf2) =	vadd.scan.msk.f32 $0xffff, v1;
	v1 =	vsel vm0, v14, v10;
	v10, _, _ =	vpop (xrf2)  }
0x202: {  	v2 =	vadd.f32 v3, v2;
	v3 =	vmul.f32 v21, v59;
	v10 =	vbroadcast v10, $0xF  }
0x203: {  	v0 =	vbroadcast v0, $0xF  }
0x204: {  	v2 =	vadd.f32 v3, v2;
	v1 =	vsel vm1, v1, v15  }
0x205: {  	v3 =	vbroadcast v22, $0xF;
	v0 =	vsel vm2, v1, v0;
	v1 =	vbroadcast v11, $0xF  }
0x206: {  	v0 =	vsel vm3, v0, v10;
	v10, _, _ =	vpop (xrf2)  }
0x207: {  	v0 =	vsel vm4, v0, v1;
	v1 =	vbroadcast v10, $0xF  }
0x208: {  	(xrf2) =	vadd.scan.msk.f32 $0xffff, v2;
	v0 =	vsel vm5, v0, v3;
	v2 =	vbroadcast v13, $0xF  }
0x209: {  	v3, _, _ =	vpop (xrf2);
	v0 =	vsel vm6, v0, v1;
	v1 =	vbroadcast v20, $0xF  }
0x20a: {  	v0 =	vsel vm7, v0, v2;
	v2 =	vbroadcast v3, $0xF  }
0x20b: {  	v0 =	vsel vm8, v0, v1;
	v1 =	vbroadcast v16, $0xF  }
0x20c: {  	v0 =	vsel vm9, v0, v2;
	v2 =	vbroadcast v12, $0xF  }
0x20d: {  	v0 =	vsel vm10, v0, v1  }
0x20e: {  	v3, _, _ =	vpop (xrf2);
	v0 =	vsel vm11, v0, v2;
	v2 =	vbroadcast v17, $0xF  }
0x20f: {  	v1 =	vbroadcast v3, $0xF;
	v3 =	vld [tilespmem:s0+$0x0];
	_ =	sdelay $0x1  }
0x210: {  	v0 =	vsel vm12, v0, v1;
	v1 =	vld [tilespmem:s31+$0x0]  }
0x211: {  	v0 =	vsel vm13, v0, v2;
	v2, _, _ =	vpop (xrf2)  }
0x212: {  	v5 =	vld [tilespmem:$0x10C00];
	v0 =	vsel vm14, v0, v2  }
0x213: {  	v0 =	vadd.f32 v0, v3;
	_ =	sdelay $0x1  }
0x214: {  	v0 =	vadd.f32 v0, v1;
	_ =	sdelay $0x1  }
0x215: {  	v0 =	vadd.f32 v0, v5;
	_ =	sdelay $0x1  }
0x216: {  	v0 =	vsub.f32 $0.0e+00, v0;
	_ =	sdelay $0x1  }
0x217: {  	v0 =	vmul.f32 $1.442695020e+00, v0;
	_ =	sdelay $0x1  }
0x218: {  	(erf) = vpow2.f32 v0;
	_ =	sdelay $0x8  }
0x219: {  	v0 =	vpop (erf)  }
0x21a: {  	v0 =	vadd.f32 $1.000000000e+00, v0;
	_ =	sdelay $0x1  }
0x21b: {  	(erf) = vrcp.f32 v0;
	_ =	sdelay $0x4  }
0x21c: {  	s22 =	simm.s32 $0x780  }
0x21d: {  	v0 =	vor.u32 s22, v63;
	_ =	sdelay $0x2  }
0x21e: {  	s13 =	simm.s32 $0x7C0;
	v2 =	vpop (erf)  }
0x21f: {  	s24 =	simm.s32 $0x700;
	v10 =	vor.u32 s13, v55;
	[tilespmem:s28+$0x0] =	vst v2  }
0x220: {  	v12 =	vor.u32 s24, v63;
	v11 =	vld.idx.msk [tilespmem:v0+s17+$0x0], $0xffff  }
0x221: {  	v1 =	vor.u32 s13, v61;
	v0 =	vld.idx.msk [tilespmem:v0+s19+$0x0], $0xffff;
	_ =	sdelay $0x1  }
0x222: {  	v16 =	vor.u32 s22, v61  }
0x223: {  	s9 =	simm.s32 $0x6C0;
	v8 =	vld.idx.msk [tilespmem:v10+s19+$0x0], $0xffff  }
0x224: {  	v18 =	vor.u32 s9, v63;
	v17 =	vld.idx.msk [tilespmem:v12+s17+$0x0], $0xffff  }
0x225: {  	[tilespmem:$0x1F9B0] =	vst v0;
	v0 =	vld.idx.msk [tilespmem:v1+s17+$0x0], $0xffff  }
0x226: {  	v13 =	vld.idx.msk [tilespmem:v12+s19+$0x0], $0xffff  }
0x227: {  	v20 =	vor.u32 s24, v7;
	v21 =	vld.idx.msk [tilespmem:v16+s17+$0x0], $0xffff  }
0x228: {  	s23 =	simm.s32 $0x740;
	v16 =	vld.idx.msk [tilespmem:v16+s19+$0x0], $0xffff  }
0x229: {  	v22 =	vor.u32 s23, v61;
	v23 =	vld.idx.msk [tilespmem:v18+s17+$0x0], $0xffff  }
0x22a: {  	[tilespmem:$0x1F9C0] =	vst v0;
	v0 =	vld.idx.msk [tilespmem:v1+s19+$0x0], $0xffff  }
0x22b: {  	v18 =	vld.idx.msk [tilespmem:v18+s19+$0x0], $0xffff  }
0x22c: {  	s18 =	simm.s32 $0x640;
	v24 =	vor.u32 s22, v55;
	v25 =	vld.idx.msk [tilespmem:v20+s17+$0x0], $0xffff  }
0x22d: {  	v48 =	vor.u32 s18, v63;
	v20 =	vld.idx.msk [tilespmem:v20+s19+$0x0], $0xffff  }
0x22e: {  	v27 =	vld.idx.msk [tilespmem:v22+s17+$0x0], $0xffff  }
0x22f: {  	v14 =	vor.u32 s23, v7;
	[tilespmem:$0x1F9D0] =	vst v0;
	v0 =	vld.idx.msk [tilespmem:v10+s17+$0x0], $0xffff  }
0x230: {  	v51 =	vor.u32 s24, v55;
	v22 =	vld.idx.msk [tilespmem:v22+s19+$0x0], $0xffff  }
0x231: {  	v29 =	vld.idx.msk [tilespmem:v24+s17+$0x0], $0xffff  }
0x232: {  	v56 =	vor.u32 s9, v55;
	v37 =	vld.idx.msk [tilespmem:v48+s17+$0x0], $0xffff  }
0x233: {  	s21 =	simm.s32 $0x680;
	v32 =	vld.idx.msk [tilespmem:v48+s19+$0x0], $0xffff  }
0x234: {  	v60 =	vor.u32 s21, v55;
	[tilespmem:$0x1F9F0] =	vst v0;
	v0 =	vld.idx.msk [tilespmem:v14+s17+$0x0], $0xffff  }
0x235: {  	v53 =	vor.u32 s18, v7;
	v9 =	vld.idx.msk [tilespmem:v51+s17+$0x0], $0xffff  }
0x236: {  	s20 =	simm.s32 $0x600;
	v38 =	vld.idx.msk [tilespmem:v51+s19+$0x0], $0xffff  }
0x237: {  	v58 =	vor.u32 s20, v7;
	v51 =	vld.idx.msk [tilespmem:v56+s17+$0x0], $0xffff  }
0x238: {  	v28 =	vor.u32 s24, v61;
	s24 =	simm.s32 $0x5C0;
	v46 =	vld.idx.msk [tilespmem:v56+s19+$0x0], $0xffff  }
0x239: {  	v56 =	vor.u32 s24, v7;
	[tilespmem:$0x1FA10] =	vst v0;
	v0 =	vld.idx.msk [tilespmem:v60+s17+$0x0], $0xffff  }
0x23a: {  	v47 =	vld.idx.msk [tilespmem:v53+s17+$0x0], $0xffff  }
0x23b: {  	v26 =	vor.u32 s9, v7;
	v42 =	vld.idx.msk [tilespmem:v53+s19+$0x0], $0xffff  }
0x23c: {  	v2 =	vor.u32 s22, v7;
	v53 =	vld.idx.msk [tilespmem:v58+s17+$0x0], $0xffff  }
0x23d: {  	v48 =	vld.idx.msk [tilespmem:v58+s19+$0x0], $0xffff  }
0x23e: {  	v58 =	vor.u32 s20, v61;
	[tilespmem:$0x1FAC0] =	vst v0;
	v0 =	vld.idx.msk [tilespmem:v56+s17+$0x0], $0xffff  }
0x23f: {  	v24 =	vld.idx.msk [tilespmem:v24+s19+$0x0], $0xffff  }
0x240: {  	v31 =	vld.idx.msk [tilespmem:v26+s17+$0x0], $0xffff  }
0x241: {  	v19 =	vld.idx.msk [tilespmem:v2+s17+$0x0], $0xffff  }
0x242: {  	v15 =	vld.idx.msk [tilespmem:v2+s19+$0x0], $0xffff  }
0x243: {  	[tilespmem:$0x1FAE0] =	vst v0;
	v0 =	vld.idx.msk [tilespmem:v58+s17+$0x0], $0xffff  }
0x244: {  	v26 =	vld.idx.msk [tilespmem:v26+s19+$0x0], $0xffff  }
0x245: {  	v49 =	vor.u32 s21, v7;
	v33 =	vld.idx.msk [tilespmem:v28+s17+$0x0], $0xffff  }
0x246: {  	v28 =	vld.idx.msk [tilespmem:v28+s19+$0x0], $0xffff  }
0x247: {  	v54 =	vor.u32 s21, v61;
	v15 =	vmul.f32 v15, v19;
	v19 =	vld [tilespmem:$0x1F9C0]  }
0x248: {  	s22 =	simm.s32 $0x580;
	[tilespmem:$0x1FB00] =	vst v0;
	v0 =	vld.idx.msk [tilespmem:v58+s19+$0x0], $0xffff  }
0x249: {  	v62 =	vor.u32 s22, v63;
	v58 =	vld [tilespmem:$0x1F9D0]  }
0x24a: {  	v39 =	vld.idx.msk [tilespmem:v49+s17+$0x0], $0xffff  }
0x24b: {  	v34 =	vld.idx.msk [tilespmem:v49+s19+$0x0], $0xffff  }
0x24c: {  	v30 =	vor.u32 s23, v55;
	v49 =	vld.idx.msk [tilespmem:v54+s17+$0x0], $0xffff  }
0x24d: {  	v44 =	vld.idx.msk [tilespmem:v54+s19+$0x0], $0xffff  }
0x24e: {  	s7 =	simm.s32 $0x540;
	v50 =	vor.u32 s9, v61;
	[tilespmem:$0x1F9A0] =	vst v5;
	v5 =	vld.idx.msk [tilespmem:v62+s17+$0x0], $0xffff;
	v19 =	vmul.f32 v58, v19  }
0x24f: {  	v54 =	vld.idx.msk [tilespmem:v62+s19+$0x0], $0xffff;
	v62 =	vor.u32 s7, v63  }
0x250: {  	[tilespmem:$0x1F9E0] =	vst v19;
	v19 =	vld [tilespmem:$0x1F9F0]  }
0x251: {  	v35 =	vld.idx.msk [tilespmem:v30+s17+$0x0], $0xffff  }
0x252: {  	v30 =	vld.idx.msk [tilespmem:v30+s19+$0x0], $0xffff  }
0x253: {  	v52 =	vor.u32 s20, v63;
	v41 =	vld.idx.msk [tilespmem:v50+s17+$0x0], $0xffff  }
0x254: {  	v2 =	vld.idx.msk [tilespmem:v62+s17+$0x0], $0xffff  }
0x255: {  	v36 =	vld.idx.msk [tilespmem:v50+s19+$0x0], $0xffff;
	v8 =	vmul.f32 v8, v19  }
0x256: {  	v50 =	vor.u32 s18, v61;
	v14 =	vld.idx.msk [tilespmem:v14+s19+$0x0], $0xffff  }
0x257: {  	[tilespmem:$0x1FA00] =	vst v8;
	v8 =	vld [tilespmem:$0x1FA10]  }
0x258: {  	v45 =	vld.idx.msk [tilespmem:v52+s17+$0x0], $0xffff  }
0x259: {  	v40 =	vld.idx.msk [tilespmem:v52+s19+$0x0], $0xffff;
	[tilespmem:$0x1FAF0] =	vst v2;
	v2 =	vor.u32 s20, v55  }
0x25a: {  	v52 =	vld.idx.msk [tilespmem:v60+s19+$0x0], $0xffff  }
0x25b: {  	v6 =	vld.idx.msk [tilespmem:v50+s17+$0x0], $0xffff;
	[tilespmem:$0x1FB10] =	vst v0;
	v0 =	vor.u32 s22, v7  }
0x25c: {  	v50 =	vld.idx.msk [tilespmem:v50+s19+$0x0], $0xffff;
	v8 =	vmul.f32 v14, v8  }
0x25d: {  	v62 =	vld.idx.msk [tilespmem:v62+s19+$0x0], $0xffff;
	s20 =	simm.s32 $0x480;
	v60 =	vor.u32 s18, v55  }
0x25e: {  	s9 =	simm.s32 $0x500;
	v12 =	vld.idx.msk [tilespmem:v2+s17+$0x0], $0xffff;
	v58 =	vor.u32 s20, v63;
	[tilespmem:$0x1FA20] =	vst v8;
	v8 =	vmul.f32 v22, v27  }
0x25f: {  	v56 =	vld.idx.msk [tilespmem:v56+s19+$0x0], $0xffff;
	v14 =	vor.u32 s9, v7  }
0x260: {  	v1 =	vor.u32 s24, v61;
	v3 =	vld.idx.msk [tilespmem:v0+s17+$0x0], $0xffff;
	[tilespmem:$0x1FA30] =	vst v8;
	v8 =	vmul.f32 v30, v35  }
0x261: {  	v18 =	vmul.f32 v18, v23;
	v0 =	vld.idx.msk [tilespmem:v0+s19+$0x0], $0xffff  }
0x262: {  	v23 =	vmul.f32 v24, v29;
	v10 =	vld.idx.msk [tilespmem:v60+s17+$0x0], $0xffff;
	[tilespmem:$0x1FA40] =	vst v8;
	v8 =	vmul.f32 v34, v39  }
0x263: {  	v24 =	vmul.f32 v26, v31;
	v26 =	vmul.f32 v38, v9;
	v9 =	vld.idx.msk [tilespmem:v58+s17+$0x0], $0xffff  }
0x264: {  	[tilespmem:$0x1FA50] =	vst v8;
	v8 =	vld.idx.msk [tilespmem:v14+s17+$0x0], $0xffff  }
0x265: {  	[tilespmem:$0x1FB30] =	vst v3;
	v3 =	vld.idx.msk [tilespmem:v1+s17+$0x0], $0xffff  }
0x266: {  	v60 =	vld.idx.msk [tilespmem:v60+s19+$0x0], $0xffff;
	[tilespmem:$0x1FB40] =	vst v0;
	v0 =	vor.u32 s7, v7  }
0x267: {  	s16 =	simm.s32 $0x4C0;
	v1 =	vld.idx.msk [tilespmem:v1+s19+$0x0], $0xffff  }
0x268: {  	v19 =	vor.u32 s16, v63;
	[tilespmem:$0x1FA90] =	vst v9;
	v9 =	vld [tilespmem:$0x1FB10]  }
0x269: {  	v20 =	vmul.f32 v20, v25;
	v25 =	vor.u32 s7, v61;
	[tilespmem:$0x1FA60] =	vst v8;
	v8 =	vld.idx.msk [tilespmem:v14+s19+$0x0], $0xffff  }
0x26a: {  	[tilespmem:$0x1FB50] =	vst v3;
	v3 =	vld [tilespmem:$0x1F9B0]  }
0x26b: {  	v13 =	vmul.f32 v13, v17;
	v17 =	vld.idx.msk [tilespmem:v0+s17+$0x0], $0xffff  }
0x26c: {  	v0 =	vld.idx.msk [tilespmem:v0+s19+$0x0], $0xffff  }
0x26d: {  	[tilespmem:$0x1FB60] =	vst v1;
	v1 =	vor.u32 s22, v61;
	v22 =	vmul.f32 v28, v33;
	v28 =	vld.idx.msk [tilespmem:v19+s17+$0x0], $0xffff  }
0x26e: {  	[tilespmem:$0x1FA70] =	vst v8;
	v8 =	vld.idx.msk [tilespmem:v25+s17+$0x0], $0xffff  }
0x26f: {  	v19 =	vld.idx.msk [tilespmem:v19+s19+$0x0], $0xffff  }
0x270: {  	v3 =	vmul.f32 v3, v11;
	v11 =	vld.idx.msk [tilespmem:v2+s19+$0x0], $0xffff;
	v2 =	vor.u32 s24, v55  }
0x271: {  	v16 =	vmul.f32 v16, v21;
	v31 =	vor.u32 s22, v55;
	v23 =	vmul.f32 v23, v43;
	s22 =	simm.s32 $0x400;
	v35 =	vld.idx.msk [tilespmem:v58+s19+$0x0], $0xffff  }
0x272: {  	v10 =	vmul.f32 v60, v10;
	v21 =	vld.idx.msk [tilespmem:v1+s17+$0x0], $0xffff;
	v60 =	vmul.f32 v0, v17;
	v0 =	vor.u32 s22, v7  }
0x273: {  	v1 =	vld.idx.msk [tilespmem:v1+s19+$0x0], $0xffff;
	[tilespmem:$0x1FA80] =	vst v8;
	v8 =	vor.u32 s13, v63  }
0x274: {  	v16 =	vmul.f32 v16, v4;
	v23 =	vadd.f32 $0.0e+00, v23;
	v30 =	vlaneseq.u32;
	v34 =	vld.idx.msk [tilespmem:v25+s19+$0x0], $0xffff  }
0x275: {  	v15 =	vmul.f32 v15, v57;
	v33 =	vmov v4;
	v17 =	vor.u32 s16, v30;
	v29 =	vld.idx.msk [tilespmem:v2+s17+$0x0], $0xffff  }
0x276: {  	v22 =	vmul.f32 v22, v4;
	v4 =	vmul.f32 v44, v49;
	v2 =	vld.idx.msk [tilespmem:v2+s19+$0x0], $0xffff;
	v14 =	vadd.f32 v16, v23  }
0x277: {  	v49 =	vld.idx.msk [tilespmem:v0+s17+$0x0], $0xffff;
	v16 =	vmul.f32 v46, v51;
	v46 =	vmul.f32 v54, v5  }
0x278: {  	v14 =	vadd.f32 v15, v14;
	v15 =	vmul.f32 v48, v53;
	v53 =	vor.u32 s9, v61;
	v5 =	vld.idx.msk [tilespmem:v8+s17+$0x0], $0xffff  }
0x279: {  	[tilespmem:$0x1FAA0] =	vst v8;
	v8 =	vld [tilespmem:$0x1FAF0]  }
0x27a: {  	v1 =	vmul.f32 v1, v21;
	v21 =	vld.idx.msk [tilespmem:v17+s19+$0x0], $0xffff  }
0x27b: {  	v23 =	vmul.f32 v42, v47;
	v42 =	vld.idx.msk [tilespmem:v31+s17+$0x0], $0xffff;
	v25 =	vmul.f32 v26, v43;
	v26 =	vor.u32 s16, v7  }
0x27c: {  	v31 =	vld.idx.msk [tilespmem:v31+s19+$0x0], $0xffff  }
0x27d: {  	v44 =	vmul.f32 v50, v6;
	v6 =	vld.idx.msk [tilespmem:v53+s17+$0x0], $0xffff  }
0x27e: {  	v25 =	vadd.f32 $0.0e+00, v25;
	v58 =	vmul.f32 v62, v8;
	v8 =	vld [tilespmem:$0x1FB00]  }
0x27f: {  	v20 =	vmul.f32 v20, v57;
	v27 =	vmul.f32 v32, v37;
	v37 =	vld.idx.msk [tilespmem:v53+s19+$0x0], $0xffff  }
0x280: {  	v55 =	vmul.f32 v36, v41;
	v54 =	vor.u32 s7, v30;
	v22 =	vadd.f32 v22, v25;
	v36 =	vld.idx.msk [tilespmem:v26+s17+$0x0], $0xffff  }
0x281: {  	v13 =	vmul.f32 v13, v59;
	v39 =	vld.idx.msk [tilespmem:v26+s19+$0x0], $0xffff  }
0x282: {  	v16 =	vmul.f32 v16, v43;
	v20 =	vadd.f32 v20, v22;
	v22 =	vor.u32 s22, v63;
	[tilespmem:$0x1FAD0] =	vst v6;
	v6 =	vld [tilespmem:$0x1FAE0]  }
0x283: {  	v26 =	vmul.f32 v55, v33;
	v55 =	vmul.f32 v9, v8;
	v8 =	vor.u32 s23, v63;
	v9 =	vld [tilespmem:$0x1FB40]  }
0x284: {  	v38 =	vmov v43;
	v24 =	vmul.f32 v24, v57;
	[tilespmem:$0x1FB20] =	vst v8;
	v8 =	vld [tilespmem:$0x1FB30]  }
0x285: {  	v10 =	vmul.f32 v10, v38;
	v16 =	vadd.f32 $0.0e+00, v16;
	v50 =	vadd.f32 v13, v20;
	v20 =	vld.idx.msk [tilespmem:v54+s17+$0x0], $0xffff  }
0x286: {  	v18 =	vmul.f32 v18, v59;
	v3 =	vmul.f32 v3, v59;
	v54 =	vld.idx.msk [tilespmem:v54+s19+$0x0], $0xffff  }
0x287: {  	v10 =	vadd.f32 $0.0e+00, v10;
	v41 =	vmul.f32 v40, v45;
	v16 =	vadd.f32 v26, v16;
	v43 =	vld.idx.msk [tilespmem:v22+s17+$0x0], $0xffff  }
0x288: {  	v11 =	vmul.f32 v11, v12;
	v3 =	vadd.f32 v3, v14;
	v13 =	vor.u32 s20, v7;
	v45 =	vld.idx.msk [tilespmem:v22+s19+$0x0], $0xffff  }
0x289: {  	[tilespmem:$0x1FB80] =	vst v7;
	v12 =	vadd.f32 v24, v16;
	v24 =	vmul.f32 v44, v33;
	v14 =	vmul.f32 v9, v8;
	v8 =	vld [tilespmem:$0x1FB50]  }
0x28a: {  	[tilespmem:$0x1FBE0] =	vst v63;
	v32 =	vor.u32 s21, v63;
	v11 =	vmul.f32 v11, v38;
	v16 =	vor.u32 s16, v61;
	v9 =	vld [tilespmem:$0x1FB60]  }
0x28b: {  	v22 =	vadd.f32 v18, v12;
	v10 =	vadd.f32 v24, v10;
	v18 =	vmul.f32 v23, v57;
	[tilespmem:$0x1FAB0] =	vst v5;
	v5 =	vld [tilespmem:$0x1FAC0]  }
0x28c: {  	[tilespmem:$0x1FBF0] =	vst v61;
	v11 =	vadd.f32 $0.0e+00, v11;
	v42 =	vmul.f32 v31, v42;
	v53 =	vld.idx.msk [tilespmem:v0+s19+$0x0], $0xffff;
	v6 =	vmul.f32 v56, v6  }
0x28d: {  	(xrf2) =	vadd.scan.msk.f32 $0xffff, v3;
	v56 =	vor.u32 s9, v30;
	v44 =	vld.idx.msk [tilespmem:v13+s17+$0x0], $0xffff;
	v10 =	vadd.f32 v18, v10;
	v18 =	vmul.f32 v46, v59  }
0x28e: {  	[tilespmem:$0x1FBB0] =	vst v57;
	v0 =	vor.u32 s9, v63;
	v48 =	vld.idx.msk [tilespmem:v13+s19+$0x0], $0xffff;
	v54 =	vmul.f32 v54, v20;
	v3 =	vmul.f32 v55, v33  }
0x28f: {  	[tilespmem:$0x1FBD0] =	vst v59;
	v12 =	vld.idx.msk [tilespmem:v16+s17+$0x0], $0xffff;
	v55 =	vor.u32 s20, v30;
	v9 =	vmul.f32 v9, v8;
	v8 =	vor.u32 s24, v63  }
0x290: {  	v13 =	vld.idx.msk [tilespmem:v16+s19+$0x0], $0xffff;
	v16 =	vmul.f32 v27, v59;
	v5 =	vmul.f32 v52, v5;
	[tilespmem:$0x1FB70] =	vst v8;
	v8 =	vor.u32 s20, v61  }
0x291: {  	[tilespmem:$0x1FBA0] =	vst v38;
	v20 =	vld.idx.msk [tilespmem:v17+s17+$0x0], $0xffff;
	v62 =	vor.u32 s13, v7;
	v52 =	vmul.f32 v41, v59;
	v41 =	vmul.f32 v2, v29;
	s24 =	simm.s32 $0x440  }
0x292: {  	(xrf2) =	vadd.scan.msk.f32 $0xffff, v50;
	v47 =	vld.idx.msk [tilespmem:v56+s17+$0x0], $0xffff;
	v2 =	vmul.f32 v42, v38;
	v3 =	vadd.f32 v3, v11;
	v25 =	vor.u32 s24, v7  }
0x293: {  	v51 =	vld.idx.msk [tilespmem:v56+s19+$0x0], $0xffff;
	v11 =	vmul.f32 v15, v57;
	v15 =	vmul.f32 v19, v28;
	v19 =	vadd.f32 v16, v10  }
0x294: {  	(xrf2) =	vadd.scan.msk.f32 $0xffff, v22;
	v10 =	vmul.f32 v58, v59;
	v16 =	vmul.f32 v60, v57;
	v28 =	vor.u32 s22, v61;
	v22 =	vld.idx.msk [tilespmem:v55+s17+$0x0], $0xffff  }
0x295: {  	[tilespmem:$0x1FB90] =	vst v0;
	v58 =	vadd.f32 $0.0e+00, v2;
	v56 =	vadd.f32 v11, v3;
	v3 =	vmul.f32 v15, v59;
	v0 =	vld.idx.msk [tilespmem:v8+s17+$0x0], $0xffff  }
0x296: {  	[tilespmem:$0x1FBC0] =	vst v33;
	v60 =	vor.u32 s22, v30;
	v17 =	vmul.f32 v14, v57;
	v57 =	vmul.f32 v1, v33;
	v11 =	vld.idx.msk [tilespmem:v8+s19+$0x0], $0xffff  }
0x297: {  	s21 =	simm.s32 $0x2F;
	s13 =	simm.s32 $0x10C90;
	(xrf2) =	vadd.scan.msk.f32 $0xffff, v19;
	v1, _, _ =	vpop (xrf2);
	v59 =	vor.u32 s24, v63;
	v42 =	vor.u32 s24, v61;
	v15 =	vor.u32 s24, v30;
	v50 =	vld.idx.msk [tilespmem:v25+s17+$0x0], $0xffff  }
.LBB2_2:
0x298: {  	v2 =	vld.idx.msk [tilespmem:v55+s19+$0x0], $0xffff  }
0x299: {  	v38 =	vld [tilespmem:$0x1FBA0]  }
0x29a: {  	v7 =	vld [tilespmem:$0x1FA80]  }
0x29b: {  	v61 =	vld.idx.msk [tilespmem:v28+s17+$0x0], $0xffff  }
0x29c: {  	v8 =	vld [tilespmem:$0x1FA70]  }
0x29d: {  	v63 =	vld.idx.msk [tilespmem:v60+s19+$0x0], $0xffff  }
0x29e: {  	v46 =	vld [tilespmem:$0x1FBC0]  }
0x29f: {  	v40 =	vadd.f32 v52, v56;
	v56 =	vld.idx.msk [tilespmem:v60+s17+$0x0], $0xffff  }
0x2a0: {  	v36 =	vmul.f32 v39, v36;
	v12 =	vmul.f32 v13, v12;
	v23 =	vadd.f32 v57, v58;
	v57 =	vld.idx.msk [tilespmem:v15+s17+$0x0], $0xffff  }
0x2a1: {  	v19 =	vmul.f32 v54, v38;
	v33 =	vmul.f32 v34, v7;
	v7 =	vld [tilespmem:$0x1FA90]  }
0x2a2: {  	v15 =	vld.idx.msk [tilespmem:v15+s19+$0x0], $0xffff;
	v17 =	vadd.f32 v17, v23;
	v20 =	vmul.f32 v21, v20;
	v2 =	vmul.f32 v2, v22  }
0x2a3: {  	v29, _, _ =	vpop (xrf2);
	(xrf2) =	vadd.scan.msk.f32 $0xffff, v40;
	v40 =	vld [tilespmem:$0x1FBB0];
	v11 =	vmul.f32 v11, v0;
	v19 =	vadd.f32 $0.0e+00, v19;
	v33 =	vmul.f32 v33, v46  }
0x2a4: {  	v21 =	vld.idx.msk [tilespmem:v28+s19+$0x0], $0xffff;
	v58 =	vmul.f32 v53, v49;
	v2 =	vmul.f32 v2, v38  }
0x2a5: {  	v13 =	vadd.f32 v18, v17;
	v22 =	vld.idx.msk [tilespmem:v25+s19+$0x0], $0xffff;
	v20 =	vmul.f32 v20, v38;
	v19 =	vadd.f32 v33, v19  }
0x2a6: {  	v11 =	vmul.f32 v11, v46;
	v23 =	vadd.f32 $0.0e+00, v2;
	v35 =	vmul.f32 v35, v7;
	v7 =	vld [tilespmem:$0x1FA60]  }
0x2a7: {  	v18 =	vld.idx.msk [tilespmem:v42+s17+$0x0], $0xffff;
	v12 =	vmul.f32 v12, v46;
	v16 =	vadd.f32 v16, v19;
	v19 =	vmul.f32 v48, v44  }
0x2a8: {  	v15 =	vmul.f32 v15, v57;
	v20 =	vadd.f32 $0.0e+00, v20;
	v11 =	vadd.f32 v11, v23;
	v23 =	vld [tilespmem:$0x1FB90]  }
0x2a9: {  	v30, _, _ =	vpop (xrf2);
	v36 =	vmul.f32 v36, v40;
	(xrf2) =	vadd.scan.msk.f32 $0xffff, v13;
	v13 =	vld.idx.msk [tilespmem:v42+s19+$0x0], $0xffff;
	v19 =	vmul.f32 v19, v40  }
0x2aa: {  	v31 =	vld [tilespmem:$0x1FBD0];
	v12 =	vadd.f32 v12, v20;
	v10 =	vadd.f32 v10, v16;
	v16 =	vmul.f32 v63, v56  }
0x2ab: {  	v8 =	vmul.f32 v8, v7;
	v11 =	vadd.f32 v19, v11;
	v19 =	vmul.f32 v22, v50;
	v22 =	vld [tilespmem:$0x1FB70]  }
0x2ac: {  	v0, _, _ =	vpop (xrf2);
	v7 =	vld [tilespmem:$0x1FAD0];
	(xrf2) =	vadd.scan.msk.f32 $0xffff, v10;
	v10 =	vmul.f32 v16, v38;
	v16 =	vmul.f32 v21, v61  }
0x2ad: {  	v28 =	vld.idx.msk [tilespmem:v59+s19+$0x0], $0xffff;
	v17 =	vmul.f32 v45, v43;
	v15 =	vmul.f32 v15, v38;
	v12 =	vadd.f32 v36, v12  }
0x2ae: {  	v13 =	vmul.f32 v13, v18;
	v21 =	vld.idx.msk [tilespmem:v59+s17+$0x0], $0xffff;
	v10 =	vadd.f32 $0.0e+00, v10;
	v16 =	vmul.f32 v16, v46  }
0x2af: {  	v20 =	vmul.f32 v51, v47;
	v35 =	vmul.f32 v35, v31;
	v3 =	vadd.f32 v3, v12  }
0x2b0: {  	v13 =	vmul.f32 v13, v46;
	v12 =	vld.idx.msk [tilespmem:v23+s17+$0x0], $0xffff;
	v10 =	vadd.f32 v16, v10;
	v16 =	vmul.f32 v58, v40  }
0x2b1: {  	v2, _, _ =	vpop (xrf2);
	(xrf2) =	vadd.scan.msk.f32 $0xffff, v3;
	v3 =	vadd.f32 $0.0e+00, v15;
	v11 =	vadd.f32 v35, v11;
	v18 =	vld.idx.msk [tilespmem:v23+s19+$0x0], $0xffff;
	v14 =	vmul.f32 v37, v7  }
0x2b2: {  	v10 =	vadd.f32 v16, v10;
	v16 =	vmul.f32 v17, v31;
	v17 =	vmul.f32 v20, v38  }
0x2b3: {  	v3 =	vadd.f32 v13, v3;
	v13 =	vmul.f32 v19, v40;
	v19 =	vmul.f32 v28, v21;
	v15 =	vld.idx.msk [tilespmem:v22+s17+$0x0], $0xffff  }
0x2b4: {  	v20 =	vld.idx.msk [tilespmem:v22+s19+$0x0], $0xffff;
	v22, _, _ =	vpop (xrf2);
	(xrf2) =	vadd.scan.msk.f32 $0xffff, v11;
	v10 =	vadd.f32 v16, v10;
	v11 =	vadd.f32 $0.0e+00, v17;
	v16 =	vmul.f32 v14, v46  }
0x2b5: {  	v3 =	vadd.f32 v13, v3;
	v13 =	vmul.f32 v19, v31  }
0x2b6: {  	v12 =	vmul.f32 v18, v12;
	v11 =	vadd.f32 v16, v11;
	v16 =	vmul.f32 v8, v40;
	_ =	sdelay $0x1  }
0x2b7: {  	v3 =	vadd.f32 v13, v3;
	v12 =	vmul.f32 v12, v31;
	v11 =	vadd.f32 v16, v11  }
0x2b8: {  	v23, _, _ =	vpop (xrf2);
	(xrf2) =	vadd.scan.msk.f32 $0xffff, v10  }
0x2b9: {  	(xrf2) =	vadd.scan.msk.f32 $0xffff, v3;
	v3 =	vadd.f32 v12, v11;
	v12 =	vmul.f32 v4, v46;
	v4 =	vld [tilespmem:$0x1FA40];
	_ =	sdelay $0x2  }
0x2ba: {  	v5 =	vmul.f32 v5, v38;
	_ =	sdelay $0x1  }
0x2bb: {  	v11 =	vadd.f32 $0.0e+00, v5;
	v5 =	vmul.f32 v4, v38;
	v4 =	vld [tilespmem:$0x1FAA0];
	_ =	sdelay $0x7  }
0x2bc: {  	v15 =	vmul.f32 v20, v15;
	v20 =	vld.idx.msk [tilespmem:v4+s19+$0x0], $0xffff  }
0x2bd: {  	v4 =	vld [tilespmem:$0x1FA50];
	_ =	sdelay $0x1  }
0x2be: {  	v19 =	vmul.f32 v41, v38;
	_ =	sdelay $0x1  }
0x2bf: {  	v13 =	vmul.f32 v9, v46;
	v10 =	vadd.f32 $0.0e+00, v19;
	v8 =	vld [tilespmem:$0x1FB20]  }
0x2c0: {  	v11 =	vadd.f32 v12, v11;
	v12 =	vmul.f32 v4, v40;
	v4 =	vld [tilespmem:$0x1FA30]  }
0x2c1: {  	v10 =	vadd.f32 v13, v10;
	v13 =	vmul.f32 v6, v40;
	_ =	sdelay $0x1  }
0x2c2: {  	v10 =	vadd.f32 v13, v10;
	v13 =	vmul.f32 v15, v31;
	_ =	sdelay $0x1  }
0x2c3: {  	v16, _, _ =	vpop (xrf2);
	(xrf2) =	vadd.scan.msk.f32 $0xffff, v3;
	v3 =	vadd.f32 v13, v10;
	v13 =	vmul.f32 v4, v46;
	v4 =	vld [tilespmem:$0x1FA20]  }
0x2c4: {  	v21 =	vld.idx.msk [tilespmem:v32+s19+$0x0], $0xffff  }
0x2c5: {  	v17 =	vld.idx.msk [tilespmem:v32+s17+$0x0], $0xffff  }
0x2c6: {  	v18 =	vld.idx.msk [tilespmem:v8+s17+$0x0], $0xffff;
	v10 =	vadd.f32 $0.0e+00, v5  }
0x2c7: {  	v19 =	vld.idx.msk [tilespmem:v8+s19+$0x0], $0xffff  }
0x2c8: {  	v10 =	vadd.f32 v13, v10;
	v13 =	vmul.f32 v4, v40;
	v4 =	vld [tilespmem:$0x1FA00];
	_ =	sdelay $0x1  }
0x2c9: {  	v17 =	vmul.f32 v21, v17;
	_ =	sdelay $0x1  }
0x2ca: {  	v11 =	vadd.f32 v12, v11;
	v12 =	vmul.f32 v17, v31  }
0x2cb: {  	v17 =	vmul.f32 v19, v18;
	v18 =	vmul.f32 v4, v38;
	v4 =	vld [tilespmem:$0x1F9E0];
	_ =	sdelay $0x1  }
0x2cc: {  	v7 =	vld.idx.msk [tilespmem:v62+s17+$0x0], $0xffff  }
0x2cd: {  	v14 =	vld.idx.msk [tilespmem:v62+s19+$0x0], $0xffff;
	_ =	sdelay $0x1  }
0x2ce: {  	v15, _, _ =	vpop (xrf2);
	(xrf2) =	vadd.scan.msk.f32 $0xffff, v3;
	v3 =	vadd.f32 v12, v11;
	v11 =	vmul.f32 v4, v46;
	v4 =	vld [tilespmem:$0x1FAB0];
	_ =	sdelay $0x1  }
0x2cf: {  	v10 =	vadd.f32 v13, v10;
	v13 =	vmul.f32 v17, v31  }
0x2d0: {  	v5 =	vmul.f32 v14, v7;
	v17 =	vadd.f32 $0.0e+00, v18  }
0x2d1: {  	v14, _, _ =	vpop (xrf2);
	(xrf2) =	vadd.scan.msk.f32 $0xffff, v3;
	v3 =	vadd.f32 v13, v10  }
0x2d2: {  	v12, _, _ =	vpop (xrf2);
	v10 =	vadd.f32 v11, v17;
	v11 =	vmul.f32 v5, v40;
	v18 =	vmul.f32 v20, v4  }
0x2d3: {  	v12 =	vbroadcast v12, $0xF;
	v4 =	vbroadcast v14, $0xF  }
0x2d4: {  	(xrf2) =	vadd.scan.msk.f32 $0xffff, v3;
	v10 =	vadd.f32 v11, v10;
	v14 =	vbroadcast v15, $0xF;
	v11 =	vmul.f32 v18, v31  }
0x2d5: {  	v13, _, _ =	vpop (xrf2);
	v3 =	vsel vm0, v4, v12;
	v12 =	vbroadcast v16, $0xF  }
0x2d6: {  	v4 =	vbroadcast v13, $0xF;
	v3 =	vsel vm1, v3, v14;
	v10 =	vadd.f32 v11, v10  }
0x2d7: {  	v3 =	vsel vm2, v3, v12;
	v11 =	vbroadcast v23, $0xF  }
0x2d8: {  	v13, _, _ =	vpop (xrf2);
	v12 =	vbroadcast v22, $0xF;
	v3 =	vsel vm3, v3, v4;
	(xrf2) =	vadd.scan.msk.f32 $0xffff, v10  }
0x2d9: {  	v4 =	vbroadcast v13, $0xF;
	v3 =	vsel vm4, v3, v11  }
0x2da: {  	v2 =	vbroadcast v2, $0xF;
	v3 =	vsel vm5, v3, v12  }
0x2db: {  	v0 =	vbroadcast v0, $0xF;
	v3 =	vsel vm6, v3, v4;
	v10, _, _ =	vpop (xrf2)  }
0x2dc: {  	v2 =	vsel vm7, v3, v2;
	v3 =	vbroadcast v10, $0xF  }
0x2dd: {  	v0 =	vsel vm8, v2, v0;
	v2 =	vbroadcast v30, $0xF  }
0x2de: {  	s0 =	sadd.s32 $0x10, s0;
	v10, _, _ =	vpop (xrf2);
	v0 =	vsel vm9, v0, v3;
	v3 =	vbroadcast v29, $0xF  }
0x2df: {  	v0 =	vsel vm10, v0, v2;
	v2 =	vbroadcast v10, $0xF;
	v10 =	vld [tilespmem:s0+$0x0]  }
0x2e0: {  	s31 =	sadd.s32 $0x10, s31;
	v0 =	vsel vm11, v0, v3;
	v3 =	vbroadcast v1, $0xF  }
0x2e1: {  	v0 =	vsel vm12, v0, v2;
	v2 =	vld [tilespmem:s31+$0x0]  }
0x2e2: {  	v0 =	vsel vm13, v0, v3;
	v1, _, _ =	vpop (xrf2)  }
0x2e3: {  	v0 =	vsel vm14, v0, v1;
	v1 =	vld [tilespmem:$0x1F9A0]  }
0x2e4: {  	v0 =	vadd.f32 v0, v10;
	_ =	sdelay $0x1  }
0x2e5: {  	v0 =	vadd.f32 v0, v2;
	_ =	sdelay $0x1  }
0x2e6: {  	v0 =	vadd.f32 v0, v1;
	_ =	sdelay $0x1  }
0x2e7: {  	v0 =	vsub.f32 $0.0e+00, v0;
	_ =	sdelay $0x1  }
0x2e8: {  	v0 =	vmul.f32 $1.442695020e+00, v0;
	_ =	sdelay $0x1  }
0x2e9: {  	(erf) = vpow2.f32 v0;
	_ =	sdelay $0x8  }
0x2ea: {  	v0 =	vpop (erf)  }
0x2eb: {  	v0 =	vadd.f32 $1.000000000e+00, v0;
	_ =	sdelay $0x1  }
0x2ec: {  	(erf) = vrcp.f32 v0  }
0x2ed: {  	v5 =	vld [tilespmem:$0x1FBE0];
	_ =	sdelay $0x3  }
0x2ee: {  	s23 =	sshll.u32 s21, $0x6  }
0x2ef: {  	v27 =	vld [tilespmem:$0x1FBF0];
	v3 =	vor.u32 s23, v5;
	_ =	sdelay $0x1  }
0x2f0: {  	s8 =	sadd.s32 $0xFFFFFFC0, s23;
	v14 =	vld [tilespmem:$0x1FB80]  }
0x2f1: {  	s13 =	sadd.s32 $0x10, s13;
	v0 =	vor.u32 s8, v5;
	v2 =	vpop (erf)  }
0x2f2: {  	[tilespmem:s13+$0x0] =	vst v2  }
0x2f3: {  	[tilespmem:$0x1FAA0] =	vst v3;
	v1 =	vor.u32 s23, v27;
	v3 =	vld.idx.msk [tilespmem:v3+s17+$0x0], $0xffff;
	_ =	sdelay $0x1  }
0x2f4: {  	v2 =	vor.u32 s8, v14  }
0x2f5: {  	v33 =	vlaneseq.u32;
	v8 =	vld.idx.msk [tilespmem:v0+s17+$0x0], $0xffff  }
0x2f6: {  	s18 =	sadd.s32 $0xFFFFFF40, s23;
	v9 =	vld.idx.msk [tilespmem:v0+s19+$0x0], $0xffff;
	v0 =	vor.u32 s23, v33  }
0x2f7: {  	v25 =	vld.idx.msk [tilespmem:v1+s17+$0x0], $0xffff;
	[tilespmem:$0x1FAB0] =	vst v3;
	v3 =	vor.u32 s18, v5  }
0x2f8: {  	s24 =	sadd.s32 $0xFFFFFF80, s23;
	v26 =	vld.idx.msk [tilespmem:v1+s19+$0x0], $0xffff  }
0x2f9: {  	v1 =	vor.u32 s24, v14;
	v11 =	vld.idx.msk [tilespmem:v2+s17+$0x0], $0xffff  }
0x2fa: {  	v58 =	vld.idx.msk [tilespmem:v2+s19+$0x0], $0xffff  }
0x2fb: {  	v59 =	vld.idx.msk [tilespmem:v0+s17+$0x0], $0xffff  }
0x2fc: {  	v23 =	vld.idx.msk [tilespmem:v3+s17+$0x0], $0xffff  }
0x2fd: {  	v29 =	vld.idx.msk [tilespmem:v3+s19+$0x0], $0xffff  }
0x2fe: {  	v3 =	vld.idx.msk [tilespmem:v1+s17+$0x0], $0xffff  }
0x2ff: {  	v2 =	vor.u32 s8, v27;
	v1 =	vld.idx.msk [tilespmem:v1+s19+$0x0], $0xffff  }
0x300: {  	v0 =	vld.idx.msk [tilespmem:v0+s19+$0x0], $0xffff;
	_ =	sdelay $0x3  }
0x301: {  	s7 =	sadd.s32 $0xFFFFFF00, s23;
	[tilespmem:$0x1F690] =	vst v1;
	v1 =	vld.idx.msk [tilespmem:v2+s17+$0x0], $0xffff  }
0x302: {  	[tilespmem:$0x1F650] =	vst v0;
	v0 =	vor.u32 s7, v5;
	_ =	sdelay $0x1  }
0x303: {  	[tilespmem:$0x1F680] =	vst v3;
	v3 =	vor.u32 s18, v14;
	_ =	sdelay $0x1  }
0x304: {  	v28 =	vld.idx.msk [tilespmem:v2+s19+$0x0], $0xffff;
	[tilespmem:$0x1F660] =	vst v1;
	v1 =	vor.u32 s24, v27  }
0x305: {  	v34 =	vld.idx.msk [tilespmem:v0+s17+$0x0], $0xffff  }
0x306: {  	v42 =	vld.idx.msk [tilespmem:v0+s19+$0x0], $0xffff  }
0x307: {  	v2 =	vld.idx.msk [tilespmem:v3+s17+$0x0], $0xffff  }
0x308: {  	v24 =	vld.idx.msk [tilespmem:v3+s19+$0x0], $0xffff  }
0x309: {  	v3 =	vld.idx.msk [tilespmem:v1+s17+$0x0], $0xffff  }
0x30a: {  	v0 =	vor.u32 s8, v33;
	v1 =	vld.idx.msk [tilespmem:v1+s19+$0x0], $0xffff;
	_ =	sdelay $0x4  }
0x30b: {  	[tilespmem:$0x1F6D0] =	vst v1;
	v1 =	vld.idx.msk [tilespmem:v0+s17+$0x0], $0xffff  }
0x30c: {  	[tilespmem:$0x1F670] =	vst v2;
	v2 =	vor.u32 s7, v14;
	_ =	sdelay $0x1  }
0x30d: {  	[tilespmem:$0x1F6C0] =	vst v3;
	v3 =	vor.u32 s18, v27;
	_ =	sdelay $0x1  }
0x30e: {  	v37 =	vld.idx.msk [tilespmem:v0+s19+$0x0], $0xffff;
	[tilespmem:$0x1F6A0] =	vst v1;
	v1 =	vor.u32 s24, v33  }
0x30f: {  	v0 =	vld.idx.msk [tilespmem:v2+s17+$0x0], $0xffff  }
0x310: {  	v35 =	vld.idx.msk [tilespmem:v2+s19+$0x0], $0xffff  }
0x311: {  	v39 =	vld.idx.msk [tilespmem:v3+s17+$0x0], $0xffff  }
0x312: {  	v55 =	vld.idx.msk [tilespmem:v3+s19+$0x0], $0xffff  }
0x313: {  	s16 =	sadd.s32 $0xFFFFFEC0, s23;
	v3 =	vld.idx.msk [tilespmem:v1+s17+$0x0], $0xffff  }
0x314: {  	v2 =	vor.u32 s16, v14;
	v1 =	vld.idx.msk [tilespmem:v1+s19+$0x0], $0xffff;
	_ =	sdelay $0x4  }
0x315: {  	[tilespmem:$0x1F6F0] =	vst v1;
	v1 =	vld.idx.msk [tilespmem:v2+s17+$0x0], $0xffff  }
0x316: {  	s9 =	sadd.s32 $0xFFFFFE80, s23;
	[tilespmem:$0x1F6E0] =	vst v3;
	v3 =	vor.u32 s7, v27;
	v2 =	vld.idx.msk [tilespmem:v2+s19+$0x0], $0xffff  }
0x317: {  	[tilespmem:$0x1F6B0] =	vst v0;
	v0 =	vor.u32 s9, v5;
	_ =	sdelay $0x3  }
0x318: {  	[tilespmem:$0x1F710] =	vst v2;
	v2 =	vld.idx.msk [tilespmem:v3+s17+$0x0], $0xffff  }
0x319: {  	v60 =	vld.idx.msk [tilespmem:v0+s17+$0x0], $0xffff  }
0x31a: {  	s20 =	sadd.s32 $0xFFFFFE40, s23;
	v36 =	vld.idx.msk [tilespmem:v0+s19+$0x0], $0xffff;
	v0 =	vor.u32 s18, v33  }
0x31b: {  	[tilespmem:$0x1F700] =	vst v1;
	v1 =	vor.u32 s20, v5;
	_ =	sdelay $0x1  }
0x31c: {  	[tilespmem:$0x1F720] =	vst v2;
	v2 =	vor.u32 s9, v14  }
0x31d: {  	v3 =	vld.idx.msk [tilespmem:v3+s19+$0x0], $0xffff  }
0x31e: {  	v32 =	vld.idx.msk [tilespmem:v0+s17+$0x0], $0xffff  }
0x31f: {  	v45 =	vld.idx.msk [tilespmem:v1+s17+$0x0], $0xffff  }
0x320: {  	v43 =	vld.idx.msk [tilespmem:v1+s19+$0x0], $0xffff  }
0x321: {  	v1 =	vld.idx.msk [tilespmem:v2+s17+$0x0], $0xffff  }
0x322: {  	[tilespmem:$0x1F730] =	vst v3;
	v3 =	vor.u32 s16, v27;
	v2 =	vld.idx.msk [tilespmem:v2+s19+$0x0], $0xffff  }
0x323: {  	v15 =	vld.idx.msk [tilespmem:v0+s19+$0x0], $0xffff;
	v0 =	vor.u32 s7, v33;
	_ =	sdelay $0x3  }
0x324: {  	[tilespmem:$0x1F750] =	vst v2;
	v2 =	vld.idx.msk [tilespmem:v3+s17+$0x0], $0xffff  }
0x325: {  	v52 =	vld.idx.msk [tilespmem:v0+s17+$0x0], $0xffff  }
0x326: {  	s7 =	sadd.s32 $0xFFFFFDC0, s23;
	v3 =	vld.idx.msk [tilespmem:v3+s19+$0x0], $0xffff  }
0x327: {  	v12 =	vld.idx.msk [tilespmem:v0+s19+$0x0], $0xffff;
	v0 =	vor.u32 s7, v5  }
0x328: {  	[tilespmem:$0x1F740] =	vst v1;
	v1 =	vor.u32 s20, v14  }
0x329: {  	[tilespmem:$0x1F760] =	vst v2;
	v2 =	vor.u32 s9, v27;
	_ =	sdelay $0x1  }
0x32a: {  	[tilespmem:$0x1F770] =	vst v3;
	v3 =	vor.u32 s16, v33  }
0x32b: {  	v13 =	vld.idx.msk [tilespmem:v0+s17+$0x0], $0xffff  }
0x32c: {  	v44 =	vld.idx.msk [tilespmem:v1+s17+$0x0], $0xffff  }
0x32d: {  	v48 =	vld.idx.msk [tilespmem:v2+s17+$0x0], $0xffff  }
0x32e: {  	v47 =	vld.idx.msk [tilespmem:v2+s19+$0x0], $0xffff  }
0x32f: {  	v2 =	vld.idx.msk [tilespmem:v3+s17+$0x0], $0xffff  }
0x330: {  	s22 =	sadd.s32 $0xFFFFFE00, s23;
	v20 =	vld.idx.msk [tilespmem:v1+s19+$0x0], $0xffff  }
0x331: {  	v1 =	vor.u32 s22, v14;
	v3 =	vld.idx.msk [tilespmem:v3+s19+$0x0], $0xffff  }
0x332: {  	v18 =	vld.idx.msk [tilespmem:v0+s19+$0x0], $0xffff;
	v0 =	vor.u32 s9, v33;
	_ =	sdelay $0x1  }
0x333: {  	[tilespmem:$0x1F780] =	vst v2;
	v2 =	vor.u32 s20, v27;
	_ =	sdelay $0x1  }
0x334: {  	[tilespmem:$0x1F790] =	vst v3;
	v3 =	vld.idx.msk [tilespmem:v1+s17+$0x0], $0xffff  }
0x335: {  	v54 =	vld.idx.msk [tilespmem:v0+s17+$0x0], $0xffff  }
0x336: {  	v51 =	vld.idx.msk [tilespmem:v1+s19+$0x0], $0xffff  }
0x337: {  	v1 =	vld.idx.msk [tilespmem:v2+s17+$0x0], $0xffff  }
0x338: {  	s18 =	sadd.s32 $0xFFFFFD80, s23;
	v56 =	vld.idx.msk [tilespmem:v0+s19+$0x0], $0xffff;
	v0 =	vor.u32 s20, v33  }
0x339: {  	[tilespmem:$0x1F7A0] =	vst v3;
	v3 =	vor.u32 s18, v5;
	v2 =	vld.idx.msk [tilespmem:v2+s19+$0x0], $0xffff;
	_ =	sdelay $0x2  }
0x33a: {  	[tilespmem:$0x1F7B0] =	vst v1;
	v1 =	vor.u32 s7, v14  }
0x33b: {  	v57 =	vld.idx.msk [tilespmem:v0+s17+$0x0], $0xffff  }
0x33c: {  	[tilespmem:$0x1F7C0] =	vst v2;
	v2 =	vor.u32 s22, v27;
	v50 =	vld.idx.msk [tilespmem:v3+s17+$0x0], $0xffff  }
0x33d: {  	v49 =	vld.idx.msk [tilespmem:v3+s19+$0x0], $0xffff;
	v3 =	vor.u32 s18, v14  }
0x33e: {  	v17 =	vld.idx.msk [tilespmem:v0+s19+$0x0], $0xffff  }
0x33f: {  	s9 =	sadd.s32 $0xFFFFFD40, s23;
	v53 =	vld.idx.msk [tilespmem:v1+s17+$0x0], $0xffff  }
0x340: {  	v62 =	vor.u32 s9, v14;
	v22 =	vld.idx.msk [tilespmem:v1+s19+$0x0], $0xffff  }
0x341: {  	v1 =	vld.idx.msk [tilespmem:v2+s17+$0x0], $0xffff  }
0x342: {  	v0 =	vld.idx.msk [tilespmem:v3+s17+$0x0], $0xffff  }
0x343: {  	v21 =	vld.idx.msk [tilespmem:v3+s19+$0x0], $0xffff;
	v3 =	vmul.f32 v26, v25;
	_ =	sdelay $0x1  }
0x344: {  	[tilespmem:$0x1F9E0] =	vst v3;
	v3 =	vld.idx.msk [tilespmem:v62+s17+$0x0], $0xffff  }
0x345: {  	[tilespmem:$0x1F7E0] =	vst v1  }
0x346: {  	v19 =	vor.u32 s7, v27;
	[tilespmem:$0x1F7D0] =	vst v0;
	v0 =	vor.u32 s24, v5  }
0x347: {  	[tilespmem:$0x1FB20] =	vst v0;
	v0 =	vor.u32 s23, v14  }
0x348: {  	[tilespmem:$0x1F810] =	vst v0  }
0x349: {  	v1 =	vld.idx.msk [tilespmem:v2+s19+$0x0], $0xffff;
	v0 =	vor.u32 s22, v5;
	[tilespmem:$0x1FA60] =	vst v3  }
0x34a: {  	v3 =	vld [tilespmem:$0x1F650];
	[tilespmem:$0x1FB70] =	vst v0;
	v0 =	vor.u32 s9, v5  }
0x34b: {  	v2 =	vor.u32 s22, v33;
	[tilespmem:$0x1FB90] =	vst v0;
	v0 =	vld.idx.msk [tilespmem:v19+s17+$0x0], $0xffff;
	_ =	sdelay $0x3  }
0x34c: {  	v3 =	vmul.f32 v3, v59  }
0x34d: {  	[tilespmem:$0x1F800] =	vst v0;
	v0 =	vld.idx.msk [tilespmem:v2+s17+$0x0], $0xffff  }
0x34e: {  	[tilespmem:$0x1FA00] =	vst v3;
	v3 =	vld.idx.msk [tilespmem:v62+s19+$0x0], $0xffff;
	_ =	sdelay $0x3  }
0x34f: {  	[tilespmem:$0x1F820] =	vst v0;
	v0 =	vld.idx.msk [tilespmem:v2+s19+$0x0], $0xffff  }
0x350: {  	v7 =	vor.u32 s18, v27;
	[tilespmem:$0x1FA70] =	vst v3;
	v3 =	vld [tilespmem:$0x1F660]  }
0x351: {  	s8 =	sadd.s32 $0xFFFFFCC0, s23  }
0x352: {  	v10 =	vor.u32 s16, v5;
	v63 =	vor.u32 s8, v5;
	s20 =	sadd.s32 $0xFFFFFD00, s23;
	s22 =	sadd.s32 $0xFFFFFC40, s23  }
0x353: {  	v6 =	vor.u32 s8, v14;
	v61 =	vor.u32 s20, v5;
	s23 =	sadd.s32 $0xFFFFFC80, s23;
	v4 =	vor.u32 s22, v5  }
0x354: {  	v16 =	vor.u32 s23, v5;
	v5 =	vor.u32 s20, v14;
	[tilespmem:$0x1F7F0] =	vst v1;
	v1 =	vor.u32 s22, v14  }
0x355: {  	[tilespmem:$0x1F830] =	vst v0;
	v0 =	vmul.f32 v58, v11;
	v11 =	vor.u32 s23, v14;
	v14 =	vmul.f32 v28, v3;
	v3 =	vld.idx.msk [tilespmem:v7+s17+$0x0], $0xffff;
	_ =	sdelay $0x4  }
0x356: {  	[tilespmem:$0x1FA80] =	vst v3;
	v3 =	vld [tilespmem:$0x1F670];
	_ =	sdelay $0x3  }
0x357: {  	v28 =	vld [tilespmem:$0x1F690]  }
0x358: {  	v24 =	vmul.f32 v24, v3;
	v3 =	vld [tilespmem:$0x1F680];
	_ =	sdelay $0x1  }
0x359: {  	v30 =	vmul.f32 v9, v8;
	v42 =	vmul.f32 v42, v34  }
0x35a: {  	v34 =	vld.idx.msk [tilespmem:v7+s19+$0x0], $0xffff;
	v8 =	vor.u32 s9, v27;
	v26 =	vor.u32 s20, v27  }
0x35b: {  	v62 =	vor.u32 s8, v27;
	v2 =	vmul.f32 v30, v31;
	v30 =	vld [tilespmem:$0x1F6A0];
	v7 =	vmul.f32 v42, v31  }
0x35c: {  	v42 =	vor.u32 s23, v27;
	v3 =	vmul.f32 v28, v3;
	v28 =	vor.u32 s22, v27;
	v27 =	vld [tilespmem:$0x1F6B0];
	_ =	sdelay $0x3  }
0x35d: {  	v37 =	vmul.f32 v37, v30;
	v30 =	vld [tilespmem:$0x1F6D0]  }
0x35e: {  	v59 =	vmul.f32 v35, v27;
	v27 =	vld [tilespmem:$0x1F6C0];
	_ =	sdelay $0x4  }
0x35f: {  	v27 =	vmul.f32 v30, v27;
	_ =	sdelay $0x1  }
0x360: {  	[tilespmem:$0x1FA30] =	vst v27;
	v27 =	vld.idx.msk [tilespmem:v63+s17+$0x0], $0xffff  }
0x361: {  	v35 =	vld.idx.msk [tilespmem:v63+s19+$0x0], $0xffff  }
0x362: {  	v30 =	vmul.f32 v37, v38;
	v37 =	vld [tilespmem:$0x1F6E0]  }
0x363: {  	v39 =	vmul.f32 v55, v39;
	v63 =	vmul.f32 v36, v60;
	v60 =	vld [tilespmem:$0x1F6F0]  }
0x364: {  	v36 =	vld.idx.msk [tilespmem:v5+s17+$0x0], $0xffff  }
0x365: {  	[tilespmem:$0x1FA90] =	vst v27;
	v27 =	vmul.f32 v39, v46;
	v39 =	vld.idx.msk [tilespmem:v5+s19+$0x0], $0xffff  }
0x366: {  	v5 =	vmul.f32 v15, v32;
	v15 =	vld.idx.msk [tilespmem:v8+s17+$0x0], $0xffff;
	_ =	sdelay $0x1  }
0x367: {  	v37 =	vmul.f32 v60, v37;
	_ =	sdelay $0x1  }
0x368: {  	[tilespmem:$0x1FA40] =	vst v37;
	v37 =	vld [tilespmem:$0x1F710]  }
0x369: {  	[tilespmem:$0x1FAD0] =	vst v15;
	v15 =	vld [tilespmem:$0x1F700];
	_ =	sdelay $0x2  }
0x36a: {  	v9 =	vor.u32 s7, v33  }
0x36b: {  	v20 =	vmul.f32 v20, v44;
	v44 =	vld.idx.msk [tilespmem:v6+s17+$0x0], $0xffff  }
0x36c: {  	v41 =	vld.idx.msk [tilespmem:v61+s19+$0x0], $0xffff;
	v25 =	vor.u32 s18, v33;
	v15 =	vmul.f32 v37, v15  }
0x36d: {  	v37 =	vld [tilespmem:$0x1F730]  }
0x36e: {  	v14 =	vmul.f32 v14, v46;
	v30 =	vadd.f32 $0.0e+00, v30;
	[tilespmem:$0x1FA50] =	vst v15;
	v15 =	vld [tilespmem:$0x1F720]  }
0x36f: {  	[tilespmem:$0x1FA20] =	vst v3;
	v3 =	vld.idx.msk [tilespmem:v9+s17+$0x0], $0xffff  }
0x370: {  	v0 =	vmul.f32 v0, v40;
	v9 =	vld.idx.msk [tilespmem:v9+s19+$0x0], $0xffff;
	v14 =	vadd.f32 v14, v30  }
0x371: {  	v30 =	vld.idx.msk [tilespmem:v25+s17+$0x0], $0xffff  }
0x372: {  	v0 =	vadd.f32 v0, v14;
	v14 =	vld.idx.msk [tilespmem:v25+s19+$0x0], $0xffff  }
0x373: {  	v32 =	vmul.f32 v37, v15;
	v37 =	vld.idx.msk [tilespmem:v8+s19+$0x0], $0xffff;
	v8 =	vmul.f32 v43, v45  }
0x374: {  	v12 =	vmul.f32 v12, v52;
	v25 =	vld [tilespmem:$0x1F750]  }
0x375: {  	v5 =	vmul.f32 v5, v38;
	v52 =	vmul.f32 v8, v31;
	v8 =	vld [tilespmem:$0x1F740]  }
0x376: {  	v23 =	vmul.f32 v29, v23;
	v19 =	vld.idx.msk [tilespmem:v19+s19+$0x0], $0xffff  }
0x377: {  	v22 =	vmul.f32 v22, v53;
	v53 =	vld.idx.msk [tilespmem:v1+s19+$0x0], $0xffff;
	v0 =	vadd.f32 v2, v0;
	v5 =	vadd.f32 $0.0e+00, v5  }
0x378: {  	v12 =	vmul.f32 v12, v38;
	v58 =	vld.idx.msk [tilespmem:v61+s17+$0x0], $0xffff;
	v24 =	vmul.f32 v24, v40  }
0x379: {  	v3 =	vmul.f32 v9, v3;
	v9 =	vld [tilespmem:$0x1F7F0];
	(xrf2) =	vadd.scan.msk.f32 $0xffff, v0;
	v0 =	vmul.f32 v18, v13;
	v5 =	vadd.f32 v27, v5  }
0x37a: {  	v13 =	vld [tilespmem:$0x1F790];
	v32 =	vmul.f32 v32, v46;
	v8 =	vmul.f32 v25, v8;
	v25 =	vadd.f32 $0.0e+00, v12  }
0x37b: {  	v23 =	vmul.f32 v23, v31;
	v27 =	vmul.f32 v49, v50;
	v49 =	vld.idx.msk [tilespmem:v1+s17+$0x0], $0xffff  }
0x37c: {  	v59 =	vmul.f32 v59, v40;
	v24 =	vadd.f32 v24, v5;
	v5 =	vld [tilespmem:$0x1F780];
	v25 =	vadd.f32 v32, v25  }
0x37d: {  	v43 =	vld.idx.msk [tilespmem:v4+s17+$0x0], $0xffff  }
0x37e: {  	v23 =	vadd.f32 v23, v24;
	v45 =	vld.idx.msk [tilespmem:v4+s19+$0x0], $0xffff;
	v24 =	vadd.f32 v59, v25  }
0x37f: {  	v4 =	vld [tilespmem:$0x1F760]  }
0x380: {  	v2 =	vmul.f32 v8, v40;
	v8 =	vld [tilespmem:$0x1F770];
	v7 =	vadd.f32 v7, v24  }
0x381: {  	v50 =	vld.idx.msk [tilespmem:v11+s17+$0x0], $0xffff;
	(xrf2) =	vadd.scan.msk.f32 $0xffff, v23  }
0x382: {  	(xrf2) =	vadd.scan.msk.f32 $0xffff, v7;
	v7 =	vld [tilespmem:$0x1F7E0]  }
0x383: {  	v32 =	vmov v10;
	v10 =	vmul.f32 v17, v57;
	v17 =	vld [tilespmem:$0x1F7C0]  }
0x384: {  	v5 =	vmul.f32 v13, v5;
	v59 =	vmov v16;
	v16 =	vld [tilespmem:$0x1F7B0]  }
0x385: {  	v13 =	vld.idx.msk [tilespmem:v26+s19+$0x0], $0xffff;
	v4 =	vmul.f32 v8, v4;
	v8 =	vmul.f32 v20, v40  }
0x386: {  	v29 =	vor.u32 s9, v33;
	v20 =	vmul.f32 v47, v48;
	v48 =	vld.idx.msk [tilespmem:v6+s19+$0x0], $0xffff;
	v6 =	vmul.f32 v56, v54  }
0x387: {  	v9 =	vmul.f32 v9, v7;
	v7 =	vld [tilespmem:$0x1F800]  }
0x388: {  	v18 =	vmul.f32 v0, v31;
	v0 =	vmul.f32 v6, v38;
	v6 =	vld [tilespmem:$0x1F7A0]  }
0x389: {  	v12 =	vld.idx.msk [tilespmem:v26+s17+$0x0], $0xffff;
	v23 =	vmul.f32 v10, v38;
	v26 =	vmul.f32 v17, v16  }
0x38a: {  	v61 =	vor.u32 s20, v33;
	v25 =	vmovc v11;
	v11 =	vld.idx.msk [tilespmem:v62+s19+$0x0], $0xffff;
	v20 =	vmul.f32 v20, v46;
	v0 =	vadd.f32 $0.0e+00, v0  }
0x38b: {  	v47 =	vld.idx.msk [tilespmem:v29+s17+$0x0], $0xffff;
	v17 =	vmul.f32 v22, v40;
	v22 =	vadd.f32 $0.0e+00, v23;
	v24 =	vmul.f32 v26, v46  }
0x38c: {  	v20 =	vadd.f32 v20, v0;
	v0 =	vld [tilespmem:$0x1F7D0];
	v7 =	vmul.f32 v19, v7  }
0x38d: {  	v6 =	vmul.f32 v51, v6;
	v51 =	vld.idx.msk [tilespmem:v29+s19+$0x0], $0xffff;
	v19 =	vadd.f32 v24, v22  }
0x38e: {  	v57 =	vmul.f32 v7, v46;
	v7 =	vld [tilespmem:$0x1F820]  }
0x38f: {  	p0 =	sne.s32 s21, $0x1FF;
	v55 =	vor.u32 s8, v33;
	v56 =	vadd.f32 v8, v19;
	v8 =	vld [tilespmem:$0x1F830]  }
.Ltmp0:
0x390: {  	v63 =	vmul.f32 v63, v31;
	v2 =	vadd.f32 v2, v20;
	v20 =	vld.idx.msk [tilespmem:v61+s17+$0x0], $0xffff;
	(pc) =	sbr.rel @p0 .LBB2_2-.Ltmp0, $4  }
0x391: {  	v60 =	vor.u32 s22, v33;
	v23 =	vmul.f32 v41, v58;
	v16 =	vmul.f32 v21, v0;
	v0 =	vld.idx.msk [tilespmem:v62+s17+$0x0], $0xffff  }
0x392: {  	v10 =	vmul.f32 v27, v31;
	v2 =	vadd.f32 v63, v2;
	v21 =	vld.idx.msk [tilespmem:v61+s19+$0x0], $0xffff;
	v24 =	vmul.f32 v3, v38  }
0x393: {  	v15 =	vor.u32 s23, v33;
	v54 =	vmul.f32 v14, v30;
	v62 =	vld [tilespmem:$0x1F810];
	v3 =	vmul.f32 v23, v31  }
0x394: {  	s21 =	sadd.s32 $0x10, s21;
	v1, _, _ =	vpop (xrf2);
	v22 =	vld.idx.msk [tilespmem:v55+s17+$0x0], $0xffff;
	(xrf2) =	vadd.scan.msk.f32 $0xffff, v2;
	v16 =	vmul.f32 v16, v40;
	v58 =	vadd.f32 $0.0e+00, v24;
	v41 =	vmul.f32 v8, v7  }
0x395: {  	_ = 	snop  }
0x396: {  	v2 =	vld [tilespmem:$0x1FA80]  }
0x397: {  	v30 =	vld [tilespmem:$0x1FBA0]  }
0x398: {  	v14 =	vld [tilespmem:$0x1FA90]  }
0x399: {  	v23 =	vld.idx.msk [tilespmem:v55+s19+$0x0], $0xffff  }
0x39a: {  	v24 =	vld [tilespmem:$0x1FA60]  }
0x39b: {  	v38 =	vld [tilespmem:$0x1FA70]  }
0x39c: {  	v40 =	vld.idx.msk [tilespmem:v60+s19+$0x0], $0xffff  }
0x39d: {  	v29 =	vld [tilespmem:$0x1FBC0]  }
0x39e: {  	v46 =	vld.idx.msk [tilespmem:v60+s17+$0x0], $0xffff  }
0x39f: {  	v8 =	vadd.f32 v52, v56;
	v52 =	vld [tilespmem:$0x1FAD0]  }
0x3a0: {  	v55 =	vld.idx.msk [tilespmem:v28+s17+$0x0], $0xffff  }
0x3a1: {  	v26 =	vmul.f32 v39, v36;
	v60 =	vmul.f32 v48, v44;
	v61 =	vld.idx.msk [tilespmem:v15+s17+$0x0], $0xffff  }
0x3a2: {  	v63 =	vld.idx.msk [tilespmem:v15+s19+$0x0], $0xffff;
	v36 =	vmul.f32 v51, v47;
	v19 =	vadd.f32 v57, v58;
	v57 =	vmul.f32 v45, v43  }
0x3a3: {  	v27 =	vld [tilespmem:$0x1FBB0];
	v0 =	vmul.f32 v11, v0;
	v20 =	vmul.f32 v21, v20  }
0x3a4: {  	v58 =	vld.idx.msk [tilespmem:v28+s19+$0x0], $0xffff;
	v2 =	vmul.f32 v34, v2;
	v7 =	vmul.f32 v54, v30  }
0x3a5: {  	v43 =	vld.idx.msk [tilespmem:v59+s17+$0x0], $0xffff;
	v14 =	vmul.f32 v35, v14;
	v24 =	vmul.f32 v38, v24  }
0x3a6: {  	v45 =	vld.idx.msk [tilespmem:v59+s19+$0x0], $0xffff;
	v21 =	vmul.f32 v37, v52;
	v54 =	vmul.f32 v13, v12  }
0x3a7: {  	v31 =	vmov v25;
	v25 =	vld.idx.msk [tilespmem:v62+s19+$0x0], $0xffff;
	v20 =	vmul.f32 v20, v30;
	v22 =	vmul.f32 v23, v22  }
0x3a8: {  	v33 =	vmul.f32 v40, v46;
	v34 =	vld.idx.msk [tilespmem:v42+s17+$0x0], $0xffff;
	v37 =	vmul.f32 v26, v27  }
0x3a9: {  	v38 =	vld.idx.msk [tilespmem:v42+s19+$0x0], $0xffff;
	v0 =	vmul.f32 v0, v29;
	v40 =	vmul.f32 v53, v49  }
0x3aa: {  	v17 =	vadd.f32 v17, v19;
	v11 =	vmul.f32 v63, v61;
	v49 =	vld [tilespmem:$0x1FB90];
	v52 =	vmul.f32 v36, v30  }
0x3ab: {  	v23 =	vld [tilespmem:$0x1FBD0];
	v59 =	vmul.f32 v41, v30;
	v7 =	vadd.f32 $0.0e+00, v7;
	v2 =	vmul.f32 v2, v29  }
0x3ac: {  	v56 =	vadd.f32 v18, v17;
	v42 =	vld.idx.msk [tilespmem:v31+s19+$0x0], $0xffff;
	v9 =	vmul.f32 v9, v29;
	v12 =	vmul.f32 v58, v55  }
0x3ad: {  	v17 =	vld.idx.msk [tilespmem:v32+s19+$0x0], $0xffff;
	v35 =	vmul.f32 v22, v30;
	v11 =	vmul.f32 v11, v30;
	v2 =	vadd.f32 v2, v7  }
0x3ae: {  	v55 =	vld [tilespmem:$0x1FB70];
	v28 =	vadd.f32 $0.0e+00, v20;
	v47 =	vmul.f32 v40, v27;
	v12 =	vmul.f32 v12, v29  }
0x3af: {  	v26 =	vld [tilespmem:$0x1FA40];
	v7 =	vmul.f32 v54, v29;
	v39 =	vadd.f32 $0.0e+00, v35;
	v2 =	vadd.f32 v16, v2  }
0x3b0: {  	v41 =	vld [tilespmem:$0x1FA20];
	v11 =	vadd.f32 $0.0e+00, v11;
	v44 =	vmul.f32 v38, v34;
	v46 =	vmul.f32 v14, v23  }
0x3b1: {  	v22 =	vld.idx.msk [tilespmem:v62+s17+$0x0], $0xffff;
	v48 =	vmul.f32 v42, v50;
	v2 =	vadd.f32 v10, v2;
	v10 =	vmul.f32 v33, v30  }
0x3b2: {  	v53 =	vmul.f32 v57, v23;
	v14 =	vadd.f32 $0.0e+00, v52;
	v18 =	vmul.f32 v44, v29;
	v50 =	vld.idx.msk [tilespmem:v49+s17+$0x0], $0xffff  }
0x3b3: {  	v57 =	vmul.f32 v21, v29;
	v7 =	vadd.f32 v7, v28;
	v51 =	vld.idx.msk [tilespmem:v49+s19+$0x0], $0xffff;
	v10 =	vadd.f32 $0.0e+00, v10  }
0x3b4: {  	(xrf2) =	vadd.scan.msk.f32 $0xffff, v8;
	v0 =	vadd.f32 v0, v39;
	v16 =	vmul.f32 v60, v27;
	v11 =	vadd.f32 v18, v11;
	v18 =	vld [tilespmem:$0x1FB20]  }
0x3b5: {  	(xrf2) =	vadd.scan.msk.f32 $0xffff, v56;
	v54 =	vmul.f32 v45, v43;
	v35 =	vld [tilespmem:$0x1FA30];
	v7 =	vadd.f32 v37, v7;
	v10 =	vadd.f32 v12, v10  }
0x3b6: {  	v8 =	vmul.f32 v48, v27;
	v60 =	vadd.f32 v57, v14;
	v0 =	vadd.f32 v16, v0;
	v56 =	vld.idx.msk [tilespmem:v55+s17+$0x0], $0xffff  }
0x3b7: {  	v61 =	vmul.f32 v24, v27;
	v58 =	vld.idx.msk [tilespmem:v55+s19+$0x0], $0xffff;
	v3 =	vadd.f32 v3, v7;
	v10 =	vadd.f32 v47, v10  }
0x3b8: {  	v34 =	vld [tilespmem:$0x1FAA0];
	v0 =	vadd.f32 v46, v0;
	(xrf2) =	vadd.scan.msk.f32 $0xffff, v2;
	v2 =	vmul.f32 v54, v23;
	v8 =	vadd.f32 v8, v11  }
0x3b9: {  	v13 =	vadd.f32 $0.0e+00, v59;
	v16 =	vld.idx.msk [tilespmem:v32+s17+$0x0], $0xffff;
	(xrf2) =	vadd.scan.msk.f32 $0xffff, v3;
	v63 =	vmul.f32 v51, v50;
	v10 =	vadd.f32 v53, v10  }
0x3ba: {  	v5 =	vmul.f32 v5, v30;
	v6 =	vmul.f32 v6, v27;
	v32 =	vld [tilespmem:$0x1FA50];
	(xrf2) =	vadd.scan.msk.f32 $0xffff, v0;
	v2 =	vadd.f32 v2, v8  }
0x3bb: {  	v9 =	vadd.f32 v9, v13;
	v39 =	vld [tilespmem:$0x1FA00];
	v3 =	vadd.f32 v61, v60;
	v0 =	vmul.f32 v63, v23;
	(xrf2) =	vadd.scan.msk.f32 $0xffff, v10  }
0x3bc: {  	v5 =	vadd.f32 $0.0e+00, v5;
	v14 =	vmul.f32 v26, v30;
	v7 =	vmul.f32 v58, v56;
	v19 =	vld.idx.msk [tilespmem:v18+s17+$0x0], $0xffff;
	(xrf2) =	vadd.scan.msk.f32 $0xffff, v2  }
0x3bd: {  	v4 =	vmul.f32 v4, v29;
	v21, _, _ =	vpop (xrf2);
	v6 =	vadd.f32 v6, v9;
	v20 =	vld.idx.msk [tilespmem:v18+s19+$0x0], $0xffff;
	v0 =	vadd.f32 v0, v3  }
0x3be: {  	v42 =	vld [tilespmem:$0x1F9E0];
	v24, _, _ =	vpop (xrf2);
	v14 =	vadd.f32 $0.0e+00, v14;
	v15 =	vmul.f32 v35, v29;
	v7 =	vmul.f32 v7, v23  }
0x3bf: {  	v4 =	vadd.f32 v4, v5;
	v45 =	vld [tilespmem:$0x1FAB0];
	v31, _, _ =	vpop (xrf2);
	v28 =	vmul.f32 v17, v16;
	v8 =	vmul.f32 v32, v27;
	(xrf2) =	vadd.scan.msk.f32 $0xffff, v0  }
0x3c0: {  	v33, _, _ =	vpop (xrf2);
	v38 =	vadd.f32 v15, v14;
	v12 =	vld.idx.msk [tilespmem:v34+s19+$0x0], $0xffff;
	v6 =	vadd.f32 v7, v6  }
0x3c1: {  	v15 =	vmul.f32 v41, v27;
	v37, _, _ =	vpop (xrf2);
	v4 =	vadd.f32 v8, v4;
	v5 =	vmul.f32 v28, v23  }
0x3c2: {  	v14 =	vmul.f32 v39, v30;
	v40, _, _ =	vpop (xrf2);
	(xrf2) =	vadd.scan.msk.f32 $0xffff, v6;
	v36 =	vmul.f32 v20, v19  }
0x3c3: {  	v11 =	vadd.f32 v15, v38;
	v4 =	vadd.f32 v5, v4;
	v5 =	vmul.f32 v42, v29;
	v43, _, _ =	vpop (xrf2)  }
0x3c4: {  	v14 =	vadd.f32 $0.0e+00, v14;
	v3 =	vmul.f32 v25, v22;
	v44, _, _ =	vpop (xrf2);
	v8 =	vmul.f32 v36, v23  }
0x3c5: {  	v12 =	vmul.f32 v12, v45;
	(xrf2) =	vadd.scan.msk.f32 $0xffff, v4;
	v46, _, _ =	vpop (xrf2)  }
0x3c6: {  	v5 =	vadd.f32 v5, v14;
	v3 =	vmul.f32 v3, v27;
	v8 =	vadd.f32 v8, v11;
	v47, _, _ =	vpop (xrf2)  }
0x3c7: {  	v4 =	vbroadcast v46, $0xF;
	v11 =	vbroadcast v47, $0xF  }
0x3c8: {  	v48 =	vmul.f32 v12, v23;
	v3 =	vadd.f32 v3, v5;
	v49 =	vbroadcast v44, $0xF;
	(xrf2) =	vadd.scan.msk.f32 $0xffff, v8  }
0x3c9: {  	v50 =	vbroadcast v43, $0xF;
	v51, _, _ =	vpop (xrf2);
	v4 =	vsel vm0, v4, v11  }
0x3ca: {  	v3 =	vadd.f32 v48, v3;
	v52 =	vbroadcast v51, $0xF;
	v4 =	vsel vm1, v4, v49  }
0x3cb: {  	v6 =	vbroadcast v40, $0xF;
	v4 =	vsel vm2, v4, v50  }
0x3cc: {  	v53 =	vbroadcast v37, $0xF;
	(xrf2) =	vadd.scan.msk.f32 $0xffff, v3;
	v54, _, _ =	vpop (xrf2);
	v4 =	vsel vm3, v4, v52  }
0x3cd: {  	v3 =	vbroadcast v54, $0xF;
	v4 =	vsel vm4, v4, v6  }
0x3ce: {  	v55 =	vbroadcast v33, $0xF;
	v4 =	vsel vm5, v4, v53  }
0x3cf: {  	v0 =	vbroadcast v31, $0xF;
	v56, _, _ =	vpop (xrf2);
	v3 =	vsel vm6, v4, v3  }
0x3d0: {  	v4 =	vbroadcast v56, $0xF;
	v3 =	vsel vm7, v3, v55  }
0x3d1: {  	v57 =	vbroadcast v24, $0xF;
	v0 =	vsel vm8, v3, v0  }
0x3d2: {  	s0 =	sadd.s32 $0x10, s0;
	v2 =	vbroadcast v21, $0xF;
	v58, _, _ =	vpop (xrf2);
	v0 =	vsel vm9, v0, v4  }
0x3d3: {  	v60 =	vld [tilespmem:s0+$0x0];
	v59 =	vbroadcast v58, $0xF;
	v0 =	vsel vm10, v0, v57  }
0x3d4: {  	v1 =	vbroadcast v1, $0xF;
	s24 =	sadd.s32 $0x10, s31;
	v0 =	vsel vm11, v0, v2  }
0x3d5: {  	v61 =	vld [tilespmem:s24+$0x0];
	v0 =	vsel vm12, v0, v59  }
0x3d6: {  	v62, _, _ =	vpop (xrf2);
	v0 =	vsel vm13, v0, v1  }
0x3d7: {  	v63 =	vld [tilespmem:$0x1F9A0];
	v0 =	vsel vm14, v0, v62  }
0x3d8: {  	v0 =	vadd.f32 v0, v60;
	_ =	sdelay $0x1  }
0x3d9: {  	v0 =	vadd.f32 v0, v61;
	_ =	sdelay $0x1  }
0x3da: {  	v0 =	vadd.f32 v0, v63;
	_ =	sdelay $0x1  }
0x3db: {  	v0 =	vsub.f32 $0.0e+00, v0;
	_ =	sdelay $0x1  }
0x3dc: {  	v0 =	vmul.f32 $1.442695020e+00, v0;
	_ =	sdelay $0x1  }
0x3dd: {  	(erf) = vpow2.f32 v0;
	_ =	sdelay $0x8  }
0x3de: {  	v0 =	vpop (erf)  }
0x3df: {  	v0 =	vadd.f32 $1.000000000e+00, v0;
	_ =	sdelay $0x1  }
0x3e0: {  	(erf) = vrcp.f32 v0;
	_ =	sdelay $0x7  }
0x3e1: {  	s30 =	sadd.s32 $0x1, s30  }
0x3e2: {  	s31 =	sadd.s32 $0x10, s13;
	p0 =	sne.s32 s30, s11;
	v0 =	vpop (erf)  }
.Ltmp1:
0x3e3: {  	[tilespmem:s31+$0x0] =	vst v0;
	(pc) =	sbr.rel @p0 .LBB2_1-.Ltmp1, $4  }
0x3e4: {  	[hbm4b:s10+s2] =	stream.linear.scatter [tilespmem:s28], [sflag:$0x2], $0x200, $0x38;
	[tilespmem:$0x10E90] =	vst v63  }
0x3e5: {  	_ =	swait.ge [sflag:s12], $0x200  }
0x3e6: {  	[sflag:s12] =	ssyncset.done $0x0  }
0x3e7: {  	v55 =	vlaneseq.u32;
	[sflag:s12] =	ssyncadd.s32 $0xFFFFFE00  }
0x3e8: {  	_ =	sfence.sel $0x180000  }
0x3e9: {  	[bflag:$0x0] =	sbarrier.arrive $0xFFFF  }
0x3ea: {  	_ =	strace $0x90000047  }
0x3eb: {  	s0 =	stileid.u32;
	[bflag:$0x2] =	sbarrier.arrive $0xFFFF  }
0x3ec: {  	p0 =	sne.s32 s0, $0x0;
	s0 =	rddreg [dreg:$0x2]  }
0x3ed: {  	s0 =	sadd.s32 @!p0 $0x100000, s0  }
0x3ee: {  	[sflag:s0] =	ssyncadd.tile.s32 @!p0 $0x1;
	_ =	shalt  }
.Lfunc_end2:
_tile_overlayer_lowered:
.L_overlay_start_2:
0x3ef: {  	(tag) =	ssettag $0x2  }
0x3f0: {  	s0 =	rddreg [dreg:$0x0];
	s2 =	stileid.u32  }
0x3f1: {  	s1 =	rddreg [dreg:$0x1];
	p0 =	sne.s32 s2, $0x0  }
0x3f2: {  	s3 =	rddreg [dreg:$0x2];
	[bflag:$0x3] =	sbarrier.arrive $0xFFFF;
	s2 =	simm.s32 @!p0 $0x1C02  }
0x3f3: {  	[timem:s3], [sflag:s2] =	dma.local @!p0 [hbm:s0], s1  }
0x3f4: {  	s0 =	simm.s32 @!p0 $0x2  }
0x3f5: {  	_ =	swait.ge @!p0 [sflag:s0], s1  }
0x3f6: {  	s1 =	ssub.s32 @!p0 $0x0, s1;
	[sflag:s0] =	ssyncset.done @!p0 $0x0  }
0x3f7: {  	[sflag:s0] =	ssyncadd.s32 @!p0 s1  }
0x3f8: {  	[bflag:$0x3] =	sbarrier.arrive $0xFFFF  }
0x3f9: {  	_ =	shalt  }

</sc_bundles>
